<compile_context>
chip_gen: v7x
topology: tpu7x:2x2x1
jax: 0.10.2.dev20260603
libtpu: 0.0.44.dev20260713+nightly
codegen_flags: <defaults>
</compile_context>

<pallas_src>
import jax
import jax.numpy as jnp
from jax.experimental import pallas as pl

_NS = 128
_R = 512


def _body(o_ref, d_ref, z_ref, w_ref, zall_ref, pts_ref):
    z = z_ref[...]
    w = w_ref[...]
    R = z.shape[0]

    wmid = w[:, 1:63] + 1e-5
    tri = (jax.lax.broadcasted_iota(jnp.int32, (62, 62), 0)
           <= jax.lax.broadcasted_iota(jnp.int32, (62, 62), 1)).astype(jnp.float32)
    csum = jnp.dot(wmid, tri, preferred_element_type=jnp.float32)
    cdf = csum / csum[:, 61:62]
    bins = 0.5 * (z[:, 1:] + z[:, :-1])

    zero = jnp.zeros((R, 1), jnp.float32)
    cfull = jnp.concatenate([zero, cdf], axis=1)
    cnext = jnp.concatenate([cdf, cdf[:, 61:62]], axis=1)
    bnext = jnp.concatenate([bins[:, 1:], bins[:, 62:63]], axis=1)

    slope = (bnext - bins) / jnp.maximum(cnext - cfull, 1e-30)

    _RC = 128
    jrev = jax.lax.broadcasted_iota(jnp.int32, (1, _NS), 1).astype(jnp.float32)
    u = jnp.broadcast_to((float(_NS - 1) - jrev) * (1.0 / (_NS - 1)), (_RC, _NS))
    chunks = []
    for rb in range(0, R, _RC):
        cf_c = cfull[rb:rb + _RC]
        sl_c = slope[rb:rb + _RC]
        acc = jnp.broadcast_to(bins[rb:rb + _RC, 0:1], (_RC, _NS))
        vprev = jnp.zeros((_RC, _NS), jnp.float32)
        for i in range(62):
            vnext = jnp.minimum(u, cf_c[:, i + 1:i + 2])
            acc = acc + sl_c[:, i:i + 1] * (vnext - vprev)
            vprev = vnext
        chunks.append(acc)
    samp_desc = jnp.concatenate(chunks, axis=0)

    big = jnp.full((R, 64), 3e38, jnp.float32)
    s = jnp.concatenate([z, big, samp_desc], axis=1)
    lane = jax.lax.broadcasted_iota(jnp.int32, (1, 256), 1)
    for stride in (128, 64, 32, 16, 8, 4, 2, 1):
        upper = (lane & stride) != 0
        fwd = jnp.concatenate([s[:, stride:], s[:, :stride]], axis=1)
        bwd = jnp.concatenate([s[:, 256 - stride:], s[:, :256 - stride]], axis=1)
        partner = jnp.where(upper, bwd, fwd)
        s = jnp.where(upper, jnp.maximum(s, partner), jnp.minimum(s, partner))
    zall = s[:, :192]
    zall_ref[...] = zall

    expand = (jax.lax.broadcasted_iota(jnp.int32, (192, 576), 1) // 3
              == jax.lax.broadcasted_iota(jnp.int32, (192, 576), 0)).astype(jnp.float32)
    zrep = jnp.dot(zall, expand, preferred_element_type=jnp.float32)
    mod3 = jax.lax.broadcasted_iota(jnp.int32, (1, 576), 1) % 3
    o = o_ref[...]
    d = d_ref[...]

    def rep3(a):
        a0 = jnp.broadcast_to(a[:, 0:1], (R, 576))
        a1 = jnp.broadcast_to(a[:, 1:2], (R, 576))
        a2 = jnp.broadcast_to(a[:, 2:3], (R, 576))
        return jnp.where(mod3 == 0, a0, jnp.where(mod3 == 1, a1, a2))

    pts_ref[...] = rep3(o) + rep3(d) * zrep


def kernel(rays_o, rays_d, z_vals, weights):
    N, Z = z_vals.shape
    R = _R
    zall, pts2d = pl.pallas_call(
        _body,
        grid=(N // R,),
        in_specs=[
            pl.BlockSpec((R, 3), lambda i: (i, 0)),
            pl.BlockSpec((R, 3), lambda i: (i, 0)),
            pl.BlockSpec((R, Z), lambda i: (i, 0)),
            pl.BlockSpec((R, Z), lambda i: (i, 0)),
        ],
        out_specs=[
            pl.BlockSpec((R, 192), lambda i: (i, 0)),
            pl.BlockSpec((R, 576), lambda i: (i, 0)),
        ],
        out_shape=[
            jax.ShapeDtypeStruct((N, 192), jnp.float32),
            jax.ShapeDtypeStruct((N, 576), jnp.float32),
        ],
    )(rays_o, rays_d, z_vals, weights)
    return (pts2d.reshape(N, 192, 3), zall)

# --- scband reference (transcript-rebuilt; emitter-appended) ---
"""Pipeline reference for scband-pdfsampler-90649579749983 (READ-ONLY COPY).

The authoritative reference and input builder live on the scoring server;
editing this copy changes nothing except your own understanding.
"""

import jax, jax.numpy as jnp
import numpy as np

N_SAMPLES = 128
PERTURB = 0.0


def setup_inputs(seed: int = 0) -> dict:
    key = jax.random.key(seed)
    k1, k2, k3, k4 = jax.random.split(key, 4)
    N, Z = 65536, 64
    rays_o = jax.random.normal(k1, (N, 3), dtype=jnp.float32)
    rays_d = jax.random.normal(k2, (N, 3), dtype=jnp.float32)
    # depths along each ray, sorted (near=2.0, far=8.0 as in standard NeRF)
    z_vals = jnp.sort(jax.random.uniform(k3, (N, Z), dtype=jnp.float32) * 6.0 + 2.0, axis=-1)
    weights = jax.random.uniform(k4, (N, Z), dtype=jnp.float32)
    return {"rays_o": rays_o, "rays_d": rays_d, "z_vals": z_vals, "weights": weights}


def _sample_pdf(bins, weights, n_samples, det):
    weights = weights + 1e-05
    pdf = weights / jnp.sum(weights, -1, keepdims=True)
    cdf = jnp.cumsum(pdf, -1)
    cdf = jnp.concatenate([jnp.zeros_like(cdf[..., :1]), cdf], -1)
    if det:
        u = jnp.linspace(0.0, 1.0, n_samples, dtype=cdf.dtype)
        u = jnp.broadcast_to(u, cdf.shape[:-1] + (n_samples,))
    else:
        u = jax.random.uniform(jax.random.key(1), cdf.shape[:-1] + (n_samples,), dtype=cdf.dtype)
    inds = jax.vmap(lambda c, uu: jnp.searchsorted(c, uu, side='right'))(cdf, u)
    below = jnp.maximum(jnp.zeros_like(inds - 1), inds - 1)
    above = jnp.minimum((cdf.shape[-1] - 1) * jnp.ones_like(inds), inds)
    inds_g = jnp.stack([below, above], -1)  # [N, n_samples, 2]
    matched = (inds_g.shape[0], inds_g.shape[1], cdf.shape[-1])
    cdf_exp = jnp.broadcast_to(cdf[:, None, :], matched)
    bins_exp = jnp.broadcast_to(bins[:, None, :], matched)
    cdf_g = jnp.take_along_axis(cdf_exp, inds_g, axis=2)
    bins_g = jnp.take_along_axis(bins_exp, inds_g, axis=2)
    denom = cdf_g[..., 1] - cdf_g[..., 0]
    denom = jnp.where(denom < 1e-05, jnp.ones_like(denom), denom)
    t = (u - cdf_g[..., 0]) / denom
    samples = bins_g[..., 0] + t * (bins_g[..., 1] - bins_g[..., 0])
    return samples


def reference(rays_o, rays_d, z_vals, weights):
    z_vals_mid = 0.5 * (z_vals[..., 1:] + z_vals[..., :-1])
    z_samples = _sample_pdf(z_vals_mid, weights[..., 1:-1], N_SAMPLES, det=(PERTURB == 0.0))
    z_samples = jax.lax.stop_gradient(z_samples)
    z_all = jnp.sort(jnp.concatenate([z_vals, z_samples], -1), -1)
    # einsum(rays_d, z_all, 'n d, n z -> n z d') + rays_o[:, None]
    pts = rays_o[:, None, :] + rays_d[:, None, :] * z_all[:, :, None]
    return (pts, z_all)

if __name__ == "__main__":
    import jax
    _d = setup_inputs()
    print(jax.jit(kernel)(*tuple(_d.values())))

</pallas_src>

<mosaic_0001>
module attributes {stable_mosaic.version = 14 : i64} {
  func.func @_body(%arg0: i32, %arg1: memref<512x3xf32, #tpu.memory_space<vmem>>, %arg2: memref<512x3xf32, #tpu.memory_space<vmem>>, %arg3: memref<512x64xf32, #tpu.memory_space<vmem>>, %arg4: memref<512x64xf32, #tpu.memory_space<vmem>>, %arg5: memref<512x192xf32, #tpu.memory_space<vmem>>, %arg6: memref<512x576xf32, #tpu.memory_space<vmem>>) attributes {dimension_semantics = [#tpu.dimension_semantics<arbitrary>], iteration_bounds = array<i64: 128>, scalar_prefetch = 0 : i64, scratch_operands = 0 : i64, tpu.core_type = #tpu.core_type<tc>, window_params = [{transform_indices = @transform_0, window_bounds = array<i64: 512, 3>}, {transform_indices = @transform_1, window_bounds = array<i64: 512, 3>}, {transform_indices = @transform_2, window_bounds = array<i64: 512, 64>}, {transform_indices = @transform_3, window_bounds = array<i64: 512, 64>}, {transform_indices = @transform_4, window_bounds = array<i64: 512, 192>}, {transform_indices = @transform_5, window_bounds = array<i64: 512, 576>}]} {
    %get3A = arith.constant 0 : index
    %get3A_0 = arith.constant 0 : index
    %get3A_1 = vector.load %arg3[%get3A, %get3A_0] : memref<512x64xf32, #tpu.memory_space<vmem>>, vector<512x64xf32>
    %get3A_2 = arith.constant 0 : index
    %get3A_3 = arith.constant 0 : index
    %get3A_4 = vector.load %arg4[%get3A_2, %get3A_3] : memref<512x64xf32, #tpu.memory_space<vmem>>, vector<512x64xf32>
    %slice3A = vector.extract_strided_slice %get3A_4 {offsets = [0, 1], sizes = [512, 62], strides = [1, 1]} : vector<512x64xf32> to vector<512x62xf32>
    %add3A = arith.constant 9.99999974E-6 : f32
    %add3A_5 = vector.broadcast %add3A : f32 to vector<512x62xf32>
    %add3A_6 = arith.addf %slice3A, %add3A_5 : vector<512x62xf32>
    %iota3A = tpu.iota {dimensions = array<i32: 0>} : vector<62x62xi32>
    %iota3A_7 = tpu.iota {dimensions = array<i32: 1>} : vector<62x62xi32>
    %le3A = arith.cmpi sle, %iota3A, %iota3A_7 : vector<62x62xi32>
    %convert_element_type3A = arith.extui %le3A : vector<62x62xi1> to vector<62x62xi32>
    %convert_element_type3A_8 = arith.sitofp %convert_element_type3A : vector<62x62xi32> to vector<62x62xf32>
    %dot_general3A = arith.constant dense<0.000000e+00> : vector<512x62xf32>
    %dot_general3A_9 = tpu.matmul %add3A_6, %convert_element_type3A_8, %dot_general3A {dimension_numbers = #tpu.dot_dimension_numbers<[1], [0], [0], [1], [0, 0, 1, 1], [], []>, transpose_lhs_hint = false} : vector<512x62xf32>, vector<62x62xf32>, vector<512x62xf32> -> vector<512x62xf32>
    %slice3A_10 = vector.extract_strided_slice %dot_general3A_9 {offsets = [0, 61], sizes = [512, 1], strides = [1, 1]} : vector<512x62xf32> to vector<512x1xf32>
    %div3A = vector.broadcast %slice3A_10 : vector<512x1xf32> to vector<512x62xf32>
    %div3A_11 = arith.divf %dot_general3A_9, %div3A : vector<512x62xf32>
    %slice3A_12 = vector.extract_strided_slice %get3A_1 {offsets = [0, 1], sizes = [512, 63], strides = [1, 1]} : vector<512x64xf32> to vector<512x63xf32>
    %slice3A_13 = vector.extract_strided_slice %get3A_1 {offsets = [0, 0], sizes = [512, 63], strides = [1, 1]} : vector<512x64xf32> to vector<512x63xf32>
    %add3A_14 = arith.addf %slice3A_12, %slice3A_13 : vector<512x63xf32>
    %mul3A = arith.constant 5.000000e-01 : f32
    %mul3A_15 = vector.broadcast %mul3A : f32 to vector<512x63xf32>
    %mul3A_16 = arith.mulf %mul3A_15, %add3A_14 : vector<512x63xf32>
    %broadcast_in_dim3A = arith.constant 0.000000e+00 : f32
    %broadcast_in_dim3A_17 = vector.broadcast %broadcast_in_dim3A : f32 to vector<512x1xf32>
    %concatenate3A = tpu.concatenate %broadcast_in_dim3A_17, %div3A_11 in 1 : vector<512x1xf32>, vector<512x62xf32> -> vector<512x63xf32>
    %slice3A_18 = vector.extract_strided_slice %div3A_11 {offsets = [0, 61], sizes = [512, 1], strides = [1, 1]} : vector<512x62xf32> to vector<512x1xf32>
    %concatenate3A_19 = tpu.concatenate %div3A_11, %slice3A_18 in 1 : vector<512x62xf32>, vector<512x1xf32> -> vector<512x63xf32>
    %slice3A_20 = vector.extract_strided_slice %mul3A_16 {offsets = [0, 1], sizes = [512, 62], strides = [1, 1]} : vector<512x63xf32> to vector<512x62xf32>
    %slice3A_21 = vector.extract_strided_slice %mul3A_16 {offsets = [0, 62], sizes = [512, 1], strides = [1, 1]} : vector<512x63xf32> to vector<512x1xf32>
    %concatenate3A_22 = tpu.concatenate %slice3A_20, %slice3A_21 in 1 : vector<512x62xf32>, vector<512x1xf32> -> vector<512x63xf32>
    %sub3A = arith.subf %concatenate3A_22, %mul3A_16 : vector<512x63xf32>
    %sub3A_23 = arith.subf %concatenate3A_19, %concatenate3A : vector<512x63xf32>
    %max3A = arith.constant 1.000000e-30 : f32
    %max3A_24 = vector.broadcast %max3A : f32 to vector<512x63xf32>
    %max3A_25 = arith.maximumf %sub3A_23, %max3A_24 : vector<512x63xf32>
    %div3A_26 = arith.divf %sub3A, %max3A_25 : vector<512x63xf32>
    %iota3A_27 = tpu.iota {dimensions = array<i32: 1>} : vector<1x128xi32>
    %convert_element_type3A_28 = arith.sitofp %iota3A_27 : vector<1x128xi32> to vector<1x128xf32>
    %sub3A_29 = arith.constant 1.270000e+02 : f32
    %sub3A_30 = vector.broadcast %sub3A_29 : f32 to vector<1x128xf32>
    %sub3A_31 = arith.subf %sub3A_30, %convert_element_type3A_28 : vector<1x128xf32>
    %mul3A_32 = arith.constant 0.00787401571 : f32
    %mul3A_33 = vector.broadcast %mul3A_32 : f32 to vector<1x128xf32>
    %mul3A_34 = arith.mulf %sub3A_31, %mul3A_33 : vector<1x128xf32>
    %broadcast_in_dim3A_35 = vector.shape_cast %mul3A_34 : vector<1x128xf32> to vector<1x128xf32>
    %broadcast_in_dim3A_36 = vector.broadcast %broadcast_in_dim3A_35 : vector<1x128xf32> to vector<128x128xf32>
    %slice3A_37 = vector.extract_strided_slice %concatenate3A {offsets = [0, 0], sizes = [128, 63], strides = [1, 1]} : vector<512x63xf32> to vector<128x63xf32>
    %slice3A_38 = vector.extract_strided_slice %div3A_26 {offsets = [0, 0], sizes = [128, 63], strides = [1, 1]} : vector<512x63xf32> to vector<128x63xf32>
    %slice3A_39 = vector.extract_strided_slice %mul3A_16 {offsets = [0, 0], sizes = [128, 1], strides = [1, 1]} : vector<512x63xf32> to vector<128x1xf32>
    %broadcast_in_dim3A_40 = vector.shape_cast %slice3A_39 : vector<128x1xf32> to vector<128x1xf32>
    %broadcast_in_dim3A_41 = vector.broadcast %broadcast_in_dim3A_40 : vector<128x1xf32> to vector<128x128xf32>
    %broadcast_in_dim3A_42 = arith.constant 0.000000e+00 : f32
    %broadcast_in_dim3A_43 = vector.broadcast %broadcast_in_dim3A_42 : f32 to vector<128x128xf32>
    %slice3A_44 = vector.extract_strided_slice %slice3A_37 {offsets = [0, 1], sizes = [128, 1], strides = [1, 1]} : vector<128x63xf32> to vector<128x1xf32>
    %min3A = vector.broadcast %slice3A_44 : vector<128x1xf32> to vector<128x128xf32>
    %min3A_45 = arith.minimumf %broadcast_in_dim3A_36, %min3A : vector<128x128xf32>
    %slice3A_46 = vector.extract_strided_slice %slice3A_38 {offsets = [0, 0], sizes = [128, 1], strides = [1, 1]} : vector<128x63xf32> to vector<128x1xf32>
    %sub3A_47 = arith.subf %min3A_45, %broadcast_in_dim3A_43 : vector<128x128xf32>
    %mul3A_48 = vector.broadcast %slice3A_46 : vector<128x1xf32> to vector<128x128xf32>
    %mul3A_49 = arith.mulf %mul3A_48, %sub3A_47 : vector<128x128xf32>
    %add3A_50 = arith.addf %broadcast_in_dim3A_41, %mul3A_49 : vector<128x128xf32>
    %slice3A_51 = vector.extract_strided_slice %slice3A_37 {offsets = [0, 2], sizes = [128, 1], strides = [1, 1]} : vector<128x63xf32> to vector<128x1xf32>
    %min3A_52 = vector.broadcast %slice3A_51 : vector<128x1xf32> to vector<128x128xf32>
    %min3A_53 = arith.minimumf %broadcast_in_dim3A_36, %min3A_52 : vector<128x128xf32>
    %slice3A_54 = vector.extract_strided_slice %slice3A_38 {offsets = [0, 1], sizes = [128, 1], strides = [1, 1]} : vector<128x63xf32> to vector<128x1xf32>
    %sub3A_55 = arith.subf %min3A_53, %min3A_45 : vector<128x128xf32>
    %mul3A_56 = vector.broadcast %slice3A_54 : vector<128x1xf32> to vector<128x128xf32>
    %mul3A_57 = arith.mulf %mul3A_56, %sub3A_55 : vector<128x128xf32>
    %add3A_58 = arith.addf %add3A_50, %mul3A_57 : vector<128x128xf32>
    %slice3A_59 = vector.extract_strided_slice %slice3A_37 {offsets = [0, 3], sizes = [128, 1], strides = [1, 1]} : vector<128x63xf32> to vector<128x1xf32>
    %min3A_60 = vector.broadcast %slice3A_59 : vector<128x1xf32> to vector<128x128xf32>
    %min3A_61 = arith.minimumf %broadcast_in_dim3A_36, %min3A_60 : vector<128x128xf32>
    %slice3A_62 = vector.extract_strided_slice %slice3A_38 {offsets = [0, 2], sizes = [128, 1], strides = [1, 1]} : vector<128x63xf32> to vector<128x1xf32>
    %sub3A_63 = arith.subf %min3A_61, %min3A_53 : vector<128x128xf32>
    %mul3A_64 = vector.broadcast %slice3A_62 : vector<128x1xf32> to vector<128x128xf32>
    %mul3A_65 = arith.mulf %mul3A_64, %sub3A_63 : vector<128x128xf32>
    %add3A_66 = arith.addf %add3A_58, %mul3A_65 : vector<128x128xf32>
    %slice3A_67 = vector.extract_strided_slice %slice3A_37 {offsets = [0, 4], sizes = [128, 1], strides = [1, 1]} : vector<128x63xf32> to vector<128x1xf32>
    %min3A_68 = vector.broadcast %slice3A_67 : vector<128x1xf32> to vector<128x128xf32>
    %min3A_69 = arith.minimumf %broadcast_in_dim3A_36, %min3A_68 : vector<128x128xf32>
    %slice3A_70 = vector.extract_strided_slice %slice3A_38 {offsets = [0, 3], sizes = [128, 1], strides = [1, 1]} : vector<128x63xf32> to vector<128x1xf32>
    %sub3A_71 = arith.subf %min3A_69, %min3A_61 : vector<128x128xf32>
    %mul3A_72 = vector.broadcast %slice3A_70 : vector<128x1xf32> to vector<128x128xf32>
    %mul3A_73 = arith.mulf %mul3A_72, %sub3A_71 : vector<128x128xf32>
    %add3A_74 = arith.addf %add3A_66, %mul3A_73 : vector<128x128xf32>
    %slice3A_75 = vector.extract_strided_slice %slice3A_37 {offsets = [0, 5], sizes = [128, 1], strides = [1, 1]} : vector<128x63xf32> to vector<128x1xf32>
    %min3A_76 = vector.broadcast %slice3A_75 : vector<128x1xf32> to vector<128x128xf32>
    %min3A_77 = arith.minimumf %broadcast_in_dim3A_36, %min3A_76 : vector<128x128xf32>
    %slice3A_78 = vector.extract_strided_slice %slice3A_38 {offsets = [0, 4], sizes = [128, 1], strides = [1, 1]} : vector<128x63xf32> to vector<128x1xf32>
    %sub3A_79 = arith.subf %min3A_77, %min3A_69 : vector<128x128xf32>
    %mul3A_80 = vector.broadcast %slice3A_78 : vector<128x1xf32> to vector<128x128xf32>
    %mul3A_81 = arith.mulf %mul3A_80, %sub3A_79 : vector<128x128xf32>
    %add3A_82 = arith.addf %add3A_74, %mul3A_81 : vector<128x128xf32>
    %slice3A_83 = vector.extract_strided_slice %slice3A_37 {offsets = [0, 6], sizes = [128, 1], strides = [1, 1]} : vector<128x63xf32> to vector<128x1xf32>
    %min3A_84 = vector.broadcast %slice3A_83 : vector<128x1xf32> to vector<128x128xf32>
    %min3A_85 = arith.minimumf %broadcast_in_dim3A_36, %min3A_84 : vector<128x128xf32>
    %slice3A_86 = vector.extract_strided_slice %slice3A_38 {offsets = [0, 5], sizes = [128, 1], strides = [1, 1]} : vector<128x63xf32> to vector<128x1xf32>
    %sub3A_87 = arith.subf %min3A_85, %min3A_77 : vector<128x128xf32>
    %mul3A_88 = vector.broadcast %slice3A_86 : vector<128x1xf32> to vector<128x128xf32>
    %mul3A_89 = arith.mulf %mul3A_88, %sub3A_87 : vector<128x128xf32>
    %add3A_90 = arith.addf %add3A_82, %mul3A_89 : vector<128x128xf32>
    %slice3A_91 = vector.extract_strided_slice %slice3A_37 {offsets = [0, 7], sizes = [128, 1], strides = [1, 1]} : vector<128x63xf32> to vector<128x1xf32>
    %min3A_92 = vector.broadcast %slice3A_91 : vector<128x1xf32> to vector<128x128xf32>
    %min3A_93 = arith.minimumf %broadcast_in_dim3A_36, %min3A_92 : vector<128x128xf32>
    %slice3A_94 = vector.extract_strided_slice %slice3A_38 {offsets = [0, 6], sizes = [128, 1], strides = [1, 1]} : vector<128x63xf32> to vector<128x1xf32>
    %sub3A_95 = arith.subf %min3A_93, %min3A_85 : vector<128x128xf32>
    %mul3A_96 = vector.broadcast %slice3A_94 : vector<128x1xf32> to vector<128x128xf32>
    %mul3A_97 = arith.mulf %mul3A_96, %sub3A_95 : vector<128x128xf32>
    %add3A_98 = arith.addf %add3A_90, %mul3A_97 : vector<128x128xf32>
    %slice3A_99 = vector.extract_strided_slice %slice3A_37 {offsets = [0, 8], sizes = [128, 1], strides = [1, 1]} : vector<128x63xf32> to vector<128x1xf32>
    %min3A_100 = vector.broadcast %slice3A_99 : vector<128x1xf32> to vector<128x128xf32>
    %min3A_101 = arith.minimumf %broadcast_in_dim3A_36, %min3A_100 : vector<128x128xf32>
    %slice3A_102 = vector.extract_strided_slice %slice3A_38 {offsets = [0, 7], sizes = [128, 1], strides = [1, 1]} : vector<128x63xf32> to vector<128x1xf32>
    %sub3A_103 = arith.subf %min3A_101, %min3A_93 : vector<128x128xf32>
    %mul3A_104 = vector.broadcast %slice3A_102 : vector<128x1xf32> to vector<128x128xf32>
    %mul3A_105 = arith.mulf %mul3A_104, %sub3A_103 : vector<128x128xf32>
    %add3A_106 = arith.addf %add3A_98, %mul3A_105 : vector<128x128xf32>
    %slice3A_107 = vector.extract_strided_slice %slice3A_37 {offsets = [0, 9], sizes = [128, 1], strides = [1, 1]} : vector<128x63xf32> to vector<128x1xf32>
    %min3A_108 = vector.broadcast %slice3A_107 : vector<128x1xf32> to vector<128x128xf32>
    %min3A_109 = arith.minimumf %broadcast_in_dim3A_36, %min3A_108 : vector<128x128xf32>
    %slice3A_110 = vector.extract_strided_slice %slice3A_38 {offsets = [0, 8], sizes = [128, 1], strides = [1, 1]} : vector<128x63xf32> to vector<128x1xf32>
    %sub3A_111 = arith.subf %min3A_109, %min3A_101 : vector<128x128xf32>
    %mul3A_112 = vector.broadcast %slice3A_110 : vector<128x1xf32> to vector<128x128xf32>
    %mul3A_113 = arith.mulf %mul3A_112, %sub3A_111 : vector<128x128xf32>
    %add3A_114 = arith.addf %add3A_106, %mul3A_113 : vector<128x128xf32>
    %slice3A_115 = vector.extract_strided_slice %slice3A_37 {offsets = [0, 10], sizes = [128, 1], strides = [1, 1]} : vector<128x63xf32> to vector<128x1xf32>
    %min3A_116 = vector.broadcast %slice3A_115 : vector<128x1xf32> to vector<128x128xf32>
    %min3A_117 = arith.minimumf %broadcast_in_dim3A_36, %min3A_116 : vector<128x128xf32>
    %slice3A_118 = vector.extract_strided_slice %slice3A_38 {offsets = [0, 9], sizes = [128, 1], strides = [1, 1]} : vector<128x63xf32> to vector<128x1xf32>
    %sub3A_119 = arith.subf %min3A_117, %min3A_109 : vector<128x128xf32>
    %mul3A_120 = vector.broadcast %slice3A_118 : vector<128x1xf32> to vector<128x128xf32>
    %mul3A_121 = arith.mulf %mul3A_120, %sub3A_119 : vector<128x128xf32>
    %add3A_122 = arith.addf %add3A_114, %mul3A_121 : vector<128x128xf32>
    %slice3A_123 = vector.extract_strided_slice %slice3A_37 {offsets = [0, 11], sizes = [128, 1], strides = [1, 1]} : vector<128x63xf32> to vector<128x1xf32>
    %min3A_124 = vector.broadcast %slice3A_123 : vector<128x1xf32> to vector<128x128xf32>
    %min3A_125 = arith.minimumf %broadcast_in_dim3A_36, %min3A_124 : vector<128x128xf32>
    %slice3A_126 = vector.extract_strided_slice %slice3A_38 {offsets = [0, 10], sizes = [128, 1], strides = [1, 1]} : vector<128x63xf32> to vector<128x1xf32>
    %sub3A_127 = arith.subf %min3A_125, %min3A_117 : vector<128x128xf32>
    %mul3A_128 = vector.broadcast %slice3A_126 : vector<128x1xf32> to vector<128x128xf32>
    %mul3A_129 = arith.mulf %mul3A_128, %sub3A_127 : vector<128x128xf32>
    %add3A_130 = arith.addf %add3A_122, %mul3A_129 : vector<128x128xf32>
    %slice3A_131 = vector.extract_strided_slice %slice3A_37 {offsets = [0, 12], sizes = [128, 1], strides = [1, 1]} : vector<128x63xf32> to vector<128x1xf32>
    %min3A_132 = vector.broadcast %slice3A_131 : vector<128x1xf32> to vector<128x128xf32>
    %min3A_133 = arith.minimumf %broadcast_in_dim3A_36, %min3A_132 : vector<128x128xf32>
    %slice3A_134 = vector.extract_strided_slice %slice3A_38 {offsets = [0, 11], sizes = [128, 1], strides = [1, 1]} : vector<128x63xf32> to vector<128x1xf32>
    %sub3A_135 = arith.subf %min3A_133, %min3A_125 : vector<128x128xf32>
    %mul3A_136 = vector.broadcast %slice3A_134 : vector<128x1xf32> to vector<128x128xf32>
    %mul3A_137 = arith.mulf %mul3A_136, %sub3A_135 : vector<128x128xf32>
    %add3A_138 = arith.addf %add3A_130, %mul3A_137 : vector<128x128xf32>
    %slice3A_139 = vector.extract_strided_slice %slice3A_37 {offsets = [0, 13], sizes = [128, 1], strides = [1, 1]} : vector<128x63xf32> to vector<128x1xf32>
    %min3A_140 = vector.broadcast %slice3A_139 : vector<128x1xf32> to vector<128x128xf32>
    %min3A_141 = arith.minimumf %broadcast_in_dim3A_36, %min3A_140 : vector<128x128xf32>
    %slice3A_142 = vector.extract_strided_slice %slice3A_38 {offsets = [0, 12], sizes = [128, 1], strides = [1, 1]} : vector<128x63xf32> to vector<128x1xf32>
    %sub3A_143 = arith.subf %min3A_141, %min3A_133 : vector<128x128xf32>
    %mul3A_144 = vector.broadcast %slice3A_142 : vector<128x1xf32> to vector<128x128xf32>
    %mul3A_145 = arith.mulf %mul3A_144, %sub3A_143 : vector<128x128xf32>
    %add3A_146 = arith.addf %add3A_138, %mul3A_145 : vector<128x128xf32>
    %slice3A_147 = vector.extract_strided_slice %slice3A_37 {offsets = [0, 14], sizes = [128, 1], strides = [1, 1]} : vector<128x63xf32> to vector<128x1xf32>
    %min3A_148 = vector.broadcast %slice3A_147 : vector<128x1xf32> to vector<128x128xf32>
    %min3A_149 = arith.minimumf %broadcast_in_dim3A_36, %min3A_148 : vector<128x128xf32>
    %slice3A_150 = vector.extract_strided_slice %slice3A_38 {offsets = [0, 13], sizes = [128, 1], strides = [1, 1]} : vector<128x63xf32> to vector<128x1xf32>
    %sub3A_151 = arith.subf %min3A_149, %min3A_141 : vector<128x128xf32>
    %mul3A_152 = vector.broadcast %slice3A_150 : vector<128x1xf32> to vector<128x128xf32>
    %mul3A_153 = arith.mulf %mul3A_152, %sub3A_151 : vector<128x128xf32>
    %add3A_154 = arith.addf %add3A_146, %mul3A_153 : vector<128x128xf32>
    %slice3A_155 = vector.extract_strided_slice %slice3A_37 {offsets = [0, 15], sizes = [128, 1], strides = [1, 1]} : vector<128x63xf32> to vector<128x1xf32>
    %min3A_156 = vector.broadcast %slice3A_155 : vector<128x1xf32> to vector<128x128xf32>
    %min3A_157 = arith.minimumf %broadcast_in_dim3A_36, %min3A_156 : vector<128x128xf32>
    %slice3A_158 = vector.extract_strided_slice %slice3A_38 {offsets = [0, 14], sizes = [128, 1], strides = [1, 1]} : vector<128x63xf32> to vector<128x1xf32>
    %sub3A_159 = arith.subf %min3A_157, %min3A_149 : vector<128x128xf32>
    %mul3A_160 = vector.broadcast %slice3A_158 : vector<128x1xf32> to vector<128x128xf32>
    %mul3A_161 = arith.mulf %mul3A_160, %sub3A_159 : vector<128x128xf32>
    %add3A_162 = arith.addf %add3A_154, %mul3A_161 : vector<128x128xf32>
    %slice3A_163 = vector.extract_strided_slice %slice3A_37 {offsets = [0, 16], sizes = [128, 1], strides = [1, 1]} : vector<128x63xf32> to vector<128x1xf32>
    %min3A_164 = vector.broadcast %slice3A_163 : vector<128x1xf32> to vector<128x128xf32>
    %min3A_165 = arith.minimumf %broadcast_in_dim3A_36, %min3A_164 : vector<128x128xf32>
    %slice3A_166 = vector.extract_strided_slice %slice3A_38 {offsets = [0, 15], sizes = [128, 1], strides = [1, 1]} : vector<128x63xf32> to vector<128x1xf32>
    %sub3A_167 = arith.subf %min3A_165, %min3A_157 : vector<128x128xf32>
    %mul3A_168 = vector.broadcast %slice3A_166 : vector<128x1xf32> to vector<128x128xf32>
    %mul3A_169 = arith.mulf %mul3A_168, %sub3A_167 : vector<128x128xf32>
    %add3A_170 = arith.addf %add3A_162, %mul3A_169 : vector<128x128xf32>
    %slice3A_171 = vector.extract_strided_slice %slice3A_37 {offsets = [0, 17], sizes = [128, 1], strides = [1, 1]} : vector<128x63xf32> to vector<128x1xf32>
    %min3A_172 = vector.broadcast %slice3A_171 : vector<128x1xf32> to vector<128x128xf32>
    %min3A_173 = arith.minimumf %broadcast_in_dim3A_36, %min3A_172 : vector<128x128xf32>
    %slice3A_174 = vector.extract_strided_slice %slice3A_38 {offsets = [0, 16], sizes = [128, 1], strides = [1, 1]} : vector<128x63xf32> to vector<128x1xf32>
    %sub3A_175 = arith.subf %min3A_173, %min3A_165 : vector<128x128xf32>
    %mul3A_176 = vector.broadcast %slice3A_174 : vector<128x1xf32> to vector<128x128xf32>
    %mul3A_177 = arith.mulf %mul3A_176, %sub3A_175 : vector<128x128xf32>
    %add3A_178 = arith.addf %add3A_170, %mul3A_177 : vector<128x128xf32>
    %slice3A_179 = vector.extract_strided_slice %slice3A_37 {offsets = [0, 18], sizes = [128, 1], strides = [1, 1]} : vector<128x63xf32> to vector<128x1xf32>
    %min3A_180 = vector.broadcast %slice3A_179 : vector<128x1xf32> to vector<128x128xf32>
    %min3A_181 = arith.minimumf %broadcast_in_dim3A_36, %min3A_180 : vector<128x128xf32>
    %slice3A_182 = vector.extract_strided_slice %slice3A_38 {offsets = [0, 17], sizes = [128, 1], strides = [1, 1]} : vector<128x63xf32> to vector<128x1xf32>
    %sub3A_183 = arith.subf %min3A_181, %min3A_173 : vector<128x128xf32>
    %mul3A_184 = vector.broadcast %slice3A_182 : vector<128x1xf32> to vector<128x128xf32>
    %mul3A_185 = arith.mulf %mul3A_184, %sub3A_183 : vector<128x128xf32>
    %add3A_186 = arith.addf %add3A_178, %mul3A_185 : vector<128x128xf32>
    %slice3A_187 = vector.extract_strided_slice %slice3A_37 {offsets = [0, 19], sizes = [128, 1], strides = [1, 1]} : vector<128x63xf32> to vector<128x1xf32>
    %min3A_188 = vector.broadcast %slice3A_187 : vector<128x1xf32> to vector<128x128xf32>
    %min3A_189 = arith.minimumf %broadcast_in_dim3A_36, %min3A_188 : vector<128x128xf32>
    %slice3A_190 = vector.extract_strided_slice %slice3A_38 {offsets = [0, 18], sizes = [128, 1], strides = [1, 1]} : vector<128x63xf32> to vector<128x1xf32>
    %sub3A_191 = arith.subf %min3A_189, %min3A_181 : vector<128x128xf32>
    %mul3A_192 = vector.broadcast %slice3A_190 : vector<128x1xf32> to vector<128x128xf32>
    %mul3A_193 = arith.mulf %mul3A_192, %sub3A_191 : vector<128x128xf32>
    %add3A_194 = arith.addf %add3A_186, %mul3A_193 : vector<128x128xf32>
    %slice3A_195 = vector.extract_strided_slice %slice3A_37 {offsets = [0, 20], sizes = [128, 1], strides = [1, 1]} : vector<128x63xf32> to vector<128x1xf32>
    %min3A_196 = vector.broadcast %slice3A_195 : vector<128x1xf32> to vector<128x128xf32>
    %min3A_197 = arith.minimumf %broadcast_in_dim3A_36, %min3A_196 : vector<128x128xf32>
    %slice3A_198 = vector.extract_strided_slice %slice3A_38 {offsets = [0, 19], sizes = [128, 1], strides = [1, 1]} : vector<128x63xf32> to vector<128x1xf32>
    %sub3A_199 = arith.subf %min3A_197, %min3A_189 : vector<128x128xf32>
    %mul3A_200 = vector.broadcast %slice3A_198 : vector<128x1xf32> to vector<128x128xf32>
    %mul3A_201 = arith.mulf %mul3A_200, %sub3A_199 : vector<128x128xf32>
    %add3A_202 = arith.addf %add3A_194, %mul3A_201 : vector<128x128xf32>
    %slice3A_203 = vector.extract_strided_slice %slice3A_37 {offsets = [0, 21], sizes = [128, 1], strides = [1, 1]} : vector<128x63xf32> to vector<128x1xf32>
    %min3A_204 = vector.broadcast %slice3A_203 : vector<128x1xf32> to vector<128x128xf32>
    %min3A_205 = arith.minimumf %broadcast_in_dim3A_36, %min3A_204 : vector<128x128xf32>
    %slice3A_206 = vector.extract_strided_slice %slice3A_38 {offsets = [0, 20], sizes = [128, 1], strides = [1, 1]} : vector<128x63xf32> to vector<128x1xf32>
    %sub3A_207 = arith.subf %min3A_205, %min3A_197 : vector<128x128xf32>
    %mul3A_208 = vector.broadcast %slice3A_206 : vector<128x1xf32> to vector<128x128xf32>
    %mul3A_209 = arith.mulf %mul3A_208, %sub3A_207 : vector<128x128xf32>
    %add3A_210 = arith.addf %add3A_202, %mul3A_209 : vector<128x128xf32>
    %slice3A_211 = vector.extract_strided_slice %slice3A_37 {offsets = [0, 22], sizes = [128, 1], strides = [1, 1]} : vector<128x63xf32> to vector<128x1xf32>
    %min3A_212 = vector.broadcast %slice3A_211 : vector<128x1xf32> to vector<128x128xf32>
    %min3A_213 = arith.minimumf %broadcast_in_dim3A_36, %min3A_212 : vector<128x128xf32>
    %slice3A_214 = vector.extract_strided_slice %slice3A_38 {offsets = [0, 21], sizes = [128, 1], strides = [1, 1]} : vector<128x63xf32> to vector<128x1xf32>
    %sub3A_215 = arith.subf %min3A_213, %min3A_205 : vector<128x128xf32>
    %mul3A_216 = vector.broadcast %slice3A_214 : vector<128x1xf32> to vector<128x128xf32>
    %mul3A_217 = arith.mulf %mul3A_216, %sub3A_215 : vector<128x128xf32>
    %add3A_218 = arith.addf %add3A_210, %mul3A_217 : vector<128x128xf32>
    %slice3A_219 = vector.extract_strided_slice %slice3A_37 {offsets = [0, 23], sizes = [128, 1], strides = [1, 1]} : vector<128x63xf32> to vector<128x1xf32>
    %min3A_220 = vector.broadcast %slice3A_219 : vector<128x1xf32> to vector<128x128xf32>
    %min3A_221 = arith.minimumf %broadcast_in_dim3A_36, %min3A_220 : vector<128x128xf32>
    %slice3A_222 = vector.extract_strided_slice %slice3A_38 {offsets = [0, 22], sizes = [128, 1], strides = [1, 1]} : vector<128x63xf32> to vector<128x1xf32>
    %sub3A_223 = arith.subf %min3A_221, %min3A_213 : vector<128x128xf32>
    %mul3A_224 = vector.broadcast %slice3A_222 : vector<128x1xf32> to vector<128x128xf32>
    %mul3A_225 = arith.mulf %mul3A_224, %sub3A_223 : vector<128x128xf32>
    %add3A_226 = arith.addf %add3A_218, %mul3A_225 : vector<128x128xf32>
    %slice3A_227 = vector.extract_strided_slice %slice3A_37 {offsets = [0, 24], sizes = [128, 1], strides = [1, 1]} : vector<128x63xf32> to vector<128x1xf32>
    %min3A_228 = vector.broadcast %slice3A_227 : vector<128x1xf32> to vector<128x128xf32>
    %min3A_229 = arith.minimumf %broadcast_in_dim3A_36, %min3A_228 : vector<128x128xf32>
    %slice3A_230 = vector.extract_strided_slice %slice3A_38 {offsets = [0, 23], sizes = [128, 1], strides = [1, 1]} : vector<128x63xf32> to vector<128x1xf32>
    %sub3A_231 = arith.subf %min3A_229, %min3A_221 : vector<128x128xf32>
    %mul3A_232 = vector.broadcast %slice3A_230 : vector<128x1xf32> to vector<128x128xf32>
    %mul3A_233 = arith.mulf %mul3A_232, %sub3A_231 : vector<128x128xf32>
    %add3A_234 = arith.addf %add3A_226, %mul3A_233 : vector<128x128xf32>
    %slice3A_235 = vector.extract_strided_slice %slice3A_37 {offsets = [0, 25], sizes = [128, 1], strides = [1, 1]} : vector<128x63xf32> to vector<128x1xf32>
    %min3A_236 = vector.broadcast %slice3A_235 : vector<128x1xf32> to vector<128x128xf32>
    %min3A_237 = arith.minimumf %broadcast_in_dim3A_36, %min3A_236 : vector<128x128xf32>
    %slice3A_238 = vector.extract_strided_slice %slice3A_38 {offsets = [0, 24], sizes = [128, 1], strides = [1, 1]} : vector<128x63xf32> to vector<128x1xf32>
    %sub3A_239 = arith.subf %min3A_237, %min3A_229 : vector<128x128xf32>
    %mul3A_240 = vector.broadcast %slice3A_238 : vector<128x1xf32> to vector<128x128xf32>
    %mul3A_241 = arith.mulf %mul3A_240, %sub3A_239 : vector<128x128xf32>
    %add3A_242 = arith.addf %add3A_234, %mul3A_241 : vector<128x128xf32>
    %slice3A_243 = vector.extract_strided_slice %slice3A_37 {offsets = [0, 26], sizes = [128, 1], strides = [1, 1]} : vector<128x63xf32> to vector<128x1xf32>
    %min3A_244 = vector.broadcast %slice3A_243 : vector<128x1xf32> to vector<128x128xf32>
    %min3A_245 = arith.minimumf %broadcast_in_dim3A_36, %min3A_244 : vector<128x128xf32>
    %slice3A_246 = vector.extract_strided_slice %slice3A_38 {offsets = [0, 25], sizes = [128, 1], strides = [1, 1]} : vector<128x63xf32> to vector<128x1xf32>
    %sub3A_247 = arith.subf %min3A_245, %min3A_237 : vector<128x128xf32>
    %mul3A_248 = vector.broadcast %slice3A_246 : vector<128x1xf32> to vector<128x128xf32>
    %mul3A_249 = arith.mulf %mul3A_248, %sub3A_247 : vector<128x128xf32>
    %add3A_250 = arith.addf %add3A_242, %mul3A_249 : vector<128x128xf32>
    %slice3A_251 = vector.extract_strided_slice %slice3A_37 {offsets = [0, 27], sizes = [128, 1], strides = [1, 1]} : vector<128x63xf32> to vector<128x1xf32>
    %min3A_252 = vector.broadcast %slice3A_251 : vector<128x1xf32> to vector<128x128xf32>
    %min3A_253 = arith.minimumf %broadcast_in_dim3A_36, %min3A_252 : vector<128x128xf32>
    %slice3A_254 = vector.extract_strided_slice %slice3A_38 {offsets = [0, 26], sizes = [128, 1], strides = [1, 1]} : vector<128x63xf32> to vector<128x1xf32>
    %sub3A_255 = arith.subf %min3A_253, %min3A_245 : vector<128x128xf32>
    %mul3A_256 = vector.broadcast %slice3A_254 : vector<128x1xf32> to vector<128x128xf32>
    %mul3A_257 = arith.mulf %mul3A_256, %sub3A_255 : vector<128x128xf32>
    %add3A_258 = arith.addf %add3A_250, %mul3A_257 : vector<128x128xf32>
    %slice3A_259 = vector.extract_strided_slice %slice3A_37 {offsets = [0, 28], sizes = [128, 1], strides = [1, 1]} : vector<128x63xf32> to vector<128x1xf32>
    %min3A_260 = vector.broadcast %slice3A_259 : vector<128x1xf32> to vector<128x128xf32>
    %min3A_261 = arith.minimumf %broadcast_in_dim3A_36, %min3A_260 : vector<128x128xf32>
    %slice3A_262 = vector.extract_strided_slice %slice3A_38 {offsets = [0, 27], sizes = [128, 1], strides = [1, 1]} : vector<128x63xf32> to vector<128x1xf32>
    %sub3A_263 = arith.subf %min3A_261, %min3A_253 : vector<128x128xf32>
    %mul3A_264 = vector.broadcast %slice3A_262 : vector<128x1xf32> to vector<128x128xf32>
    %mul3A_265 = arith.mulf %mul3A_264, %sub3A_263 : vector<128x128xf32>
    %add3A_266 = arith.addf %add3A_258, %mul3A_265 : vector<128x128xf32>
    %slice3A_267 = vector.extract_strided_slice %slice3A_37 {offsets = [0, 29], sizes = [128, 1], strides = [1, 1]} : vector<128x63xf32> to vector<128x1xf32>
    %min3A_268 = vector.broadcast %slice3A_267 : vector<128x1xf32> to vector<128x128xf32>
    %min3A_269 = arith.minimumf %broadcast_in_dim3A_36, %min3A_268 : vector<128x128xf32>
    %slice3A_270 = vector.extract_strided_slice %slice3A_38 {offsets = [0, 28], sizes = [128, 1], strides = [1, 1]} : vector<128x63xf32> to vector<128x1xf32>
    %sub3A_271 = arith.subf %min3A_269, %min3A_261 : vector<128x128xf32>
    %mul3A_272 = vector.broadcast %slice3A_270 : vector<128x1xf32> to vector<128x128xf32>
    %mul3A_273 = arith.mulf %mul3A_272, %sub3A_271 : vector<128x128xf32>
    %add3A_274 = arith.addf %add3A_266, %mul3A_273 : vector<128x128xf32>
    %slice3A_275 = vector.extract_strided_slice %slice3A_37 {offsets = [0, 30], sizes = [128, 1], strides = [1, 1]} : vector<128x63xf32> to vector<128x1xf32>
    %min3A_276 = vector.broadcast %slice3A_275 : vector<128x1xf32> to vector<128x128xf32>
    %min3A_277 = arith.minimumf %broadcast_in_dim3A_36, %min3A_276 : vector<128x128xf32>
    %slice3A_278 = vector.extract_strided_slice %slice3A_38 {offsets = [0, 29], sizes = [128, 1], strides = [1, 1]} : vector<128x63xf32> to vector<128x1xf32>
    %sub3A_279 = arith.subf %min3A_277, %min3A_269 : vector<128x128xf32>
    %mul3A_280 = vector.broadcast %slice3A_278 : vector<128x1xf32> to vector<128x128xf32>
    %mul3A_281 = arith.mulf %mul3A_280, %sub3A_279 : vector<128x128xf32>
    %add3A_282 = arith.addf %add3A_274, %mul3A_281 : vector<128x128xf32>
    %slice3A_283 = vector.extract_strided_slice %slice3A_37 {offsets = [0, 31], sizes = [128, 1], strides = [1, 1]} : vector<128x63xf32> to vector<128x1xf32>
    %min3A_284 = vector.broadcast %slice3A_283 : vector<128x1xf32> to vector<128x128xf32>
    %min3A_285 = arith.minimumf %broadcast_in_dim3A_36, %min3A_284 : vector<128x128xf32>
    %slice3A_286 = vector.extract_strided_slice %slice3A_38 {offsets = [0, 30], sizes = [128, 1], strides = [1, 1]} : vector<128x63xf32> to vector<128x1xf32>
    %sub3A_287 = arith.subf %min3A_285, %min3A_277 : vector<128x128xf32>
    %mul3A_288 = vector.broadcast %slice3A_286 : vector<128x1xf32> to vector<128x128xf32>
    %mul3A_289 = arith.mulf %mul3A_288, %sub3A_287 : vector<128x128xf32>
    %add3A_290 = arith.addf %add3A_282, %mul3A_289 : vector<128x128xf32>
    %slice3A_291 = vector.extract_strided_slice %slice3A_37 {offsets = [0, 32], sizes = [128, 1], strides = [1, 1]} : vector<128x63xf32> to vector<128x1xf32>
    %min3A_292 = vector.broadcast %slice3A_291 : vector<128x1xf32> to vector<128x128xf32>
    %min3A_293 = arith.minimumf %broadcast_in_dim3A_36, %min3A_292 : vector<128x128xf32>
    %slice3A_294 = vector.extract_strided_slice %slice3A_38 {offsets = [0, 31], sizes = [128, 1], strides = [1, 1]} : vector<128x63xf32> to vector<128x1xf32>
    %sub3A_295 = arith.subf %min3A_293, %min3A_285 : vector<128x128xf32>
    %mul3A_296 = vector.broadcast %slice3A_294 : vector<128x1xf32> to vector<128x128xf32>
    %mul3A_297 = arith.mulf %mul3A_296, %sub3A_295 : vector<128x128xf32>
    %add3A_298 = arith.addf %add3A_290, %mul3A_297 : vector<128x128xf32>
    %slice3A_299 = vector.extract_strided_slice %slice3A_37 {offsets = [0, 33], sizes = [128, 1], strides = [1, 1]} : vector<128x63xf32> to vector<128x1xf32>
    %min3A_300 = vector.broadcast %slice3A_299 : vector<128x1xf32> to vector<128x128xf32>
    %min3A_301 = arith.minimumf %broadcast_in_dim3A_36, %min3A_300 : vector<128x128xf32>
    %slice3A_302 = vector.extract_strided_slice %slice3A_38 {offsets = [0, 32], sizes = [128, 1], strides = [1, 1]} : vector<128x63xf32> to vector<128x1xf32>
    %sub3A_303 = arith.subf %min3A_301, %min3A_293 : vector<128x128xf32>
    %mul3A_304 = vector.broadcast %slice3A_302 : vector<128x1xf32> to vector<128x128xf32>
    %mul3A_305 = arith.mulf %mul3A_304, %sub3A_303 : vector<128x128xf32>
    %add3A_306 = arith.addf %add3A_298, %mul3A_305 : vector<128x128xf32>
    %slice3A_307 = vector.extract_strided_slice %slice3A_37 {offsets = [0, 34], sizes = [128, 1], strides = [1, 1]} : vector<128x63xf32> to vector<128x1xf32>
    %min3A_308 = vector.broadcast %slice3A_307 : vector<128x1xf32> to vector<128x128xf32>
    %min3A_309 = arith.minimumf %broadcast_in_dim3A_36, %min3A_308 : vector<128x128xf32>
    %slice3A_310 = vector.extract_strided_slice %slice3A_38 {offsets = [0, 33], sizes = [128, 1], strides = [1, 1]} : vector<128x63xf32> to vector<128x1xf32>
    %sub3A_311 = arith.subf %min3A_309, %min3A_301 : vector<128x128xf32>
    %mul3A_312 = vector.broadcast %slice3A_310 : vector<128x1xf32> to vector<128x128xf32>
    %mul3A_313 = arith.mulf %mul3A_312, %sub3A_311 : vector<128x128xf32>
    %add3A_314 = arith.addf %add3A_306, %mul3A_313 : vector<128x128xf32>
    %slice3A_315 = vector.extract_strided_slice %slice3A_37 {offsets = [0, 35], sizes = [128, 1], strides = [1, 1]} : vector<128x63xf32> to vector<128x1xf32>
    %min3A_316 = vector.broadcast %slice3A_315 : vector<128x1xf32> to vector<128x128xf32>
    %min3A_317 = arith.minimumf %broadcast_in_dim3A_36, %min3A_316 : vector<128x128xf32>
    %slice3A_318 = vector.extract_strided_slice %slice3A_38 {offsets = [0, 34], sizes = [128, 1], strides = [1, 1]} : vector<128x63xf32> to vector<128x1xf32>
    %sub3A_319 = arith.subf %min3A_317, %min3A_309 : vector<128x128xf32>
    %mul3A_320 = vector.broadcast %slice3A_318 : vector<128x1xf32> to vector<128x128xf32>
    %mul3A_321 = arith.mulf %mul3A_320, %sub3A_319 : vector<128x128xf32>
    %add3A_322 = arith.addf %add3A_314, %mul3A_321 : vector<128x128xf32>
    %slice3A_323 = vector.extract_strided_slice %slice3A_37 {offsets = [0, 36], sizes = [128, 1], strides = [1, 1]} : vector<128x63xf32> to vector<128x1xf32>
    %min3A_324 = vector.broadcast %slice3A_323 : vector<128x1xf32> to vector<128x128xf32>
    %min3A_325 = arith.minimumf %broadcast_in_dim3A_36, %min3A_324 : vector<128x128xf32>
    %slice3A_326 = vector.extract_strided_slice %slice3A_38 {offsets = [0, 35], sizes = [128, 1], strides = [1, 1]} : vector<128x63xf32> to vector<128x1xf32>
    %sub3A_327 = arith.subf %min3A_325, %min3A_317 : vector<128x128xf32>
    %mul3A_328 = vector.broadcast %slice3A_326 : vector<128x1xf32> to vector<128x128xf32>
    %mul3A_329 = arith.mulf %mul3A_328, %sub3A_327 : vector<128x128xf32>
    %add3A_330 = arith.addf %add3A_322, %mul3A_329 : vector<128x128xf32>
    %slice3A_331 = vector.extract_strided_slice %slice3A_37 {offsets = [0, 37], sizes = [128, 1], strides = [1, 1]} : vector<128x63xf32> to vector<128x1xf32>
    %min3A_332 = vector.broadcast %slice3A_331 : vector<128x1xf32> to vector<128x128xf32>
    %min3A_333 = arith.minimumf %broadcast_in_dim3A_36, %min3A_332 : vector<128x128xf32>
    %slice3A_334 = vector.extract_strided_slice %slice3A_38 {offsets = [0, 36], sizes = [128, 1], strides = [1, 1]} : vector<128x63xf32> to vector<128x1xf32>
    %sub3A_335 = arith.subf %min3A_333, %min3A_325 : vector<128x128xf32>
    %mul3A_336 = vector.broadcast %slice3A_334 : vector<128x1xf32> to vector<128x128xf32>
    %mul3A_337 = arith.mulf %mul3A_336, %sub3A_335 : vector<128x128xf32>
    %add3A_338 = arith.addf %add3A_330, %mul3A_337 : vector<128x128xf32>
    %slice3A_339 = vector.extract_strided_slice %slice3A_37 {offsets = [0, 38], sizes = [128, 1], strides = [1, 1]} : vector<128x63xf32> to vector<128x1xf32>
    %min3A_340 = vector.broadcast %slice3A_339 : vector<128x1xf32> to vector<128x128xf32>
    %min3A_341 = arith.minimumf %broadcast_in_dim3A_36, %min3A_340 : vector<128x128xf32>
    %slice3A_342 = vector.extract_strided_slice %slice3A_38 {offsets = [0, 37], sizes = [128, 1], strides = [1, 1]} : vector<128x63xf32> to vector<128x1xf32>
    %sub3A_343 = arith.subf %min3A_341, %min3A_333 : vector<128x128xf32>
    %mul3A_344 = vector.broadcast %slice3A_342 : vector<128x1xf32> to vector<128x128xf32>
    %mul3A_345 = arith.mulf %mul3A_344, %sub3A_343 : vector<128x128xf32>
    %add3A_346 = arith.addf %add3A_338, %mul3A_345 : vector<128x128xf32>
    %slice3A_347 = vector.extract_strided_slice %slice3A_37 {offsets = [0, 39], sizes = [128, 1], strides = [1, 1]} : vector<128x63xf32> to vector<128x1xf32>
    %min3A_348 = vector.broadcast %slice3A_347 : vector<128x1xf32> to vector<128x128xf32>
    %min3A_349 = arith.minimumf %broadcast_in_dim3A_36, %min3A_348 : vector<128x128xf32>
    %slice3A_350 = vector.extract_strided_slice %slice3A_38 {offsets = [0, 38], sizes = [128, 1], strides = [1, 1]} : vector<128x63xf32> to vector<128x1xf32>
    %sub3A_351 = arith.subf %min3A_349, %min3A_341 : vector<128x128xf32>
    %mul3A_352 = vector.broadcast %slice3A_350 : vector<128x1xf32> to vector<128x128xf32>
    %mul3A_353 = arith.mulf %mul3A_352, %sub3A_351 : vector<128x128xf32>
    %add3A_354 = arith.addf %add3A_346, %mul3A_353 : vector<128x128xf32>
    %slice3A_355 = vector.extract_strided_slice %slice3A_37 {offsets = [0, 40], sizes = [128, 1], strides = [1, 1]} : vector<128x63xf32> to vector<128x1xf32>
    %min3A_356 = vector.broadcast %slice3A_355 : vector<128x1xf32> to vector<128x128xf32>
    %min3A_357 = arith.minimumf %broadcast_in_dim3A_36, %min3A_356 : vector<128x128xf32>
    %slice3A_358 = vector.extract_strided_slice %slice3A_38 {offsets = [0, 39], sizes = [128, 1], strides = [1, 1]} : vector<128x63xf32> to vector<128x1xf32>
    %sub3A_359 = arith.subf %min3A_357, %min3A_349 : vector<128x128xf32>
    %mul3A_360 = vector.broadcast %slice3A_358 : vector<128x1xf32> to vector<128x128xf32>
    %mul3A_361 = arith.mulf %mul3A_360, %sub3A_359 : vector<128x128xf32>
    %add3A_362 = arith.addf %add3A_354, %mul3A_361 : vector<128x128xf32>
    %slice3A_363 = vector.extract_strided_slice %slice3A_37 {offsets = [0, 41], sizes = [128, 1], strides = [1, 1]} : vector<128x63xf32> to vector<128x1xf32>
    %min3A_364 = vector.broadcast %slice3A_363 : vector<128x1xf32> to vector<128x128xf32>
    %min3A_365 = arith.minimumf %broadcast_in_dim3A_36, %min3A_364 : vector<128x128xf32>
    %slice3A_366 = vector.extract_strided_slice %slice3A_38 {offsets = [0, 40], sizes = [128, 1], strides = [1, 1]} : vector<128x63xf32> to vector<128x1xf32>
    %sub3A_367 = arith.subf %min3A_365, %min3A_357 : vector<128x128xf32>
    %mul3A_368 = vector.broadcast %slice3A_366 : vector<128x1xf32> to vector<128x128xf32>
    %mul3A_369 = arith.mulf %mul3A_368, %sub3A_367 : vector<128x128xf32>
    %add3A_370 = arith.addf %add3A_362, %mul3A_369 : vector<128x128xf32>
    %slice3A_371 = vector.extract_strided_slice %slice3A_37 {offsets = [0, 42], sizes = [128, 1], strides = [1, 1]} : vector<128x63xf32> to vector<128x1xf32>
    %min3A_372 = vector.broadcast %slice3A_371 : vector<128x1xf32> to vector<128x128xf32>
    %min3A_373 = arith.minimumf %broadcast_in_dim3A_36, %min3A_372 : vector<128x128xf32>
    %slice3A_374 = vector.extract_strided_slice %slice3A_38 {offsets = [0, 41], sizes = [128, 1], strides = [1, 1]} : vector<128x63xf32> to vector<128x1xf32>
    %sub3A_375 = arith.subf %min3A_373, %min3A_365 : vector<128x128xf32>
    %mul3A_376 = vector.broadcast %slice3A_374 : vector<128x1xf32> to vector<128x128xf32>
    %mul3A_377 = arith.mulf %mul3A_376, %sub3A_375 : vector<128x128xf32>
    %add3A_378 = arith.addf %add3A_370, %mul3A_377 : vector<128x128xf32>
    %slice3A_379 = vector.extract_strided_slice %slice3A_37 {offsets = [0, 43], sizes = [128, 1], strides = [1, 1]} : vector<128x63xf32> to vector<128x1xf32>
    %min3A_380 = vector.broadcast %slice3A_379 : vector<128x1xf32> to vector<128x128xf32>
    %min3A_381 = arith.minimumf %broadcast_in_dim3A_36, %min3A_380 : vector<128x128xf32>
    %slice3A_382 = vector.extract_strided_slice %slice3A_38 {offsets = [0, 42], sizes = [128, 1], strides = [1, 1]} : vector<128x63xf32> to vector<128x1xf32>
    %sub3A_383 = arith.subf %min3A_381, %min3A_373 : vector<128x128xf32>
    %mul3A_384 = vector.broadcast %slice3A_382 : vector<128x1xf32> to vector<128x128xf32>
    %mul3A_385 = arith.mulf %mul3A_384, %sub3A_383 : vector<128x128xf32>
    %add3A_386 = arith.addf %add3A_378, %mul3A_385 : vector<128x128xf32>
    %slice3A_387 = vector.extract_strided_slice %slice3A_37 {offsets = [0, 44], sizes = [128, 1], strides = [1, 1]} : vector<128x63xf32> to vector<128x1xf32>
    %min3A_388 = vector.broadcast %slice3A_387 : vector<128x1xf32> to vector<128x128xf32>
    %min3A_389 = arith.minimumf %broadcast_in_dim3A_36, %min3A_388 : vector<128x128xf32>
    %slice3A_390 = vector.extract_strided_slice %slice3A_38 {offsets = [0, 43], sizes = [128, 1], strides = [1, 1]} : vector<128x63xf32> to vector<128x1xf32>
    %sub3A_391 = arith.subf %min3A_389, %min3A_381 : vector<128x128xf32>
    %mul3A_392 = vector.broadcast %slice3A_390 : vector<128x1xf32> to vector<128x128xf32>
    %mul3A_393 = arith.mulf %mul3A_392, %sub3A_391 : vector<128x128xf32>
    %add3A_394 = arith.addf %add3A_386, %mul3A_393 : vector<128x128xf32>
    %slice3A_395 = vector.extract_strided_slice %slice3A_37 {offsets = [0, 45], sizes = [128, 1], strides = [1, 1]} : vector<128x63xf32> to vector<128x1xf32>
    %min3A_396 = vector.broadcast %slice3A_395 : vector<128x1xf32> to vector<128x128xf32>
    %min3A_397 = arith.minimumf %broadcast_in_dim3A_36, %min3A_396 : vector<128x128xf32>
    %slice3A_398 = vector.extract_strided_slice %slice3A_38 {offsets = [0, 44], sizes = [128, 1], strides = [1, 1]} : vector<128x63xf32> to vector<128x1xf32>
    %sub3A_399 = arith.subf %min3A_397, %min3A_389 : vector<128x128xf32>
    %mul3A_400 = vector.broadcast %slice3A_398 : vector<128x1xf32> to vector<128x128xf32>
    %mul3A_401 = arith.mulf %mul3A_400, %sub3A_399 : vector<128x128xf32>
    %add3A_402 = arith.addf %add3A_394, %mul3A_401 : vector<128x128xf32>
    %slice3A_403 = vector.extract_strided_slice %slice3A_37 {offsets = [0, 46], sizes = [128, 1], strides = [1, 1]} : vector<128x63xf32> to vector<128x1xf32>
    %min3A_404 = vector.broadcast %slice3A_403 : vector<128x1xf32> to vector<128x128xf32>
    %min3A_405 = arith.minimumf %broadcast_in_dim3A_36, %min3A_404 : vector<128x128xf32>
    %slice3A_406 = vector.extract_strided_slice %slice3A_38 {offsets = [0, 45], sizes = [128, 1], strides = [1, 1]} : vector<128x63xf32> to vector<128x1xf32>
    %sub3A_407 = arith.subf %min3A_405, %min3A_397 : vector<128x128xf32>
    %mul3A_408 = vector.broadcast %slice3A_406 : vector<128x1xf32> to vector<128x128xf32>
    %mul3A_409 = arith.mulf %mul3A_408, %sub3A_407 : vector<128x128xf32>
    %add3A_410 = arith.addf %add3A_402, %mul3A_409 : vector<128x128xf32>
    %slice3A_411 = vector.extract_strided_slice %slice3A_37 {offsets = [0, 47], sizes = [128, 1], strides = [1, 1]} : vector<128x63xf32> to vector<128x1xf32>
    %min3A_412 = vector.broadcast %slice3A_411 : vector<128x1xf32> to vector<128x128xf32>
    %min3A_413 = arith.minimumf %broadcast_in_dim3A_36, %min3A_412 : vector<128x128xf32>
    %slice3A_414 = vector.extract_strided_slice %slice3A_38 {offsets = [0, 46], sizes = [128, 1], strides = [1, 1]} : vector<128x63xf32> to vector<128x1xf32>
    %sub3A_415 = arith.subf %min3A_413, %min3A_405 : vector<128x128xf32>
    %mul3A_416 = vector.broadcast %slice3A_414 : vector<128x1xf32> to vector<128x128xf32>
    %mul3A_417 = arith.mulf %mul3A_416, %sub3A_415 : vector<128x128xf32>
    %add3A_418 = arith.addf %add3A_410, %mul3A_417 : vector<128x128xf32>
    %slice3A_419 = vector.extract_strided_slice %slice3A_37 {offsets = [0, 48], sizes = [128, 1], strides = [1, 1]} : vector<128x63xf32> to vector<128x1xf32>
    %min3A_420 = vector.broadcast %slice3A_419 : vector<128x1xf32> to vector<128x128xf32>
    %min3A_421 = arith.minimumf %broadcast_in_dim3A_36, %min3A_420 : vector<128x128xf32>
    %slice3A_422 = vector.extract_strided_slice %slice3A_38 {offsets = [0, 47], sizes = [128, 1], strides = [1, 1]} : vector<128x63xf32> to vector<128x1xf32>
    %sub3A_423 = arith.subf %min3A_421, %min3A_413 : vector<128x128xf32>
    %mul3A_424 = vector.broadcast %slice3A_422 : vector<128x1xf32> to vector<128x128xf32>
    %mul3A_425 = arith.mulf %mul3A_424, %sub3A_423 : vector<128x128xf32>
    %add3A_426 = arith.addf %add3A_418, %mul3A_425 : vector<128x128xf32>
    %slice3A_427 = vector.extract_strided_slice %slice3A_37 {offsets = [0, 49], sizes = [128, 1], strides = [1, 1]} : vector<128x63xf32> to vector<128x1xf32>
    %min3A_428 = vector.broadcast %slice3A_427 : vector<128x1xf32> to vector<128x128xf32>
    %min3A_429 = arith.minimumf %broadcast_in_dim3A_36, %min3A_428 : vector<128x128xf32>
    %slice3A_430 = vector.extract_strided_slice %slice3A_38 {offsets = [0, 48], sizes = [128, 1], strides = [1, 1]} : vector<128x63xf32> to vector<128x1xf32>
    %sub3A_431 = arith.subf %min3A_429, %min3A_421 : vector<128x128xf32>
    %mul3A_432 = vector.broadcast %slice3A_430 : vector<128x1xf32> to vector<128x128xf32>
    %mul3A_433 = arith.mulf %mul3A_432, %sub3A_431 : vector<128x128xf32>
    %add3A_434 = arith.addf %add3A_426, %mul3A_433 : vector<128x128xf32>
    %slice3A_435 = vector.extract_strided_slice %slice3A_37 {offsets = [0, 50], sizes = [128, 1], strides = [1, 1]} : vector<128x63xf32> to vector<128x1xf32>
    %min3A_436 = vector.broadcast %slice3A_435 : vector<128x1xf32> to vector<128x128xf32>
    %min3A_437 = arith.minimumf %broadcast_in_dim3A_36, %min3A_436 : vector<128x128xf32>
    %slice3A_438 = vector.extract_strided_slice %slice3A_38 {offsets = [0, 49], sizes = [128, 1], strides = [1, 1]} : vector<128x63xf32> to vector<128x1xf32>
    %sub3A_439 = arith.subf %min3A_437, %min3A_429 : vector<128x128xf32>
    %mul3A_440 = vector.broadcast %slice3A_438 : vector<128x1xf32> to vector<128x128xf32>
    %mul3A_441 = arith.mulf %mul3A_440, %sub3A_439 : vector<128x128xf32>
    %add3A_442 = arith.addf %add3A_434, %mul3A_441 : vector<128x128xf32>
    %slice3A_443 = vector.extract_strided_slice %slice3A_37 {offsets = [0, 51], sizes = [128, 1], strides = [1, 1]} : vector<128x63xf32> to vector<128x1xf32>
    %min3A_444 = vector.broadcast %slice3A_443 : vector<128x1xf32> to vector<128x128xf32>
    %min3A_445 = arith.minimumf %broadcast_in_dim3A_36, %min3A_444 : vector<128x128xf32>
    %slice3A_446 = vector.extract_strided_slice %slice3A_38 {offsets = [0, 50], sizes = [128, 1], strides = [1, 1]} : vector<128x63xf32> to vector<128x1xf32>
    %sub3A_447 = arith.subf %min3A_445, %min3A_437 : vector<128x128xf32>
    %mul3A_448 = vector.broadcast %slice3A_446 : vector<128x1xf32> to vector<128x128xf32>
    %mul3A_449 = arith.mulf %mul3A_448, %sub3A_447 : vector<128x128xf32>
    %add3A_450 = arith.addf %add3A_442, %mul3A_449 : vector<128x128xf32>
    %slice3A_451 = vector.extract_strided_slice %slice3A_37 {offsets = [0, 52], sizes = [128, 1], strides = [1, 1]} : vector<128x63xf32> to vector<128x1xf32>
    %min3A_452 = vector.broadcast %slice3A_451 : vector<128x1xf32> to vector<128x128xf32>
    %min3A_453 = arith.minimumf %broadcast_in_dim3A_36, %min3A_452 : vector<128x128xf32>
    %slice3A_454 = vector.extract_strided_slice %slice3A_38 {offsets = [0, 51], sizes = [128, 1], strides = [1, 1]} : vector<128x63xf32> to vector<128x1xf32>
    %sub3A_455 = arith.subf %min3A_453, %min3A_445 : vector<128x128xf32>
    %mul3A_456 = vector.broadcast %slice3A_454 : vector<128x1xf32> to vector<128x128xf32>
    %mul3A_457 = arith.mulf %mul3A_456, %sub3A_455 : vector<128x128xf32>
    %add3A_458 = arith.addf %add3A_450, %mul3A_457 : vector<128x128xf32>
    %slice3A_459 = vector.extract_strided_slice %slice3A_37 {offsets = [0, 53], sizes = [128, 1], strides = [1, 1]} : vector<128x63xf32> to vector<128x1xf32>
    %min3A_460 = vector.broadcast %slice3A_459 : vector<128x1xf32> to vector<128x128xf32>
    %min3A_461 = arith.minimumf %broadcast_in_dim3A_36, %min3A_460 : vector<128x128xf32>
    %slice3A_462 = vector.extract_strided_slice %slice3A_38 {offsets = [0, 52], sizes = [128, 1], strides = [1, 1]} : vector<128x63xf32> to vector<128x1xf32>
    %sub3A_463 = arith.subf %min3A_461, %min3A_453 : vector<128x128xf32>
    %mul3A_464 = vector.broadcast %slice3A_462 : vector<128x1xf32> to vector<128x128xf32>
    %mul3A_465 = arith.mulf %mul3A_464, %sub3A_463 : vector<128x128xf32>
    %add3A_466 = arith.addf %add3A_458, %mul3A_465 : vector<128x128xf32>
    %slice3A_467 = vector.extract_strided_slice %slice3A_37 {offsets = [0, 54], sizes = [128, 1], strides = [1, 1]} : vector<128x63xf32> to vector<128x1xf32>
    %min3A_468 = vector.broadcast %slice3A_467 : vector<128x1xf32> to vector<128x128xf32>
    %min3A_469 = arith.minimumf %broadcast_in_dim3A_36, %min3A_468 : vector<128x128xf32>
    %slice3A_470 = vector.extract_strided_slice %slice3A_38 {offsets = [0, 53], sizes = [128, 1], strides = [1, 1]} : vector<128x63xf32> to vector<128x1xf32>
    %sub3A_471 = arith.subf %min3A_469, %min3A_461 : vector<128x128xf32>
    %mul3A_472 = vector.broadcast %slice3A_470 : vector<128x1xf32> to vector<128x128xf32>
    %mul3A_473 = arith.mulf %mul3A_472, %sub3A_471 : vector<128x128xf32>
    %add3A_474 = arith.addf %add3A_466, %mul3A_473 : vector<128x128xf32>
    %slice3A_475 = vector.extract_strided_slice %slice3A_37 {offsets = [0, 55], sizes = [128, 1], strides = [1, 1]} : vector<128x63xf32> to vector<128x1xf32>
    %min3A_476 = vector.broadcast %slice3A_475 : vector<128x1xf32> to vector<128x128xf32>
    %min3A_477 = arith.minimumf %broadcast_in_dim3A_36, %min3A_476 : vector<128x128xf32>
    %slice3A_478 = vector.extract_strided_slice %slice3A_38 {offsets = [0, 54], sizes = [128, 1], strides = [1, 1]} : vector<128x63xf32> to vector<128x1xf32>
    %sub3A_479 = arith.subf %min3A_477, %min3A_469 : vector<128x128xf32>
    %mul3A_480 = vector.broadcast %slice3A_478 : vector<128x1xf32> to vector<128x128xf32>
    %mul3A_481 = arith.mulf %mul3A_480, %sub3A_479 : vector<128x128xf32>
    %add3A_482 = arith.addf %add3A_474, %mul3A_481 : vector<128x128xf32>
    %slice3A_483 = vector.extract_strided_slice %slice3A_37 {offsets = [0, 56], sizes = [128, 1], strides = [1, 1]} : vector<128x63xf32> to vector<128x1xf32>
    %min3A_484 = vector.broadcast %slice3A_483 : vector<128x1xf32> to vector<128x128xf32>
    %min3A_485 = arith.minimumf %broadcast_in_dim3A_36, %min3A_484 : vector<128x128xf32>
    %slice3A_486 = vector.extract_strided_slice %slice3A_38 {offsets = [0, 55], sizes = [128, 1], strides = [1, 1]} : vector<128x63xf32> to vector<128x1xf32>
    %sub3A_487 = arith.subf %min3A_485, %min3A_477 : vector<128x128xf32>
    %mul3A_488 = vector.broadcast %slice3A_486 : vector<128x1xf32> to vector<128x128xf32>
    %mul3A_489 = arith.mulf %mul3A_488, %sub3A_487 : vector<128x128xf32>
    %add3A_490 = arith.addf %add3A_482, %mul3A_489 : vector<128x128xf32>
    %slice3A_491 = vector.extract_strided_slice %slice3A_37 {offsets = [0, 57], sizes = [128, 1], strides = [1, 1]} : vector<128x63xf32> to vector<128x1xf32>
    %min3A_492 = vector.broadcast %slice3A_491 : vector<128x1xf32> to vector<128x128xf32>
    %min3A_493 = arith.minimumf %broadcast_in_dim3A_36, %min3A_492 : vector<128x128xf32>
    %slice3A_494 = vector.extract_strided_slice %slice3A_38 {offsets = [0, 56], sizes = [128, 1], strides = [1, 1]} : vector<128x63xf32> to vector<128x1xf32>
    %sub3A_495 = arith.subf %min3A_493, %min3A_485 : vector<128x128xf32>
    %mul3A_496 = vector.broadcast %slice3A_494 : vector<128x1xf32> to vector<128x128xf32>
    %mul3A_497 = arith.mulf %mul3A_496, %sub3A_495 : vector<128x128xf32>
    %add3A_498 = arith.addf %add3A_490, %mul3A_497 : vector<128x128xf32>
    %slice3A_499 = vector.extract_strided_slice %slice3A_37 {offsets = [0, 58], sizes = [128, 1], strides = [1, 1]} : vector<128x63xf32> to vector<128x1xf32>
    %min3A_500 = vector.broadcast %slice3A_499 : vector<128x1xf32> to vector<128x128xf32>
    %min3A_501 = arith.minimumf %broadcast_in_dim3A_36, %min3A_500 : vector<128x128xf32>
    %slice3A_502 = vector.extract_strided_slice %slice3A_38 {offsets = [0, 57], sizes = [128, 1], strides = [1, 1]} : vector<128x63xf32> to vector<128x1xf32>
    %sub3A_503 = arith.subf %min3A_501, %min3A_493 : vector<128x128xf32>
    %mul3A_504 = vector.broadcast %slice3A_502 : vector<128x1xf32> to vector<128x128xf32>
    %mul3A_505 = arith.mulf %mul3A_504, %sub3A_503 : vector<128x128xf32>
    %add3A_506 = arith.addf %add3A_498, %mul3A_505 : vector<128x128xf32>
    %slice3A_507 = vector.extract_strided_slice %slice3A_37 {offsets = [0, 59], sizes = [128, 1], strides = [1, 1]} : vector<128x63xf32> to vector<128x1xf32>
    %min3A_508 = vector.broadcast %slice3A_507 : vector<128x1xf32> to vector<128x128xf32>
    %min3A_509 = arith.minimumf %broadcast_in_dim3A_36, %min3A_508 : vector<128x128xf32>
    %slice3A_510 = vector.extract_strided_slice %slice3A_38 {offsets = [0, 58], sizes = [128, 1], strides = [1, 1]} : vector<128x63xf32> to vector<128x1xf32>
    %sub3A_511 = arith.subf %min3A_509, %min3A_501 : vector<128x128xf32>
    %mul3A_512 = vector.broadcast %slice3A_510 : vector<128x1xf32> to vector<128x128xf32>
    %mul3A_513 = arith.mulf %mul3A_512, %sub3A_511 : vector<128x128xf32>
    %add3A_514 = arith.addf %add3A_506, %mul3A_513 : vector<128x128xf32>
    %slice3A_515 = vector.extract_strided_slice %slice3A_37 {offsets = [0, 60], sizes = [128, 1], strides = [1, 1]} : vector<128x63xf32> to vector<128x1xf32>
    %min3A_516 = vector.broadcast %slice3A_515 : vector<128x1xf32> to vector<128x128xf32>
    %min3A_517 = arith.minimumf %broadcast_in_dim3A_36, %min3A_516 : vector<128x128xf32>
    %slice3A_518 = vector.extract_strided_slice %slice3A_38 {offsets = [0, 59], sizes = [128, 1], strides = [1, 1]} : vector<128x63xf32> to vector<128x1xf32>
    %sub3A_519 = arith.subf %min3A_517, %min3A_509 : vector<128x128xf32>
    %mul3A_520 = vector.broadcast %slice3A_518 : vector<128x1xf32> to vector<128x128xf32>
    %mul3A_521 = arith.mulf %mul3A_520, %sub3A_519 : vector<128x128xf32>
    %add3A_522 = arith.addf %add3A_514, %mul3A_521 : vector<128x128xf32>
    %slice3A_523 = vector.extract_strided_slice %slice3A_37 {offsets = [0, 61], sizes = [128, 1], strides = [1, 1]} : vector<128x63xf32> to vector<128x1xf32>
    %min3A_524 = vector.broadcast %slice3A_523 : vector<128x1xf32> to vector<128x128xf32>
    %min3A_525 = arith.minimumf %broadcast_in_dim3A_36, %min3A_524 : vector<128x128xf32>
    %slice3A_526 = vector.extract_strided_slice %slice3A_38 {offsets = [0, 60], sizes = [128, 1], strides = [1, 1]} : vector<128x63xf32> to vector<128x1xf32>
    %sub3A_527 = arith.subf %min3A_525, %min3A_517 : vector<128x128xf32>
    %mul3A_528 = vector.broadcast %slice3A_526 : vector<128x1xf32> to vector<128x128xf32>
    %mul3A_529 = arith.mulf %mul3A_528, %sub3A_527 : vector<128x128xf32>
    %add3A_530 = arith.addf %add3A_522, %mul3A_529 : vector<128x128xf32>
    %slice3A_531 = vector.extract_strided_slice %slice3A_37 {offsets = [0, 62], sizes = [128, 1], strides = [1, 1]} : vector<128x63xf32> to vector<128x1xf32>
    %min3A_532 = vector.broadcast %slice3A_531 : vector<128x1xf32> to vector<128x128xf32>
    %min3A_533 = arith.minimumf %broadcast_in_dim3A_36, %min3A_532 : vector<128x128xf32>
    %slice3A_534 = vector.extract_strided_slice %slice3A_38 {offsets = [0, 61], sizes = [128, 1], strides = [1, 1]} : vector<128x63xf32> to vector<128x1xf32>
    %sub3A_535 = arith.subf %min3A_533, %min3A_525 : vector<128x128xf32>
    %mul3A_536 = vector.broadcast %slice3A_534 : vector<128x1xf32> to vector<128x128xf32>
    %mul3A_537 = arith.mulf %mul3A_536, %sub3A_535 : vector<128x128xf32>
    %add3A_538 = arith.addf %add3A_530, %mul3A_537 : vector<128x128xf32>
    %slice3A_539 = vector.extract_strided_slice %concatenate3A {offsets = [128, 0], sizes = [128, 63], strides = [1, 1]} : vector<512x63xf32> to vector<128x63xf32>
    %slice3A_540 = vector.extract_strided_slice %div3A_26 {offsets = [128, 0], sizes = [128, 63], strides = [1, 1]} : vector<512x63xf32> to vector<128x63xf32>
    %slice3A_541 = vector.extract_strided_slice %mul3A_16 {offsets = [128, 0], sizes = [128, 1], strides = [1, 1]} : vector<512x63xf32> to vector<128x1xf32>
    %broadcast_in_dim3A_542 = vector.shape_cast %slice3A_541 : vector<128x1xf32> to vector<128x1xf32>
    %broadcast_in_dim3A_543 = vector.broadcast %broadcast_in_dim3A_542 : vector<128x1xf32> to vector<128x128xf32>
    %broadcast_in_dim3A_544 = arith.constant 0.000000e+00 : f32
    %broadcast_in_dim3A_545 = vector.broadcast %broadcast_in_dim3A_544 : f32 to vector<128x128xf32>
    %slice3A_546 = vector.extract_strided_slice %slice3A_539 {offsets = [0, 1], sizes = [128, 1], strides = [1, 1]} : vector<128x63xf32> to vector<128x1xf32>
    %min3A_547 = vector.broadcast %slice3A_546 : vector<128x1xf32> to vector<128x128xf32>
    %min3A_548 = arith.minimumf %broadcast_in_dim3A_36, %min3A_547 : vector<128x128xf32>
    %slice3A_549 = vector.extract_strided_slice %slice3A_540 {offsets = [0, 0], sizes = [128, 1], strides = [1, 1]} : vector<128x63xf32> to vector<128x1xf32>
    %sub3A_550 = arith.subf %min3A_548, %broadcast_in_dim3A_545 : vector<128x128xf32>
    %mul3A_551 = vector.broadcast %slice3A_549 : vector<128x1xf32> to vector<128x128xf32>
    %mul3A_552 = arith.mulf %mul3A_551, %sub3A_550 : vector<128x128xf32>
    %add3A_553 = arith.addf %broadcast_in_dim3A_543, %mul3A_552 : vector<128x128xf32>
    %slice3A_554 = vector.extract_strided_slice %slice3A_539 {offsets = [0, 2], sizes = [128, 1], strides = [1, 1]} : vector<128x63xf32> to vector<128x1xf32>
    %min3A_555 = vector.broadcast %slice3A_554 : vector<128x1xf32> to vector<128x128xf32>
    %min3A_556 = arith.minimumf %broadcast_in_dim3A_36, %min3A_555 : vector<128x128xf32>
    %slice3A_557 = vector.extract_strided_slice %slice3A_540 {offsets = [0, 1], sizes = [128, 1], strides = [1, 1]} : vector<128x63xf32> to vector<128x1xf32>
    %sub3A_558 = arith.subf %min3A_556, %min3A_548 : vector<128x128xf32>
    %mul3A_559 = vector.broadcast %slice3A_557 : vector<128x1xf32> to vector<128x128xf32>
    %mul3A_560 = arith.mulf %mul3A_559, %sub3A_558 : vector<128x128xf32>
    %add3A_561 = arith.addf %add3A_553, %mul3A_560 : vector<128x128xf32>
    %slice3A_562 = vector.extract_strided_slice %slice3A_539 {offsets = [0, 3], sizes = [128, 1], strides = [1, 1]} : vector<128x63xf32> to vector<128x1xf32>
    %min3A_563 = vector.broadcast %slice3A_562 : vector<128x1xf32> to vector<128x128xf32>
    %min3A_564 = arith.minimumf %broadcast_in_dim3A_36, %min3A_563 : vector<128x128xf32>
    %slice3A_565 = vector.extract_strided_slice %slice3A_540 {offsets = [0, 2], sizes = [128, 1], strides = [1, 1]} : vector<128x63xf32> to vector<128x1xf32>
    %sub3A_566 = arith.subf %min3A_564, %min3A_556 : vector<128x128xf32>
    %mul3A_567 = vector.broadcast %slice3A_565 : vector<128x1xf32> to vector<128x128xf32>
    %mul3A_568 = arith.mulf %mul3A_567, %sub3A_566 : vector<128x128xf32>
    %add3A_569 = arith.addf %add3A_561, %mul3A_568 : vector<128x128xf32>
    %slice3A_570 = vector.extract_strided_slice %slice3A_539 {offsets = [0, 4], sizes = [128, 1], strides = [1, 1]} : vector<128x63xf32> to vector<128x1xf32>
    %min3A_571 = vector.broadcast %slice3A_570 : vector<128x1xf32> to vector<128x128xf32>
    %min3A_572 = arith.minimumf %broadcast_in_dim3A_36, %min3A_571 : vector<128x128xf32>
    %slice3A_573 = vector.extract_strided_slice %slice3A_540 {offsets = [0, 3], sizes = [128, 1], strides = [1, 1]} : vector<128x63xf32> to vector<128x1xf32>
    %sub3A_574 = arith.subf %min3A_572, %min3A_564 : vector<128x128xf32>
    %mul3A_575 = vector.broadcast %slice3A_573 : vector<128x1xf32> to vector<128x128xf32>
    %mul3A_576 = arith.mulf %mul3A_575, %sub3A_574 : vector<128x128xf32>
    %add3A_577 = arith.addf %add3A_569, %mul3A_576 : vector<128x128xf32>
    %slice3A_578 = vector.extract_strided_slice %slice3A_539 {offsets = [0, 5], sizes = [128, 1], strides = [1, 1]} : vector<128x63xf32> to vector<128x1xf32>
    %min3A_579 = vector.broadcast %slice3A_578 : vector<128x1xf32> to vector<128x128xf32>
    %min3A_580 = arith.minimumf %broadcast_in_dim3A_36, %min3A_579 : vector<128x128xf32>
    %slice3A_581 = vector.extract_strided_slice %slice3A_540 {offsets = [0, 4], sizes = [128, 1], strides = [1, 1]} : vector<128x63xf32> to vector<128x1xf32>
    %sub3A_582 = arith.subf %min3A_580, %min3A_572 : vector<128x128xf32>
    %mul3A_583 = vector.broadcast %slice3A_581 : vector<128x1xf32> to vector<128x128xf32>
    %mul3A_584 = arith.mulf %mul3A_583, %sub3A_582 : vector<128x128xf32>
    %add3A_585 = arith.addf %add3A_577, %mul3A_584 : vector<128x128xf32>
    %slice3A_586 = vector.extract_strided_slice %slice3A_539 {offsets = [0, 6], sizes = [128, 1], strides = [1, 1]} : vector<128x63xf32> to vector<128x1xf32>
    %min3A_587 = vector.broadcast %slice3A_586 : vector<128x1xf32> to vector<128x128xf32>
    %min3A_588 = arith.minimumf %broadcast_in_dim3A_36, %min3A_587 : vector<128x128xf32>
    %slice3A_589 = vector.extract_strided_slice %slice3A_540 {offsets = [0, 5], sizes = [128, 1], strides = [1, 1]} : vector<128x63xf32> to vector<128x1xf32>
    %sub3A_590 = arith.subf %min3A_588, %min3A_580 : vector<128x128xf32>
    %mul3A_591 = vector.broadcast %slice3A_589 : vector<128x1xf32> to vector<128x128xf32>
    %mul3A_592 = arith.mulf %mul3A_591, %sub3A_590 : vector<128x128xf32>
    %add3A_593 = arith.addf %add3A_585, %mul3A_592 : vector<128x128xf32>
    %slice3A_594 = vector.extract_strided_slice %slice3A_539 {offsets = [0, 7], sizes = [128, 1], strides = [1, 1]} : vector<128x63xf32> to vector<128x1xf32>
    %min3A_595 = vector.broadcast %slice3A_594 : vector<128x1xf32> to vector<128x128xf32>
    %min3A_596 = arith.minimumf %broadcast_in_dim3A_36, %min3A_595 : vector<128x128xf32>
    %slice3A_597 = vector.extract_strided_slice %slice3A_540 {offsets = [0, 6], sizes = [128, 1], strides = [1, 1]} : vector<128x63xf32> to vector<128x1xf32>
    %sub3A_598 = arith.subf %min3A_596, %min3A_588 : vector<128x128xf32>
    %mul3A_599 = vector.broadcast %slice3A_597 : vector<128x1xf32> to vector<128x128xf32>
    %mul3A_600 = arith.mulf %mul3A_599, %sub3A_598 : vector<128x128xf32>
    %add3A_601 = arith.addf %add3A_593, %mul3A_600 : vector<128x128xf32>
    %slice3A_602 = vector.extract_strided_slice %slice3A_539 {offsets = [0, 8], sizes = [128, 1], strides = [1, 1]} : vector<128x63xf32> to vector<128x1xf32>
    %min3A_603 = vector.broadcast %slice3A_602 : vector<128x1xf32> to vector<128x128xf32>
    %min3A_604 = arith.minimumf %broadcast_in_dim3A_36, %min3A_603 : vector<128x128xf32>
    %slice3A_605 = vector.extract_strided_slice %slice3A_540 {offsets = [0, 7], sizes = [128, 1], strides = [1, 1]} : vector<128x63xf32> to vector<128x1xf32>
    %sub3A_606 = arith.subf %min3A_604, %min3A_596 : vector<128x128xf32>
    %mul3A_607 = vector.broadcast %slice3A_605 : vector<128x1xf32> to vector<128x128xf32>
    %mul3A_608 = arith.mulf %mul3A_607, %sub3A_606 : vector<128x128xf32>
    %add3A_609 = arith.addf %add3A_601, %mul3A_608 : vector<128x128xf32>
    %slice3A_610 = vector.extract_strided_slice %slice3A_539 {offsets = [0, 9], sizes = [128, 1], strides = [1, 1]} : vector<128x63xf32> to vector<128x1xf32>
    %min3A_611 = vector.broadcast %slice3A_610 : vector<128x1xf32> to vector<128x128xf32>
    %min3A_612 = arith.minimumf %broadcast_in_dim3A_36, %min3A_611 : vector<128x128xf32>
    %slice3A_613 = vector.extract_strided_slice %slice3A_540 {offsets = [0, 8], sizes = [128, 1], strides = [1, 1]} : vector<128x63xf32> to vector<128x1xf32>
    %sub3A_614 = arith.subf %min3A_612, %min3A_604 : vector<128x128xf32>
    %mul3A_615 = vector.broadcast %slice3A_613 : vector<128x1xf32> to vector<128x128xf32>
    %mul3A_616 = arith.mulf %mul3A_615, %sub3A_614 : vector<128x128xf32>
    %add3A_617 = arith.addf %add3A_609, %mul3A_616 : vector<128x128xf32>
    %slice3A_618 = vector.extract_strided_slice %slice3A_539 {offsets = [0, 10], sizes = [128, 1], strides = [1, 1]} : vector<128x63xf32> to vector<128x1xf32>
    %min3A_619 = vector.broadcast %slice3A_618 : vector<128x1xf32> to vector<128x128xf32>
    %min3A_620 = arith.minimumf %broadcast_in_dim3A_36, %min3A_619 : vector<128x128xf32>
    %slice3A_621 = vector.extract_strided_slice %slice3A_540 {offsets = [0, 9], sizes = [128, 1], strides = [1, 1]} : vector<128x63xf32> to vector<128x1xf32>
    %sub3A_622 = arith.subf %min3A_620, %min3A_612 : vector<128x128xf32>
    %mul3A_623 = vector.broadcast %slice3A_621 : vector<128x1xf32> to vector<128x128xf32>
    %mul3A_624 = arith.mulf %mul3A_623, %sub3A_622 : vector<128x128xf32>
    %add3A_625 = arith.addf %add3A_617, %mul3A_624 : vector<128x128xf32>
    %slice3A_626 = vector.extract_strided_slice %slice3A_539 {offsets = [0, 11], sizes = [128, 1], strides = [1, 1]} : vector<128x63xf32> to vector<128x1xf32>
    %min3A_627 = vector.broadcast %slice3A_626 : vector<128x1xf32> to vector<128x128xf32>
    %min3A_628 = arith.minimumf %broadcast_in_dim3A_36, %min3A_627 : vector<128x128xf32>
    %slice3A_629 = vector.extract_strided_slice %slice3A_540 {offsets = [0, 10], sizes = [128, 1], strides = [1, 1]} : vector<128x63xf32> to vector<128x1xf32>
    %sub3A_630 = arith.subf %min3A_628, %min3A_620 : vector<128x128xf32>
    %mul3A_631 = vector.broadcast %slice3A_629 : vector<128x1xf32> to vector<128x128xf32>
    %mul3A_632 = arith.mulf %mul3A_631, %sub3A_630 : vector<128x128xf32>
    %add3A_633 = arith.addf %add3A_625, %mul3A_632 : vector<128x128xf32>
    %slice3A_634 = vector.extract_strided_slice %slice3A_539 {offsets = [0, 12], sizes = [128, 1], strides = [1, 1]} : vector<128x63xf32> to vector<128x1xf32>
    %min3A_635 = vector.broadcast %slice3A_634 : vector<128x1xf32> to vector<128x128xf32>
    %min3A_636 = arith.minimumf %broadcast_in_dim3A_36, %min3A_635 : vector<128x128xf32>
    %slice3A_637 = vector.extract_strided_slice %slice3A_540 {offsets = [0, 11], sizes = [128, 1], strides = [1, 1]} : vector<128x63xf32> to vector<128x1xf32>
    %sub3A_638 = arith.subf %min3A_636, %min3A_628 : vector<128x128xf32>
    %mul3A_639 = vector.broadcast %slice3A_637 : vector<128x1xf32> to vector<128x128xf32>
    %mul3A_640 = arith.mulf %mul3A_639, %sub3A_638 : vector<128x128xf32>
    %add3A_641 = arith.addf %add3A_633, %mul3A_640 : vector<128x128xf32>
    %slice3A_642 = vector.extract_strided_slice %slice3A_539 {offsets = [0, 13], sizes = [128, 1], strides = [1, 1]} : vector<128x63xf32> to vector<128x1xf32>
    %min3A_643 = vector.broadcast %slice3A_642 : vector<128x1xf32> to vector<128x128xf32>
    %min3A_644 = arith.minimumf %broadcast_in_dim3A_36, %min3A_643 : vector<128x128xf32>
    %slice3A_645 = vector.extract_strided_slice %slice3A_540 {offsets = [0, 12], sizes = [128, 1], strides = [1, 1]} : vector<128x63xf32> to vector<128x1xf32>
    %sub3A_646 = arith.subf %min3A_644, %min3A_636 : vector<128x128xf32>
    %mul3A_647 = vector.broadcast %slice3A_645 : vector<128x1xf32> to vector<128x128xf32>
    %mul3A_648 = arith.mulf %mul3A_647, %sub3A_646 : vector<128x128xf32>
    %add3A_649 = arith.addf %add3A_641, %mul3A_648 : vector<128x128xf32>
    %slice3A_650 = vector.extract_strided_slice %slice3A_539 {offsets = [0, 14], sizes = [128, 1], strides = [1, 1]} : vector<128x63xf32> to vector<128x1xf32>
    %min3A_651 = vector.broadcast %slice3A_650 : vector<128x1xf32> to vector<128x128xf32>
    %min3A_652 = arith.minimumf %broadcast_in_dim3A_36, %min3A_651 : vector<128x128xf32>
    %slice3A_653 = vector.extract_strided_slice %slice3A_540 {offsets = [0, 13], sizes = [128, 1], strides = [1, 1]} : vector<128x63xf32> to vector<128x1xf32>
    %sub3A_654 = arith.subf %min3A_652, %min3A_644 : vector<128x128xf32>
    %mul3A_655 = vector.broadcast %slice3A_653 : vector<128x1xf32> to vector<128x128xf32>
    %mul3A_656 = arith.mulf %mul3A_655, %sub3A_654 : vector<128x128xf32>
    %add3A_657 = arith.addf %add3A_649, %mul3A_656 : vector<128x128xf32>
    %slice3A_658 = vector.extract_strided_slice %slice3A_539 {offsets = [0, 15], sizes = [128, 1], strides = [1, 1]} : vector<128x63xf32> to vector<128x1xf32>
    %min3A_659 = vector.broadcast %slice3A_658 : vector<128x1xf32> to vector<128x128xf32>
    %min3A_660 = arith.minimumf %broadcast_in_dim3A_36, %min3A_659 : vector<128x128xf32>
    %slice3A_661 = vector.extract_strided_slice %slice3A_540 {offsets = [0, 14], sizes = [128, 1], strides = [1, 1]} : vector<128x63xf32> to vector<128x1xf32>
    %sub3A_662 = arith.subf %min3A_660, %min3A_652 : vector<128x128xf32>
    %mul3A_663 = vector.broadcast %slice3A_661 : vector<128x1xf32> to vector<128x128xf32>
    %mul3A_664 = arith.mulf %mul3A_663, %sub3A_662 : vector<128x128xf32>
    %add3A_665 = arith.addf %add3A_657, %mul3A_664 : vector<128x128xf32>
    %slice3A_666 = vector.extract_strided_slice %slice3A_539 {offsets = [0, 16], sizes = [128, 1], strides = [1, 1]} : vector<128x63xf32> to vector<128x1xf32>
    %min3A_667 = vector.broadcast %slice3A_666 : vector<128x1xf32> to vector<128x128xf32>
    %min3A_668 = arith.minimumf %broadcast_in_dim3A_36, %min3A_667 : vector<128x128xf32>
    %slice3A_669 = vector.extract_strided_slice %slice3A_540 {offsets = [0, 15], sizes = [128, 1], strides = [1, 1]} : vector<128x63xf32> to vector<128x1xf32>
    %sub3A_670 = arith.subf %min3A_668, %min3A_660 : vector<128x128xf32>
    %mul3A_671 = vector.broadcast %slice3A_669 : vector<128x1xf32> to vector<128x128xf32>
    %mul3A_672 = arith.mulf %mul3A_671, %sub3A_670 : vector<128x128xf32>
    %add3A_673 = arith.addf %add3A_665, %mul3A_672 : vector<128x128xf32>
    %slice3A_674 = vector.extract_strided_slice %slice3A_539 {offsets = [0, 17], sizes = [128, 1], strides = [1, 1]} : vector<128x63xf32> to vector<128x1xf32>
    %min3A_675 = vector.broadcast %slice3A_674 : vector<128x1xf32> to vector<128x128xf32>
    %min3A_676 = arith.minimumf %broadcast_in_dim3A_36, %min3A_675 : vector<128x128xf32>
    %slice3A_677 = vector.extract_strided_slice %slice3A_540 {offsets = [0, 16], sizes = [128, 1], strides = [1, 1]} : vector<128x63xf32> to vector<128x1xf32>
    %sub3A_678 = arith.subf %min3A_676, %min3A_668 : vector<128x128xf32>
    %mul3A_679 = vector.broadcast %slice3A_677 : vector<128x1xf32> to vector<128x128xf32>
    %mul3A_680 = arith.mulf %mul3A_679, %sub3A_678 : vector<128x128xf32>
    %add3A_681 = arith.addf %add3A_673, %mul3A_680 : vector<128x128xf32>
    %slice3A_682 = vector.extract_strided_slice %slice3A_539 {offsets = [0, 18], sizes = [128, 1], strides = [1, 1]} : vector<128x63xf32> to vector<128x1xf32>
    %min3A_683 = vector.broadcast %slice3A_682 : vector<128x1xf32> to vector<128x128xf32>
    %min3A_684 = arith.minimumf %broadcast_in_dim3A_36, %min3A_683 : vector<128x128xf32>
    %slice3A_685 = vector.extract_strided_slice %slice3A_540 {offsets = [0, 17], sizes = [128, 1], strides = [1, 1]} : vector<128x63xf32> to vector<128x1xf32>
    %sub3A_686 = arith.subf %min3A_684, %min3A_676 : vector<128x128xf32>
    %mul3A_687 = vector.broadcast %slice3A_685 : vector<128x1xf32> to vector<128x128xf32>
    %mul3A_688 = arith.mulf %mul3A_687, %sub3A_686 : vector<128x128xf32>
    %add3A_689 = arith.addf %add3A_681, %mul3A_688 : vector<128x128xf32>
    %slice3A_690 = vector.extract_strided_slice %slice3A_539 {offsets = [0, 19], sizes = [128, 1], strides = [1, 1]} : vector<128x63xf32> to vector<128x1xf32>
    %min3A_691 = vector.broadcast %slice3A_690 : vector<128x1xf32> to vector<128x128xf32>
    %min3A_692 = arith.minimumf %broadcast_in_dim3A_36, %min3A_691 : vector<128x128xf32>
    %slice3A_693 = vector.extract_strided_slice %slice3A_540 {offsets = [0, 18], sizes = [128, 1], strides = [1, 1]} : vector<128x63xf32> to vector<128x1xf32>
    %sub3A_694 = arith.subf %min3A_692, %min3A_684 : vector<128x128xf32>
    %mul3A_695 = vector.broadcast %slice3A_693 : vector<128x1xf32> to vector<128x128xf32>
    %mul3A_696 = arith.mulf %mul3A_695, %sub3A_694 : vector<128x128xf32>
    %add3A_697 = arith.addf %add3A_689, %mul3A_696 : vector<128x128xf32>
    %slice3A_698 = vector.extract_strided_slice %slice3A_539 {offsets = [0, 20], sizes = [128, 1], strides = [1, 1]} : vector<128x63xf32> to vector<128x1xf32>
    %min3A_699 = vector.broadcast %slice3A_698 : vector<128x1xf32> to vector<128x128xf32>
    %min3A_700 = arith.minimumf %broadcast_in_dim3A_36, %min3A_699 : vector<128x128xf32>
    %slice3A_701 = vector.extract_strided_slice %slice3A_540 {offsets = [0, 19], sizes = [128, 1], strides = [1, 1]} : vector<128x63xf32> to vector<128x1xf32>
    %sub3A_702 = arith.subf %min3A_700, %min3A_692 : vector<128x128xf32>
    %mul3A_703 = vector.broadcast %slice3A_701 : vector<128x1xf32> to vector<128x128xf32>
    %mul3A_704 = arith.mulf %mul3A_703, %sub3A_702 : vector<128x128xf32>
    %add3A_705 = arith.addf %add3A_697, %mul3A_704 : vector<128x128xf32>
    %slice3A_706 = vector.extract_strided_slice %slice3A_539 {offsets = [0, 21], sizes = [128, 1], strides = [1, 1]} : vector<128x63xf32> to vector<128x1xf32>
    %min3A_707 = vector.broadcast %slice3A_706 : vector<128x1xf32> to vector<128x128xf32>
    %min3A_708 = arith.minimumf %broadcast_in_dim3A_36, %min3A_707 : vector<128x128xf32>
    %slice3A_709 = vector.extract_strided_slice %slice3A_540 {offsets = [0, 20], sizes = [128, 1], strides = [1, 1]} : vector<128x63xf32> to vector<128x1xf32>
    %sub3A_710 = arith.subf %min3A_708, %min3A_700 : vector<128x128xf32>
    %mul3A_711 = vector.broadcast %slice3A_709 : vector<128x1xf32> to vector<128x128xf32>
    %mul3A_712 = arith.mulf %mul3A_711, %sub3A_710 : vector<128x128xf32>
    %add3A_713 = arith.addf %add3A_705, %mul3A_712 : vector<128x128xf32>
    %slice3A_714 = vector.extract_strided_slice %slice3A_539 {offsets = [0, 22], sizes = [128, 1], strides = [1, 1]} : vector<128x63xf32> to vector<128x1xf32>
    %min3A_715 = vector.broadcast %slice3A_714 : vector<128x1xf32> to vector<128x128xf32>
    %min3A_716 = arith.minimumf %broadcast_in_dim3A_36, %min3A_715 : vector<128x128xf32>
    %slice3A_717 = vector.extract_strided_slice %slice3A_540 {offsets = [0, 21], sizes = [128, 1], strides = [1, 1]} : vector<128x63xf32> to vector<128x1xf32>
    %sub3A_718 = arith.subf %min3A_716, %min3A_708 : vector<128x128xf32>
    %mul3A_719 = vector.broadcast %slice3A_717 : vector<128x1xf32> to vector<128x128xf32>
    %mul3A_720 = arith.mulf %mul3A_719, %sub3A_718 : vector<128x128xf32>
    %add3A_721 = arith.addf %add3A_713, %mul3A_720 : vector<128x128xf32>
    %slice3A_722 = vector.extract_strided_slice %slice3A_539 {offsets = [0, 23], sizes = [128, 1], strides = [1, 1]} : vector<128x63xf32> to vector<128x1xf32>
    %min3A_723 = vector.broadcast %slice3A_722 : vector<128x1xf32> to vector<128x128xf32>
    %min3A_724 = arith.minimumf %broadcast_in_dim3A_36, %min3A_723 : vector<128x128xf32>
    %slice3A_725 = vector.extract_strided_slice %slice3A_540 {offsets = [0, 22], sizes = [128, 1], strides = [1, 1]} : vector<128x63xf32> to vector<128x1xf32>
    %sub3A_726 = arith.subf %min3A_724, %min3A_716 : vector<128x128xf32>
    %mul3A_727 = vector.broadcast %slice3A_725 : vector<128x1xf32> to vector<128x128xf32>
    %mul3A_728 = arith.mulf %mul3A_727, %sub3A_726 : vector<128x128xf32>
    %add3A_729 = arith.addf %add3A_721, %mul3A_728 : vector<128x128xf32>
    %slice3A_730 = vector.extract_strided_slice %slice3A_539 {offsets = [0, 24], sizes = [128, 1], strides = [1, 1]} : vector<128x63xf32> to vector<128x1xf32>
    %min3A_731 = vector.broadcast %slice3A_730 : vector<128x1xf32> to vector<128x128xf32>
    %min3A_732 = arith.minimumf %broadcast_in_dim3A_36, %min3A_731 : vector<128x128xf32>
    %slice3A_733 = vector.extract_strided_slice %slice3A_540 {offsets = [0, 23], sizes = [128, 1], strides = [1, 1]} : vector<128x63xf32> to vector<128x1xf32>
    %sub3A_734 = arith.subf %min3A_732, %min3A_724 : vector<128x128xf32>
    %mul3A_735 = vector.broadcast %slice3A_733 : vector<128x1xf32> to vector<128x128xf32>
    %mul3A_736 = arith.mulf %mul3A_735, %sub3A_734 : vector<128x128xf32>
    %add3A_737 = arith.addf %add3A_729, %mul3A_736 : vector<128x128xf32>
    %slice3A_738 = vector.extract_strided_slice %slice3A_539 {offsets = [0, 25], sizes = [128, 1], strides = [1, 1]} : vector<128x63xf32> to vector<128x1xf32>
    %min3A_739 = vector.broadcast %slice3A_738 : vector<128x1xf32> to vector<128x128xf32>
    %min3A_740 = arith.minimumf %broadcast_in_dim3A_36, %min3A_739 : vector<128x128xf32>
    %slice3A_741 = vector.extract_strided_slice %slice3A_540 {offsets = [0, 24], sizes = [128, 1], strides = [1, 1]} : vector<128x63xf32> to vector<128x1xf32>
    %sub3A_742 = arith.subf %min3A_740, %min3A_732 : vector<128x128xf32>
    %mul3A_743 = vector.broadcast %slice3A_741 : vector<128x1xf32> to vector<128x128xf32>
    %mul3A_744 = arith.mulf %mul3A_743, %sub3A_742 : vector<128x128xf32>
    %add3A_745 = arith.addf %add3A_737, %mul3A_744 : vector<128x128xf32>
    %slice3A_746 = vector.extract_strided_slice %slice3A_539 {offsets = [0, 26], sizes = [128, 1], strides = [1, 1]} : vector<128x63xf32> to vector<128x1xf32>
    %min3A_747 = vector.broadcast %slice3A_746 : vector<128x1xf32> to vector<128x128xf32>
    %min3A_748 = arith.minimumf %broadcast_in_dim3A_36, %min3A_747 : vector<128x128xf32>
    %slice3A_749 = vector.extract_strided_slice %slice3A_540 {offsets = [0, 25], sizes = [128, 1], strides = [1, 1]} : vector<128x63xf32> to vector<128x1xf32>
    %sub3A_750 = arith.subf %min3A_748, %min3A_740 : vector<128x128xf32>
    %mul3A_751 = vector.broadcast %slice3A_749 : vector<128x1xf32> to vector<128x128xf32>
    %mul3A_752 = arith.mulf %mul3A_751, %sub3A_750 : vector<128x128xf32>
    %add3A_753 = arith.addf %add3A_745, %mul3A_752 : vector<128x128xf32>
    %slice3A_754 = vector.extract_strided_slice %slice3A_539 {offsets = [0, 27], sizes = [128, 1], strides = [1, 1]} : vector<128x63xf32> to vector<128x1xf32>
    %min3A_755 = vector.broadcast %slice3A_754 : vector<128x1xf32> to vector<128x128xf32>
    %min3A_756 = arith.minimumf %broadcast_in_dim3A_36, %min3A_755 : vector<128x128xf32>
    %slice3A_757 = vector.extract_strided_slice %slice3A_540 {offsets = [0, 26], sizes = [128, 1], strides = [1, 1]} : vector<128x63xf32> to vector<128x1xf32>
    %sub3A_758 = arith.subf %min3A_756, %min3A_748 : vector<128x128xf32>
    %mul3A_759 = vector.broadcast %slice3A_757 : vector<128x1xf32> to vector<128x128xf32>
    %mul3A_760 = arith.mulf %mul3A_759, %sub3A_758 : vector<128x128xf32>
    %add3A_761 = arith.addf %add3A_753, %mul3A_760 : vector<128x128xf32>
    %slice3A_762 = vector.extract_strided_slice %slice3A_539 {offsets = [0, 28], sizes = [128, 1], strides = [1, 1]} : vector<128x63xf32> to vector<128x1xf32>
    %min3A_763 = vector.broadcast %slice3A_762 : vector<128x1xf32> to vector<128x128xf32>
    %min3A_764 = arith.minimumf %broadcast_in_dim3A_36, %min3A_763 : vector<128x128xf32>
    %slice3A_765 = vector.extract_strided_slice %slice3A_540 {offsets = [0, 27], sizes = [128, 1], strides = [1, 1]} : vector<128x63xf32> to vector<128x1xf32>
    %sub3A_766 = arith.subf %min3A_764, %min3A_756 : vector<128x128xf32>
    %mul3A_767 = vector.broadcast %slice3A_765 : vector<128x1xf32> to vector<128x128xf32>
    %mul3A_768 = arith.mulf %mul3A_767, %sub3A_766 : vector<128x128xf32>
    %add3A_769 = arith.addf %add3A_761, %mul3A_768 : vector<128x128xf32>
    %slice3A_770 = vector.extract_strided_slice %slice3A_539 {offsets = [0, 29], sizes = [128, 1], strides = [1, 1]} : vector<128x63xf32> to vector<128x1xf32>
    %min3A_771 = vector.broadcast %slice3A_770 : vector<128x1xf32> to vector<128x128xf32>
    %min3A_772 = arith.minimumf %broadcast_in_dim3A_36, %min3A_771 : vector<128x128xf32>
    %slice3A_773 = vector.extract_strided_slice %slice3A_540 {offsets = [0, 28], sizes = [128, 1], strides = [1, 1]} : vector<128x63xf32> to vector<128x1xf32>
    %sub3A_774 = arith.subf %min3A_772, %min3A_764 : vector<128x128xf32>
    %mul3A_775 = vector.broadcast %slice3A_773 : vector<128x1xf32> to vector<128x128xf32>
    %mul3A_776 = arith.mulf %mul3A_775, %sub3A_774 : vector<128x128xf32>
    %add3A_777 = arith.addf %add3A_769, %mul3A_776 : vector<128x128xf32>
    %slice3A_778 = vector.extract_strided_slice %slice3A_539 {offsets = [0, 30], sizes = [128, 1], strides = [1, 1]} : vector<128x63xf32> to vector<128x1xf32>
    %min3A_779 = vector.broadcast %slice3A_778 : vector<128x1xf32> to vector<128x128xf32>
    %min3A_780 = arith.minimumf %broadcast_in_dim3A_36, %min3A_779 : vector<128x128xf32>
    %slice3A_781 = vector.extract_strided_slice %slice3A_540 {offsets = [0, 29], sizes = [128, 1], strides = [1, 1]} : vector<128x63xf32> to vector<128x1xf32>
    %sub3A_782 = arith.subf %min3A_780, %min3A_772 : vector<128x128xf32>
    %mul3A_783 = vector.broadcast %slice3A_781 : vector<128x1xf32> to vector<128x128xf32>
    %mul3A_784 = arith.mulf %mul3A_783, %sub3A_782 : vector<128x128xf32>
    %add3A_785 = arith.addf %add3A_777, %mul3A_784 : vector<128x128xf32>
    %slice3A_786 = vector.extract_strided_slice %slice3A_539 {offsets = [0, 31], sizes = [128, 1], strides = [1, 1]} : vector<128x63xf32> to vector<128x1xf32>
    %min3A_787 = vector.broadcast %slice3A_786 : vector<128x1xf32> to vector<128x128xf32>
    %min3A_788 = arith.minimumf %broadcast_in_dim3A_36, %min3A_787 : vector<128x128xf32>
    %slice3A_789 = vector.extract_strided_slice %slice3A_540 {offsets = [0, 30], sizes = [128, 1], strides = [1, 1]} : vector<128x63xf32> to vector<128x1xf32>
    %sub3A_790 = arith.subf %min3A_788, %min3A_780 : vector<128x128xf32>
    %mul3A_791 = vector.broadcast %slice3A_789 : vector<128x1xf32> to vector<128x128xf32>
    %mul3A_792 = arith.mulf %mul3A_791, %sub3A_790 : vector<128x128xf32>
    %add3A_793 = arith.addf %add3A_785, %mul3A_792 : vector<128x128xf32>
    %slice3A_794 = vector.extract_strided_slice %slice3A_539 {offsets = [0, 32], sizes = [128, 1], strides = [1, 1]} : vector<128x63xf32> to vector<128x1xf32>
    %min3A_795 = vector.broadcast %slice3A_794 : vector<128x1xf32> to vector<128x128xf32>
    %min3A_796 = arith.minimumf %broadcast_in_dim3A_36, %min3A_795 : vector<128x128xf32>
    %slice3A_797 = vector.extract_strided_slice %slice3A_540 {offsets = [0, 31], sizes = [128, 1], strides = [1, 1]} : vector<128x63xf32> to vector<128x1xf32>
    %sub3A_798 = arith.subf %min3A_796, %min3A_788 : vector<128x128xf32>
    %mul3A_799 = vector.broadcast %slice3A_797 : vector<128x1xf32> to vector<128x128xf32>
    %mul3A_800 = arith.mulf %mul3A_799, %sub3A_798 : vector<128x128xf32>
    %add3A_801 = arith.addf %add3A_793, %mul3A_800 : vector<128x128xf32>
    %slice3A_802 = vector.extract_strided_slice %slice3A_539 {offsets = [0, 33], sizes = [128, 1], strides = [1, 1]} : vector<128x63xf32> to vector<128x1xf32>
    %min3A_803 = vector.broadcast %slice3A_802 : vector<128x1xf32> to vector<128x128xf32>
    %min3A_804 = arith.minimumf %broadcast_in_dim3A_36, %min3A_803 : vector<128x128xf32>
    %slice3A_805 = vector.extract_strided_slice %slice3A_540 {offsets = [0, 32], sizes = [128, 1], strides = [1, 1]} : vector<128x63xf32> to vector<128x1xf32>
    %sub3A_806 = arith.subf %min3A_804, %min3A_796 : vector<128x128xf32>
    %mul3A_807 = vector.broadcast %slice3A_805 : vector<128x1xf32> to vector<128x128xf32>
    %mul3A_808 = arith.mulf %mul3A_807, %sub3A_806 : vector<128x128xf32>
    %add3A_809 = arith.addf %add3A_801, %mul3A_808 : vector<128x128xf32>
    %slice3A_810 = vector.extract_strided_slice %slice3A_539 {offsets = [0, 34], sizes = [128, 1], strides = [1, 1]} : vector<128x63xf32> to vector<128x1xf32>
    %min3A_811 = vector.broadcast %slice3A_810 : vector<128x1xf32> to vector<128x128xf32>
    %min3A_812 = arith.minimumf %broadcast_in_dim3A_36, %min3A_811 : vector<128x128xf32>
    %slice3A_813 = vector.extract_strided_slice %slice3A_540 {offsets = [0, 33], sizes = [128, 1], strides = [1, 1]} : vector<128x63xf32> to vector<128x1xf32>
    %sub3A_814 = arith.subf %min3A_812, %min3A_804 : vector<128x128xf32>
    %mul3A_815 = vector.broadcast %slice3A_813 : vector<128x1xf32> to vector<128x128xf32>
    %mul3A_816 = arith.mulf %mul3A_815, %sub3A_814 : vector<128x128xf32>
    %add3A_817 = arith.addf %add3A_809, %mul3A_816 : vector<128x128xf32>
    %slice3A_818 = vector.extract_strided_slice %slice3A_539 {offsets = [0, 35], sizes = [128, 1], strides = [1, 1]} : vector<128x63xf32> to vector<128x1xf32>
    %min3A_819 = vector.broadcast %slice3A_818 : vector<128x1xf32> to vector<128x128xf32>
    %min3A_820 = arith.minimumf %broadcast_in_dim3A_36, %min3A_819 : vector<128x128xf32>
    %slice3A_821 = vector.extract_strided_slice %slice3A_540 {offsets = [0, 34], sizes = [128, 1], strides = [1, 1]} : vector<128x63xf32> to vector<128x1xf32>
    %sub3A_822 = arith.subf %min3A_820, %min3A_812 : vector<128x128xf32>
    %mul3A_823 = vector.broadcast %slice3A_821 : vector<128x1xf32> to vector<128x128xf32>
    %mul3A_824 = arith.mulf %mul3A_823, %sub3A_822 : vector<128x128xf32>
    %add3A_825 = arith.addf %add3A_817, %mul3A_824 : vector<128x128xf32>
    %slice3A_826 = vector.extract_strided_slice %slice3A_539 {offsets = [0, 36], sizes = [128, 1], strides = [1, 1]} : vector<128x63xf32> to vector<128x1xf32>
    %min3A_827 = vector.broadcast %slice3A_826 : vector<128x1xf32> to vector<128x128xf32>
    %min3A_828 = arith.minimumf %broadcast_in_dim3A_36, %min3A_827 : vector<128x128xf32>
    %slice3A_829 = vector.extract_strided_slice %slice3A_540 {offsets = [0, 35], sizes = [128, 1], strides = [1, 1]} : vector<128x63xf32> to vector<128x1xf32>
    %sub3A_830 = arith.subf %min3A_828, %min3A_820 : vector<128x128xf32>
    %mul3A_831 = vector.broadcast %slice3A_829 : vector<128x1xf32> to vector<128x128xf32>
    %mul3A_832 = arith.mulf %mul3A_831, %sub3A_830 : vector<128x128xf32>
    %add3A_833 = arith.addf %add3A_825, %mul3A_832 : vector<128x128xf32>
    %slice3A_834 = vector.extract_strided_slice %slice3A_539 {offsets = [0, 37], sizes = [128, 1], strides = [1, 1]} : vector<128x63xf32> to vector<128x1xf32>
    %min3A_835 = vector.broadcast %slice3A_834 : vector<128x1xf32> to vector<128x128xf32>
    %min3A_836 = arith.minimumf %broadcast_in_dim3A_36, %min3A_835 : vector<128x128xf32>
    %slice3A_837 = vector.extract_strided_slice %slice3A_540 {offsets = [0, 36], sizes = [128, 1], strides = [1, 1]} : vector<128x63xf32> to vector<128x1xf32>
    %sub3A_838 = arith.subf %min3A_836, %min3A_828 : vector<128x128xf32>
    %mul3A_839 = vector.broadcast %slice3A_837 : vector<128x1xf32> to vector<128x128xf32>
    %mul3A_840 = arith.mulf %mul3A_839, %sub3A_838 : vector<128x128xf32>
    %add3A_841 = arith.addf %add3A_833, %mul3A_840 : vector<128x128xf32>
    %slice3A_842 = vector.extract_strided_slice %slice3A_539 {offsets = [0, 38], sizes = [128, 1], strides = [1, 1]} : vector<128x63xf32> to vector<128x1xf32>
    %min3A_843 = vector.broadcast %slice3A_842 : vector<128x1xf32> to vector<128x128xf32>
    %min3A_844 = arith.minimumf %broadcast_in_dim3A_36, %min3A_843 : vector<128x128xf32>
    %slice3A_845 = vector.extract_strided_slice %slice3A_540 {offsets = [0, 37], sizes = [128, 1], strides = [1, 1]} : vector<128x63xf32> to vector<128x1xf32>
    %sub3A_846 = arith.subf %min3A_844, %min3A_836 : vector<128x128xf32>
    %mul3A_847 = vector.broadcast %slice3A_845 : vector<128x1xf32> to vector<128x128xf32>
    %mul3A_848 = arith.mulf %mul3A_847, %sub3A_846 : vector<128x128xf32>
    %add3A_849 = arith.addf %add3A_841, %mul3A_848 : vector<128x128xf32>
    %slice3A_850 = vector.extract_strided_slice %slice3A_539 {offsets = [0, 39], sizes = [128, 1], strides = [1, 1]} : vector<128x63xf32> to vector<128x1xf32>
    %min3A_851 = vector.broadcast %slice3A_850 : vector<128x1xf32> to vector<128x128xf32>
    %min3A_852 = arith.minimumf %broadcast_in_dim3A_36, %min3A_851 : vector<128x128xf32>
    %slice3A_853 = vector.extract_strided_slice %slice3A_540 {offsets = [0, 38], sizes = [128, 1], strides = [1, 1]} : vector<128x63xf32> to vector<128x1xf32>
    %sub3A_854 = arith.subf %min3A_852, %min3A_844 : vector<128x128xf32>
    %mul3A_855 = vector.broadcast %slice3A_853 : vector<128x1xf32> to vector<128x128xf32>
    %mul3A_856 = arith.mulf %mul3A_855, %sub3A_854 : vector<128x128xf32>
    %add3A_857 = arith.addf %add3A_849, %mul3A_856 : vector<128x128xf32>
    %slice3A_858 = vector.extract_strided_slice %slice3A_539 {offsets = [0, 40], sizes = [128, 1], strides = [1, 1]} : vector<128x63xf32> to vector<128x1xf32>
    %min3A_859 = vector.broadcast %slice3A_858 : vector<128x1xf32> to vector<128x128xf32>
    %min3A_860 = arith.minimumf %broadcast_in_dim3A_36, %min3A_859 : vector<128x128xf32>
    %slice3A_861 = vector.extract_strided_slice %slice3A_540 {offsets = [0, 39], sizes = [128, 1], strides = [1, 1]} : vector<128x63xf32> to vector<128x1xf32>
    %sub3A_862 = arith.subf %min3A_860, %min3A_852 : vector<128x128xf32>
    %mul3A_863 = vector.broadcast %slice3A_861 : vector<128x1xf32> to vector<128x128xf32>
    %mul3A_864 = arith.mulf %mul3A_863, %sub3A_862 : vector<128x128xf32>
    %add3A_865 = arith.addf %add3A_857, %mul3A_864 : vector<128x128xf32>
    %slice3A_866 = vector.extract_strided_slice %slice3A_539 {offsets = [0, 41], sizes = [128, 1], strides = [1, 1]} : vector<128x63xf32> to vector<128x1xf32>
    %min3A_867 = vector.broadcast %slice3A_866 : vector<128x1xf32> to vector<128x128xf32>
    %min3A_868 = arith.minimumf %broadcast_in_dim3A_36, %min3A_867 : vector<128x128xf32>
    %slice3A_869 = vector.extract_strided_slice %slice3A_540 {offsets = [0, 40], sizes = [128, 1], strides = [1, 1]} : vector<128x63xf32> to vector<128x1xf32>
    %sub3A_870 = arith.subf %min3A_868, %min3A_860 : vector<128x128xf32>
    %mul3A_871 = vector.broadcast %slice3A_869 : vector<128x1xf32> to vector<128x128xf32>
    %mul3A_872 = arith.mulf %mul3A_871, %sub3A_870 : vector<128x128xf32>
    %add3A_873 = arith.addf %add3A_865, %mul3A_872 : vector<128x128xf32>
    %slice3A_874 = vector.extract_strided_slice %slice3A_539 {offsets = [0, 42], sizes = [128, 1], strides = [1, 1]} : vector<128x63xf32> to vector<128x1xf32>
    %min3A_875 = vector.broadcast %slice3A_874 : vector<128x1xf32> to vector<128x128xf32>
    %min3A_876 = arith.minimumf %broadcast_in_dim3A_36, %min3A_875 : vector<128x128xf32>
    %slice3A_877 = vector.extract_strided_slice %slice3A_540 {offsets = [0, 41], sizes = [128, 1], strides = [1, 1]} : vector<128x63xf32> to vector<128x1xf32>
    %sub3A_878 = arith.subf %min3A_876, %min3A_868 : vector<128x128xf32>
    %mul3A_879 = vector.broadcast %slice3A_877 : vector<128x1xf32> to vector<128x128xf32>
    %mul3A_880 = arith.mulf %mul3A_879, %sub3A_878 : vector<128x128xf32>
    %add3A_881 = arith.addf %add3A_873, %mul3A_880 : vector<128x128xf32>
    %slice3A_882 = vector.extract_strided_slice %slice3A_539 {offsets = [0, 43], sizes = [128, 1], strides = [1, 1]} : vector<128x63xf32> to vector<128x1xf32>
    %min3A_883 = vector.broadcast %slice3A_882 : vector<128x1xf32> to vector<128x128xf32>
    %min3A_884 = arith.minimumf %broadcast_in_dim3A_36, %min3A_883 : vector<128x128xf32>
    %slice3A_885 = vector.extract_strided_slice %slice3A_540 {offsets = [0, 42], sizes = [128, 1], strides = [1, 1]} : vector<128x63xf32> to vector<128x1xf32>
    %sub3A_886 = arith.subf %min3A_884, %min3A_876 : vector<128x128xf32>
    %mul3A_887 = vector.broadcast %slice3A_885 : vector<128x1xf32> to vector<128x128xf32>
    %mul3A_888 = arith.mulf %mul3A_887, %sub3A_886 : vector<128x128xf32>
    %add3A_889 = arith.addf %add3A_881, %mul3A_888 : vector<128x128xf32>
    %slice3A_890 = vector.extract_strided_slice %slice3A_539 {offsets = [0, 44], sizes = [128, 1], strides = [1, 1]} : vector<128x63xf32> to vector<128x1xf32>
    %min3A_891 = vector.broadcast %slice3A_890 : vector<128x1xf32> to vector<128x128xf32>
    %min3A_892 = arith.minimumf %broadcast_in_dim3A_36, %min3A_891 : vector<128x128xf32>
    %slice3A_893 = vector.extract_strided_slice %slice3A_540 {offsets = [0, 43], sizes = [128, 1], strides = [1, 1]} : vector<128x63xf32> to vector<128x1xf32>
    %sub3A_894 = arith.subf %min3A_892, %min3A_884 : vector<128x128xf32>
    %mul3A_895 = vector.broadcast %slice3A_893 : vector<128x1xf32> to vector<128x128xf32>
    %mul3A_896 = arith.mulf %mul3A_895, %sub3A_894 : vector<128x128xf32>
    %add3A_897 = arith.addf %add3A_889, %mul3A_896 : vector<128x128xf32>
    %slice3A_898 = vector.extract_strided_slice %slice3A_539 {offsets = [0, 45], sizes = [128, 1], strides = [1, 1]} : vector<128x63xf32> to vector<128x1xf32>
    %min3A_899 = vector.broadcast %slice3A_898 : vector<128x1xf32> to vector<128x128xf32>
    %min3A_900 = arith.minimumf %broadcast_in_dim3A_36, %min3A_899 : vector<128x128xf32>
    %slice3A_901 = vector.extract_strided_slice %slice3A_540 {offsets = [0, 44], sizes = [128, 1], strides = [1, 1]} : vector<128x63xf32> to vector<128x1xf32>
    %sub3A_902 = arith.subf %min3A_900, %min3A_892 : vector<128x128xf32>
    %mul3A_903 = vector.broadcast %slice3A_901 : vector<128x1xf32> to vector<128x128xf32>
    %mul3A_904 = arith.mulf %mul3A_903, %sub3A_902 : vector<128x128xf32>
    %add3A_905 = arith.addf %add3A_897, %mul3A_904 : vector<128x128xf32>
    %slice3A_906 = vector.extract_strided_slice %slice3A_539 {offsets = [0, 46], sizes = [128, 1], strides = [1, 1]} : vector<128x63xf32> to vector<128x1xf32>
    %min3A_907 = vector.broadcast %slice3A_906 : vector<128x1xf32> to vector<128x128xf32>
    %min3A_908 = arith.minimumf %broadcast_in_dim3A_36, %min3A_907 : vector<128x128xf32>
    %slice3A_909 = vector.extract_strided_slice %slice3A_540 {offsets = [0, 45], sizes = [128, 1], strides = [1, 1]} : vector<128x63xf32> to vector<128x1xf32>
    %sub3A_910 = arith.subf %min3A_908, %min3A_900 : vector<128x128xf32>
    %mul3A_911 = vector.broadcast %slice3A_909 : vector<128x1xf32> to vector<128x128xf32>
    %mul3A_912 = arith.mulf %mul3A_911, %sub3A_910 : vector<128x128xf32>
    %add3A_913 = arith.addf %add3A_905, %mul3A_912 : vector<128x128xf32>
    %slice3A_914 = vector.extract_strided_slice %slice3A_539 {offsets = [0, 47], sizes = [128, 1], strides = [1, 1]} : vector<128x63xf32> to vector<128x1xf32>
    %min3A_915 = vector.broadcast %slice3A_914 : vector<128x1xf32> to vector<128x128xf32>
    %min3A_916 = arith.minimumf %broadcast_in_dim3A_36, %min3A_915 : vector<128x128xf32>
    %slice3A_917 = vector.extract_strided_slice %slice3A_540 {offsets = [0, 46], sizes = [128, 1], strides = [1, 1]} : vector<128x63xf32> to vector<128x1xf32>
    %sub3A_918 = arith.subf %min3A_916, %min3A_908 : vector<128x128xf32>
    %mul3A_919 = vector.broadcast %slice3A_917 : vector<128x1xf32> to vector<128x128xf32>
    %mul3A_920 = arith.mulf %mul3A_919, %sub3A_918 : vector<128x128xf32>
    %add3A_921 = arith.addf %add3A_913, %mul3A_920 : vector<128x128xf32>
    %slice3A_922 = vector.extract_strided_slice %slice3A_539 {offsets = [0, 48], sizes = [128, 1], strides = [1, 1]} : vector<128x63xf32> to vector<128x1xf32>
    %min3A_923 = vector.broadcast %slice3A_922 : vector<128x1xf32> to vector<128x128xf32>
    %min3A_924 = arith.minimumf %broadcast_in_dim3A_36, %min3A_923 : vector<128x128xf32>
    %slice3A_925 = vector.extract_strided_slice %slice3A_540 {offsets = [0, 47], sizes = [128, 1], strides = [1, 1]} : vector<128x63xf32> to vector<128x1xf32>
    %sub3A_926 = arith.subf %min3A_924, %min3A_916 : vector<128x128xf32>
    %mul3A_927 = vector.broadcast %slice3A_925 : vector<128x1xf32> to vector<128x128xf32>
    %mul3A_928 = arith.mulf %mul3A_927, %sub3A_926 : vector<128x128xf32>
    %add3A_929 = arith.addf %add3A_921, %mul3A_928 : vector<128x128xf32>
    %slice3A_930 = vector.extract_strided_slice %slice3A_539 {offsets = [0, 49], sizes = [128, 1], strides = [1, 1]} : vector<128x63xf32> to vector<128x1xf32>
    %min3A_931 = vector.broadcast %slice3A_930 : vector<128x1xf32> to vector<128x128xf32>
    %min3A_932 = arith.minimumf %broadcast_in_dim3A_36, %min3A_931 : vector<128x128xf32>
    %slice3A_933 = vector.extract_strided_slice %slice3A_540 {offsets = [0, 48], sizes = [128, 1], strides = [1, 1]} : vector<128x63xf32> to vector<128x1xf32>
    %sub3A_934 = arith.subf %min3A_932, %min3A_924 : vector<128x128xf32>
    %mul3A_935 = vector.broadcast %slice3A_933 : vector<128x1xf32> to vector<128x128xf32>
    %mul3A_936 = arith.mulf %mul3A_935, %sub3A_934 : vector<128x128xf32>
    %add3A_937 = arith.addf %add3A_929, %mul3A_936 : vector<128x128xf32>
    %slice3A_938 = vector.extract_strided_slice %slice3A_539 {offsets = [0, 50], sizes = [128, 1], strides = [1, 1]} : vector<128x63xf32> to vector<128x1xf32>
    %min3A_939 = vector.broadcast %slice3A_938 : vector<128x1xf32> to vector<128x128xf32>
    %min3A_940 = arith.minimumf %broadcast_in_dim3A_36, %min3A_939 : vector<128x128xf32>
    %slice3A_941 = vector.extract_strided_slice %slice3A_540 {offsets = [0, 49], sizes = [128, 1], strides = [1, 1]} : vector<128x63xf32> to vector<128x1xf32>
    %sub3A_942 = arith.subf %min3A_940, %min3A_932 : vector<128x128xf32>
    %mul3A_943 = vector.broadcast %slice3A_941 : vector<128x1xf32> to vector<128x128xf32>
    %mul3A_944 = arith.mulf %mul3A_943, %sub3A_942 : vector<128x128xf32>
    %add3A_945 = arith.addf %add3A_937, %mul3A_944 : vector<128x128xf32>
    %slice3A_946 = vector.extract_strided_slice %slice3A_539 {offsets = [0, 51], sizes = [128, 1], strides = [1, 1]} : vector<128x63xf32> to vector<128x1xf32>
    %min3A_947 = vector.broadcast %slice3A_946 : vector<128x1xf32> to vector<128x128xf32>
    %min3A_948 = arith.minimumf %broadcast_in_dim3A_36, %min3A_947 : vector<128x128xf32>
    %slice3A_949 = vector.extract_strided_slice %slice3A_540 {offsets = [0, 50], sizes = [128, 1], strides = [1, 1]} : vector<128x63xf32> to vector<128x1xf32>
    %sub3A_950 = arith.subf %min3A_948, %min3A_940 : vector<128x128xf32>
    %mul3A_951 = vector.broadcast %slice3A_949 : vector<128x1xf32> to vector<128x128xf32>
    %mul3A_952 = arith.mulf %mul3A_951, %sub3A_950 : vector<128x128xf32>
    %add3A_953 = arith.addf %add3A_945, %mul3A_952 : vector<128x128xf32>
    %slice3A_954 = vector.extract_strided_slice %slice3A_539 {offsets = [0, 52], sizes = [128, 1], strides = [1, 1]} : vector<128x63xf32> to vector<128x1xf32>
    %min3A_955 = vector.broadcast %slice3A_954 : vector<128x1xf32> to vector<128x128xf32>
    %min3A_956 = arith.minimumf %broadcast_in_dim3A_36, %min3A_955 : vector<128x128xf32>
    %slice3A_957 = vector.extract_strided_slice %slice3A_540 {offsets = [0, 51], sizes = [128, 1], strides = [1, 1]} : vector<128x63xf32> to vector<128x1xf32>
    %sub3A_958 = arith.subf %min3A_956, %min3A_948 : vector<128x128xf32>
    %mul3A_959 = vector.broadcast %slice3A_957 : vector<128x1xf32> to vector<128x128xf32>
    %mul3A_960 = arith.mulf %mul3A_959, %sub3A_958 : vector<128x128xf32>
    %add3A_961 = arith.addf %add3A_953, %mul3A_960 : vector<128x128xf32>
    %slice3A_962 = vector.extract_strided_slice %slice3A_539 {offsets = [0, 53], sizes = [128, 1], strides = [1, 1]} : vector<128x63xf32> to vector<128x1xf32>
    %min3A_963 = vector.broadcast %slice3A_962 : vector<128x1xf32> to vector<128x128xf32>
    %min3A_964 = arith.minimumf %broadcast_in_dim3A_36, %min3A_963 : vector<128x128xf32>
    %slice3A_965 = vector.extract_strided_slice %slice3A_540 {offsets = [0, 52], sizes = [128, 1], strides = [1, 1]} : vector<128x63xf32> to vector<128x1xf32>
    %sub3A_966 = arith.subf %min3A_964, %min3A_956 : vector<128x128xf32>
    %mul3A_967 = vector.broadcast %slice3A_965 : vector<128x1xf32> to vector<128x128xf32>
    %mul3A_968 = arith.mulf %mul3A_967, %sub3A_966 : vector<128x128xf32>
    %add3A_969 = arith.addf %add3A_961, %mul3A_968 : vector<128x128xf32>
    %slice3A_970 = vector.extract_strided_slice %slice3A_539 {offsets = [0, 54], sizes = [128, 1], strides = [1, 1]} : vector<128x63xf32> to vector<128x1xf32>
    %min3A_971 = vector.broadcast %slice3A_970 : vector<128x1xf32> to vector<128x128xf32>
    %min3A_972 = arith.minimumf %broadcast_in_dim3A_36, %min3A_971 : vector<128x128xf32>
    %slice3A_973 = vector.extract_strided_slice %slice3A_540 {offsets = [0, 53], sizes = [128, 1], strides = [1, 1]} : vector<128x63xf32> to vector<128x1xf32>
    %sub3A_974 = arith.subf %min3A_972, %min3A_964 : vector<128x128xf32>
    %mul3A_975 = vector.broadcast %slice3A_973 : vector<128x1xf32> to vector<128x128xf32>
    %mul3A_976 = arith.mulf %mul3A_975, %sub3A_974 : vector<128x128xf32>
    %add3A_977 = arith.addf %add3A_969, %mul3A_976 : vector<128x128xf32>
    %slice3A_978 = vector.extract_strided_slice %slice3A_539 {offsets = [0, 55], sizes = [128, 1], strides = [1, 1]} : vector<128x63xf32> to vector<128x1xf32>
    %min3A_979 = vector.broadcast %slice3A_978 : vector<128x1xf32> to vector<128x128xf32>
    %min3A_980 = arith.minimumf %broadcast_in_dim3A_36, %min3A_979 : vector<128x128xf32>
    %slice3A_981 = vector.extract_strided_slice %slice3A_540 {offsets = [0, 54], sizes = [128, 1], strides = [1, 1]} : vector<128x63xf32> to vector<128x1xf32>
    %sub3A_982 = arith.subf %min3A_980, %min3A_972 : vector<128x128xf32>
    %mul3A_983 = vector.broadcast %slice3A_981 : vector<128x1xf32> to vector<128x128xf32>
    %mul3A_984 = arith.mulf %mul3A_983, %sub3A_982 : vector<128x128xf32>
    %add3A_985 = arith.addf %add3A_977, %mul3A_984 : vector<128x128xf32>
    %slice3A_986 = vector.extract_strided_slice %slice3A_539 {offsets = [0, 56], sizes = [128, 1], strides = [1, 1]} : vector<128x63xf32> to vector<128x1xf32>
    %min3A_987 = vector.broadcast %slice3A_986 : vector<128x1xf32> to vector<128x128xf32>
    %min3A_988 = arith.minimumf %broadcast_in_dim3A_36, %min3A_987 : vector<128x128xf32>
    %slice3A_989 = vector.extract_strided_slice %slice3A_540 {offsets = [0, 55], sizes = [128, 1], strides = [1, 1]} : vector<128x63xf32> to vector<128x1xf32>
    %sub3A_990 = arith.subf %min3A_988, %min3A_980 : vector<128x128xf32>
    %mul3A_991 = vector.broadcast %slice3A_989 : vector<128x1xf32> to vector<128x128xf32>
    %mul3A_992 = arith.mulf %mul3A_991, %sub3A_990 : vector<128x128xf32>
    %add3A_993 = arith.addf %add3A_985, %mul3A_992 : vector<128x128xf32>
    %slice3A_994 = vector.extract_strided_slice %slice3A_539 {offsets = [0, 57], sizes = [128, 1], strides = [1, 1]} : vector<128x63xf32> to vector<128x1xf32>
    %min3A_995 = vector.broadcast %slice3A_994 : vector<128x1xf32> to vector<128x128xf32>
    %min3A_996 = arith.minimumf %broadcast_in_dim3A_36, %min3A_995 : vector<128x128xf32>
    %slice3A_997 = vector.extract_strided_slice %slice3A_540 {offsets = [0, 56], sizes = [128, 1], strides = [1, 1]} : vector<128x63xf32> to vector<128x1xf32>
    %sub3A_998 = arith.subf %min3A_996, %min3A_988 : vector<128x128xf32>
    %mul3A_999 = vector.broadcast %slice3A_997 : vector<128x1xf32> to vector<128x128xf32>
    %mul3A_1000 = arith.mulf %mul3A_999, %sub3A_998 : vector<128x128xf32>
    %add3A_1001 = arith.addf %add3A_993, %mul3A_1000 : vector<128x128xf32>
    %slice3A_1002 = vector.extract_strided_slice %slice3A_539 {offsets = [0, 58], sizes = [128, 1], strides = [1, 1]} : vector<128x63xf32> to vector<128x1xf32>
    %min3A_1003 = vector.broadcast %slice3A_1002 : vector<128x1xf32> to vector<128x128xf32>
    %min3A_1004 = arith.minimumf %broadcast_in_dim3A_36, %min3A_1003 : vector<128x128xf32>
    %slice3A_1005 = vector.extract_strided_slice %slice3A_540 {offsets = [0, 57], sizes = [128, 1], strides = [1, 1]} : vector<128x63xf32> to vector<128x1xf32>
    %sub3A_1006 = arith.subf %min3A_1004, %min3A_996 : vector<128x128xf32>
    %mul3A_1007 = vector.broadcast %slice3A_1005 : vector<128x1xf32> to vector<128x128xf32>
    %mul3A_1008 = arith.mulf %mul3A_1007, %sub3A_1006 : vector<128x128xf32>
    %add3A_1009 = arith.addf %add3A_1001, %mul3A_1008 : vector<128x128xf32>
    %slice3A_1010 = vector.extract_strided_slice %slice3A_539 {offsets = [0, 59], sizes = [128, 1], strides = [1, 1]} : vector<128x63xf32> to vector<128x1xf32>
    %min3A_1011 = vector.broadcast %slice3A_1010 : vector<128x1xf32> to vector<128x128xf32>
    %min3A_1012 = arith.minimumf %broadcast_in_dim3A_36, %min3A_1011 : vector<128x128xf32>
    %slice3A_1013 = vector.extract_strided_slice %slice3A_540 {offsets = [0, 58], sizes = [128, 1], strides = [1, 1]} : vector<128x63xf32> to vector<128x1xf32>
    %sub3A_1014 = arith.subf %min3A_1012, %min3A_1004 : vector<128x128xf32>
    %mul3A_1015 = vector.broadcast %slice3A_1013 : vector<128x1xf32> to vector<128x128xf32>
    %mul3A_1016 = arith.mulf %mul3A_1015, %sub3A_1014 : vector<128x128xf32>
    %add3A_1017 = arith.addf %add3A_1009, %mul3A_1016 : vector<128x128xf32>
    %slice3A_1018 = vector.extract_strided_slice %slice3A_539 {offsets = [0, 60], sizes = [128, 1], strides = [1, 1]} : vector<128x63xf32> to vector<128x1xf32>
    %min3A_1019 = vector.broadcast %slice3A_1018 : vector<128x1xf32> to vector<128x128xf32>
    %min3A_1020 = arith.minimumf %broadcast_in_dim3A_36, %min3A_1019 : vector<128x128xf32>
    %slice3A_1021 = vector.extract_strided_slice %slice3A_540 {offsets = [0, 59], sizes = [128, 1], strides = [1, 1]} : vector<128x63xf32> to vector<128x1xf32>
    %sub3A_1022 = arith.subf %min3A_1020, %min3A_1012 : vector<128x128xf32>
    %mul3A_1023 = vector.broadcast %slice3A_1021 : vector<128x1xf32> to vector<128x128xf32>
    %mul3A_1024 = arith.mulf %mul3A_1023, %sub3A_1022 : vector<128x128xf32>
    %add3A_1025 = arith.addf %add3A_1017, %mul3A_1024 : vector<128x128xf32>
    %slice3A_1026 = vector.extract_strided_slice %slice3A_539 {offsets = [0, 61], sizes = [128, 1], strides = [1, 1]} : vector<128x63xf32> to vector<128x1xf32>
    %min3A_1027 = vector.broadcast %slice3A_1026 : vector<128x1xf32> to vector<128x128xf32>
    %min3A_1028 = arith.minimumf %broadcast_in_dim3A_36, %min3A_1027 : vector<128x128xf32>
    %slice3A_1029 = vector.extract_strided_slice %slice3A_540 {offsets = [0, 60], sizes = [128, 1], strides = [1, 1]} : vector<128x63xf32> to vector<128x1xf32>
    %sub3A_1030 = arith.subf %min3A_1028, %min3A_1020 : vector<128x128xf32>
    %mul3A_1031 = vector.broadcast %slice3A_1029 : vector<128x1xf32> to vector<128x128xf32>
    %mul3A_1032 = arith.mulf %mul3A_1031, %sub3A_1030 : vector<128x128xf32>
    %add3A_1033 = arith.addf %add3A_1025, %mul3A_1032 : vector<128x128xf32>
    %slice3A_1034 = vector.extract_strided_slice %slice3A_539 {offsets = [0, 62], sizes = [128, 1], strides = [1, 1]} : vector<128x63xf32> to vector<128x1xf32>
    %min3A_1035 = vector.broadcast %slice3A_1034 : vector<128x1xf32> to vector<128x128xf32>
    %min3A_1036 = arith.minimumf %broadcast_in_dim3A_36, %min3A_1035 : vector<128x128xf32>
    %slice3A_1037 = vector.extract_strided_slice %slice3A_540 {offsets = [0, 61], sizes = [128, 1], strides = [1, 1]} : vector<128x63xf32> to vector<128x1xf32>
    %sub3A_1038 = arith.subf %min3A_1036, %min3A_1028 : vector<128x128xf32>
    %mul3A_1039 = vector.broadcast %slice3A_1037 : vector<128x1xf32> to vector<128x128xf32>
    %mul3A_1040 = arith.mulf %mul3A_1039, %sub3A_1038 : vector<128x128xf32>
    %add3A_1041 = arith.addf %add3A_1033, %mul3A_1040 : vector<128x128xf32>
    %slice3A_1042 = vector.extract_strided_slice %concatenate3A {offsets = [256, 0], sizes = [128, 63], strides = [1, 1]} : vector<512x63xf32> to vector<128x63xf32>
    %slice3A_1043 = vector.extract_strided_slice %div3A_26 {offsets = [256, 0], sizes = [128, 63], strides = [1, 1]} : vector<512x63xf32> to vector<128x63xf32>
    %slice3A_1044 = vector.extract_strided_slice %mul3A_16 {offsets = [256, 0], sizes = [128, 1], strides = [1, 1]} : vector<512x63xf32> to vector<128x1xf32>
    %broadcast_in_dim3A_1045 = vector.shape_cast %slice3A_1044 : vector<128x1xf32> to vector<128x1xf32>
    %broadcast_in_dim3A_1046 = vector.broadcast %broadcast_in_dim3A_1045 : vector<128x1xf32> to vector<128x128xf32>
    %broadcast_in_dim3A_1047 = arith.constant 0.000000e+00 : f32
    %broadcast_in_dim3A_1048 = vector.broadcast %broadcast_in_dim3A_1047 : f32 to vector<128x128xf32>
    %slice3A_1049 = vector.extract_strided_slice %slice3A_1042 {offsets = [0, 1], sizes = [128, 1], strides = [1, 1]} : vector<128x63xf32> to vector<128x1xf32>
    %min3A_1050 = vector.broadcast %slice3A_1049 : vector<128x1xf32> to vector<128x128xf32>
    %min3A_1051 = arith.minimumf %broadcast_in_dim3A_36, %min3A_1050 : vector<128x128xf32>
    %slice3A_1052 = vector.extract_strided_slice %slice3A_1043 {offsets = [0, 0], sizes = [128, 1], strides = [1, 1]} : vector<128x63xf32> to vector<128x1xf32>
    %sub3A_1053 = arith.subf %min3A_1051, %broadcast_in_dim3A_1048 : vector<128x128xf32>
    %mul3A_1054 = vector.broadcast %slice3A_1052 : vector<128x1xf32> to vector<128x128xf32>
    %mul3A_1055 = arith.mulf %mul3A_1054, %sub3A_1053 : vector<128x128xf32>
    %add3A_1056 = arith.addf %broadcast_in_dim3A_1046, %mul3A_1055 : vector<128x128xf32>
    %slice3A_1057 = vector.extract_strided_slice %slice3A_1042 {offsets = [0, 2], sizes = [128, 1], strides = [1, 1]} : vector<128x63xf32> to vector<128x1xf32>
    %min3A_1058 = vector.broadcast %slice3A_1057 : vector<128x1xf32> to vector<128x128xf32>
    %min3A_1059 = arith.minimumf %broadcast_in_dim3A_36, %min3A_1058 : vector<128x128xf32>
    %slice3A_1060 = vector.extract_strided_slice %slice3A_1043 {offsets = [0, 1], sizes = [128, 1], strides = [1, 1]} : vector<128x63xf32> to vector<128x1xf32>
    %sub3A_1061 = arith.subf %min3A_1059, %min3A_1051 : vector<128x128xf32>
    %mul3A_1062 = vector.broadcast %slice3A_1060 : vector<128x1xf32> to vector<128x128xf32>
    %mul3A_1063 = arith.mulf %mul3A_1062, %sub3A_1061 : vector<128x128xf32>
    %add3A_1064 = arith.addf %add3A_1056, %mul3A_1063 : vector<128x128xf32>
    %slice3A_1065 = vector.extract_strided_slice %slice3A_1042 {offsets = [0, 3], sizes = [128, 1], strides = [1, 1]} : vector<128x63xf32> to vector<128x1xf32>
    %min3A_1066 = vector.broadcast %slice3A_1065 : vector<128x1xf32> to vector<128x128xf32>
    %min3A_1067 = arith.minimumf %broadcast_in_dim3A_36, %min3A_1066 : vector<128x128xf32>
    %slice3A_1068 = vector.extract_strided_slice %slice3A_1043 {offsets = [0, 2], sizes = [128, 1], strides = [1, 1]} : vector<128x63xf32> to vector<128x1xf32>
    %sub3A_1069 = arith.subf %min3A_1067, %min3A_1059 : vector<128x128xf32>
    %mul3A_1070 = vector.broadcast %slice3A_1068 : vector<128x1xf32> to vector<128x128xf32>
    %mul3A_1071 = arith.mulf %mul3A_1070, %sub3A_1069 : vector<128x128xf32>
    %add3A_1072 = arith.addf %add3A_1064, %mul3A_1071 : vector<128x128xf32>
    %slice3A_1073 = vector.extract_strided_slice %slice3A_1042 {offsets = [0, 4], sizes = [128, 1], strides = [1, 1]} : vector<128x63xf32> to vector<128x1xf32>
    %min3A_1074 = vector.broadcast %slice3A_1073 : vector<128x1xf32> to vector<128x128xf32>
    %min3A_1075 = arith.minimumf %broadcast_in_dim3A_36, %min3A_1074 : vector<128x128xf32>
    %slice3A_1076 = vector.extract_strided_slice %slice3A_1043 {offsets = [0, 3], sizes = [128, 1], strides = [1, 1]} : vector<128x63xf32> to vector<128x1xf32>
    %sub3A_1077 = arith.subf %min3A_1075, %min3A_1067 : vector<128x128xf32>
    %mul3A_1078 = vector.broadcast %slice3A_1076 : vector<128x1xf32> to vector<128x128xf32>
    %mul3A_1079 = arith.mulf %mul3A_1078, %sub3A_1077 : vector<128x128xf32>
    %add3A_1080 = arith.addf %add3A_1072, %mul3A_1079 : vector<128x128xf32>
    %slice3A_1081 = vector.extract_strided_slice %slice3A_1042 {offsets = [0, 5], sizes = [128, 1], strides = [1, 1]} : vector<128x63xf32> to vector<128x1xf32>
    %min3A_1082 = vector.broadcast %slice3A_1081 : vector<128x1xf32> to vector<128x128xf32>
    %min3A_1083 = arith.minimumf %broadcast_in_dim3A_36, %min3A_1082 : vector<128x128xf32>
    %slice3A_1084 = vector.extract_strided_slice %slice3A_1043 {offsets = [0, 4], sizes = [128, 1], strides = [1, 1]} : vector<128x63xf32> to vector<128x1xf32>
    %sub3A_1085 = arith.subf %min3A_1083, %min3A_1075 : vector<128x128xf32>
    %mul3A_1086 = vector.broadcast %slice3A_1084 : vector<128x1xf32> to vector<128x128xf32>
    %mul3A_1087 = arith.mulf %mul3A_1086, %sub3A_1085 : vector<128x128xf32>
    %add3A_1088 = arith.addf %add3A_1080, %mul3A_1087 : vector<128x128xf32>
    %slice3A_1089 = vector.extract_strided_slice %slice3A_1042 {offsets = [0, 6], sizes = [128, 1], strides = [1, 1]} : vector<128x63xf32> to vector<128x1xf32>
    %min3A_1090 = vector.broadcast %slice3A_1089 : vector<128x1xf32> to vector<128x128xf32>
    %min3A_1091 = arith.minimumf %broadcast_in_dim3A_36, %min3A_1090 : vector<128x128xf32>
    %slice3A_1092 = vector.extract_strided_slice %slice3A_1043 {offsets = [0, 5], sizes = [128, 1], strides = [1, 1]} : vector<128x63xf32> to vector<128x1xf32>
    %sub3A_1093 = arith.subf %min3A_1091, %min3A_1083 : vector<128x128xf32>
    %mul3A_1094 = vector.broadcast %slice3A_1092 : vector<128x1xf32> to vector<128x128xf32>
    %mul3A_1095 = arith.mulf %mul3A_1094, %sub3A_1093 : vector<128x128xf32>
    %add3A_1096 = arith.addf %add3A_1088, %mul3A_1095 : vector<128x128xf32>
    %slice3A_1097 = vector.extract_strided_slice %slice3A_1042 {offsets = [0, 7], sizes = [128, 1], strides = [1, 1]} : vector<128x63xf32> to vector<128x1xf32>
    %min3A_1098 = vector.broadcast %slice3A_1097 : vector<128x1xf32> to vector<128x128xf32>
    %min3A_1099 = arith.minimumf %broadcast_in_dim3A_36, %min3A_1098 : vector<128x128xf32>
    %slice3A_1100 = vector.extract_strided_slice %slice3A_1043 {offsets = [0, 6], sizes = [128, 1], strides = [1, 1]} : vector<128x63xf32> to vector<128x1xf32>
    %sub3A_1101 = arith.subf %min3A_1099, %min3A_1091 : vector<128x128xf32>
    %mul3A_1102 = vector.broadcast %slice3A_1100 : vector<128x1xf32> to vector<128x128xf32>
    %mul3A_1103 = arith.mulf %mul3A_1102, %sub3A_1101 : vector<128x128xf32>
    %add3A_1104 = arith.addf %add3A_1096, %mul3A_1103 : vector<128x128xf32>
    %slice3A_1105 = vector.extract_strided_slice %slice3A_1042 {offsets = [0, 8], sizes = [128, 1], strides = [1, 1]} : vector<128x63xf32> to vector<128x1xf32>
    %min3A_1106 = vector.broadcast %slice3A_1105 : vector<128x1xf32> to vector<128x128xf32>
    %min3A_1107 = arith.minimumf %broadcast_in_dim3A_36, %min3A_1106 : vector<128x128xf32>
    %slice3A_1108 = vector.extract_strided_slice %slice3A_1043 {offsets = [0, 7], sizes = [128, 1], strides = [1, 1]} : vector<128x63xf32> to vector<128x1xf32>
    %sub3A_1109 = arith.subf %min3A_1107, %min3A_1099 : vector<128x128xf32>
    %mul3A_1110 = vector.broadcast %slice3A_1108 : vector<128x1xf32> to vector<128x128xf32>
    %mul3A_1111 = arith.mulf %mul3A_1110, %sub3A_1109 : vector<128x128xf32>
    %add3A_1112 = arith.addf %add3A_1104, %mul3A_1111 : vector<128x128xf32>
    %slice3A_1113 = vector.extract_strided_slice %slice3A_1042 {offsets = [0, 9], sizes = [128, 1], strides = [1, 1]} : vector<128x63xf32> to vector<128x1xf32>
    %min3A_1114 = vector.broadcast %slice3A_1113 : vector<128x1xf32> to vector<128x128xf32>
    %min3A_1115 = arith.minimumf %broadcast_in_dim3A_36, %min3A_1114 : vector<128x128xf32>
    %slice3A_1116 = vector.extract_strided_slice %slice3A_1043 {offsets = [0, 8], sizes = [128, 1], strides = [1, 1]} : vector<128x63xf32> to vector<128x1xf32>
    %sub3A_1117 = arith.subf %min3A_1115, %min3A_1107 : vector<128x128xf32>
    %mul3A_1118 = vector.broadcast %slice3A_1116 : vector<128x1xf32> to vector<128x128xf32>
    %mul3A_1119 = arith.mulf %mul3A_1118, %sub3A_1117 : vector<128x128xf32>
    %add3A_1120 = arith.addf %add3A_1112, %mul3A_1119 : vector<128x128xf32>
    %slice3A_1121 = vector.extract_strided_slice %slice3A_1042 {offsets = [0, 10], sizes = [128, 1], strides = [1, 1]} : vector<128x63xf32> to vector<128x1xf32>
    %min3A_1122 = vector.broadcast %slice3A_1121 : vector<128x1xf32> to vector<128x128xf32>
    %min3A_1123 = arith.minimumf %broadcast_in_dim3A_36, %min3A_1122 : vector<128x128xf32>
    %slice3A_1124 = vector.extract_strided_slice %slice3A_1043 {offsets = [0, 9], sizes = [128, 1], strides = [1, 1]} : vector<128x63xf32> to vector<128x1xf32>
    %sub3A_1125 = arith.subf %min3A_1123, %min3A_1115 : vector<128x128xf32>
    %mul3A_1126 = vector.broadcast %slice3A_1124 : vector<128x1xf32> to vector<128x128xf32>
    %mul3A_1127 = arith.mulf %mul3A_1126, %sub3A_1125 : vector<128x128xf32>
    %add3A_1128 = arith.addf %add3A_1120, %mul3A_1127 : vector<128x128xf32>
    %slice3A_1129 = vector.extract_strided_slice %slice3A_1042 {offsets = [0, 11], sizes = [128, 1], strides = [1, 1]} : vector<128x63xf32> to vector<128x1xf32>
    %min3A_1130 = vector.broadcast %slice3A_1129 : vector<128x1xf32> to vector<128x128xf32>
    %min3A_1131 = arith.minimumf %broadcast_in_dim3A_36, %min3A_1130 : vector<128x128xf32>
    %slice3A_1132 = vector.extract_strided_slice %slice3A_1043 {offsets = [0, 10], sizes = [128, 1], strides = [1, 1]} : vector<128x63xf32> to vector<128x1xf32>
    %sub3A_1133 = arith.subf %min3A_1131, %min3A_1123 : vector<128x128xf32>
    %mul3A_1134 = vector.broadcast %slice3A_1132 : vector<128x1xf32> to vector<128x128xf32>
    %mul3A_1135 = arith.mulf %mul3A_1134, %sub3A_1133 : vector<128x128xf32>
    %add3A_1136 = arith.addf %add3A_1128, %mul3A_1135 : vector<128x128xf32>
    %slice3A_1137 = vector.extract_strided_slice %slice3A_1042 {offsets = [0, 12], sizes = [128, 1], strides = [1, 1]} : vector<128x63xf32> to vector<128x1xf32>
    %min3A_1138 = vector.broadcast %slice3A_1137 : vector<128x1xf32> to vector<128x128xf32>
    %min3A_1139 = arith.minimumf %broadcast_in_dim3A_36, %min3A_1138 : vector<128x128xf32>
    %slice3A_1140 = vector.extract_strided_slice %slice3A_1043 {offsets = [0, 11], sizes = [128, 1], strides = [1, 1]} : vector<128x63xf32> to vector<128x1xf32>
    %sub3A_1141 = arith.subf %min3A_1139, %min3A_1131 : vector<128x128xf32>
    %mul3A_1142 = vector.broadcast %slice3A_1140 : vector<128x1xf32> to vector<128x128xf32>
    %mul3A_1143 = arith.mulf %mul3A_1142, %sub3A_1141 : vector<128x128xf32>
    %add3A_1144 = arith.addf %add3A_1136, %mul3A_1143 : vector<128x128xf32>
    %slice3A_1145 = vector.extract_strided_slice %slice3A_1042 {offsets = [0, 13], sizes = [128, 1], strides = [1, 1]} : vector<128x63xf32> to vector<128x1xf32>
    %min3A_1146 = vector.broadcast %slice3A_1145 : vector<128x1xf32> to vector<128x128xf32>
    %min3A_1147 = arith.minimumf %broadcast_in_dim3A_36, %min3A_1146 : vector<128x128xf32>
    %slice3A_1148 = vector.extract_strided_slice %slice3A_1043 {offsets = [0, 12], sizes = [128, 1], strides = [1, 1]} : vector<128x63xf32> to vector<128x1xf32>
    %sub3A_1149 = arith.subf %min3A_1147, %min3A_1139 : vector<128x128xf32>
    %mul3A_1150 = vector.broadcast %slice3A_1148 : vector<128x1xf32> to vector<128x128xf32>
    %mul3A_1151 = arith.mulf %mul3A_1150, %sub3A_1149 : vector<128x128xf32>
    %add3A_1152 = arith.addf %add3A_1144, %mul3A_1151 : vector<128x128xf32>
    %slice3A_1153 = vector.extract_strided_slice %slice3A_1042 {offsets = [0, 14], sizes = [128, 1], strides = [1, 1]} : vector<128x63xf32> to vector<128x1xf32>
    %min3A_1154 = vector.broadcast %slice3A_1153 : vector<128x1xf32> to vector<128x128xf32>
    %min3A_1155 = arith.minimumf %broadcast_in_dim3A_36, %min3A_1154 : vector<128x128xf32>
    %slice3A_1156 = vector.extract_strided_slice %slice3A_1043 {offsets = [0, 13], sizes = [128, 1], strides = [1, 1]} : vector<128x63xf32> to vector<128x1xf32>
    %sub3A_1157 = arith.subf %min3A_1155, %min3A_1147 : vector<128x128xf32>
    %mul3A_1158 = vector.broadcast %slice3A_1156 : vector<128x1xf32> to vector<128x128xf32>
    %mul3A_1159 = arith.mulf %mul3A_1158, %sub3A_1157 : vector<128x128xf32>
    %add3A_1160 = arith.addf %add3A_1152, %mul3A_1159 : vector<128x128xf32>
    %slice3A_1161 = vector.extract_strided_slice %slice3A_1042 {offsets = [0, 15], sizes = [128, 1], strides = [1, 1]} : vector<128x63xf32> to vector<128x1xf32>
    %min3A_1162 = vector.broadcast %slice3A_1161 : vector<128x1xf32> to vector<128x128xf32>
    %min3A_1163 = arith.minimumf %broadcast_in_dim3A_36, %min3A_1162 : vector<128x128xf32>
    %slice3A_1164 = vector.extract_strided_slice %slice3A_1043 {offsets = [0, 14], sizes = [128, 1], strides = [1, 1]} : vector<128x63xf32> to vector<128x1xf32>
    %sub3A_1165 = arith.subf %min3A_1163, %min3A_1155 : vector<128x128xf32>
    %mul3A_1166 = vector.broadcast %slice3A_1164 : vector<128x1xf32> to vector<128x128xf32>
    %mul3A_1167 = arith.mulf %mul3A_1166, %sub3A_1165 : vector<128x128xf32>
    %add3A_1168 = arith.addf %add3A_1160, %mul3A_1167 : vector<128x128xf32>
    %slice3A_1169 = vector.extract_strided_slice %slice3A_1042 {offsets = [0, 16], sizes = [128, 1], strides = [1, 1]} : vector<128x63xf32> to vector<128x1xf32>
    %min3A_1170 = vector.broadcast %slice3A_1169 : vector<128x1xf32> to vector<128x128xf32>
    %min3A_1171 = arith.minimumf %broadcast_in_dim3A_36, %min3A_1170 : vector<128x128xf32>
    %slice3A_1172 = vector.extract_strided_slice %slice3A_1043 {offsets = [0, 15], sizes = [128, 1], strides = [1, 1]} : vector<128x63xf32> to vector<128x1xf32>
    %sub3A_1173 = arith.subf %min3A_1171, %min3A_1163 : vector<128x128xf32>
    %mul3A_1174 = vector.broadcast %slice3A_1172 : vector<128x1xf32> to vector<128x128xf32>
    %mul3A_1175 = arith.mulf %mul3A_1174, %sub3A_1173 : vector<128x128xf32>
    %add3A_1176 = arith.addf %add3A_1168, %mul3A_1175 : vector<128x128xf32>
    %slice3A_1177 = vector.extract_strided_slice %slice3A_1042 {offsets = [0, 17], sizes = [128, 1], strides = [1, 1]} : vector<128x63xf32> to vector<128x1xf32>
    %min3A_1178 = vector.broadcast %slice3A_1177 : vector<128x1xf32> to vector<128x128xf32>
    %min3A_1179 = arith.minimumf %broadcast_in_dim3A_36, %min3A_1178 : vector<128x128xf32>
    %slice3A_1180 = vector.extract_strided_slice %slice3A_1043 {offsets = [0, 16], sizes = [128, 1], strides = [1, 1]} : vector<128x63xf32> to vector<128x1xf32>
    %sub3A_1181 = arith.subf %min3A_1179, %min3A_1171 : vector<128x128xf32>
    %mul3A_1182 = vector.broadcast %slice3A_1180 : vector<128x1xf32> to vector<128x128xf32>
    %mul3A_1183 = arith.mulf %mul3A_1182, %sub3A_1181 : vector<128x128xf32>
    %add3A_1184 = arith.addf %add3A_1176, %mul3A_1183 : vector<128x128xf32>
    %slice3A_1185 = vector.extract_strided_slice %slice3A_1042 {offsets = [0, 18], sizes = [128, 1], strides = [1, 1]} : vector<128x63xf32> to vector<128x1xf32>
    %min3A_1186 = vector.broadcast %slice3A_1185 : vector<128x1xf32> to vector<128x128xf32>
    %min3A_1187 = arith.minimumf %broadcast_in_dim3A_36, %min3A_1186 : vector<128x128xf32>
    %slice3A_1188 = vector.extract_strided_slice %slice3A_1043 {offsets = [0, 17], sizes = [128, 1], strides = [1, 1]} : vector<128x63xf32> to vector<128x1xf32>
    %sub3A_1189 = arith.subf %min3A_1187, %min3A_1179 : vector<128x128xf32>
    %mul3A_1190 = vector.broadcast %slice3A_1188 : vector<128x1xf32> to vector<128x128xf32>
    %mul3A_1191 = arith.mulf %mul3A_1190, %sub3A_1189 : vector<128x128xf32>
    %add3A_1192 = arith.addf %add3A_1184, %mul3A_1191 : vector<128x128xf32>
    %slice3A_1193 = vector.extract_strided_slice %slice3A_1042 {offsets = [0, 19], sizes = [128, 1], strides = [1, 1]} : vector<128x63xf32> to vector<128x1xf32>
    %min3A_1194 = vector.broadcast %slice3A_1193 : vector<128x1xf32> to vector<128x128xf32>
    %min3A_1195 = arith.minimumf %broadcast_in_dim3A_36, %min3A_1194 : vector<128x128xf32>
    %slice3A_1196 = vector.extract_strided_slice %slice3A_1043 {offsets = [0, 18], sizes = [128, 1], strides = [1, 1]} : vector<128x63xf32> to vector<128x1xf32>
    %sub3A_1197 = arith.subf %min3A_1195, %min3A_1187 : vector<128x128xf32>
    %mul3A_1198 = vector.broadcast %slice3A_1196 : vector<128x1xf32> to vector<128x128xf32>
    %mul3A_1199 = arith.mulf %mul3A_1198, %sub3A_1197 : vector<128x128xf32>
    %add3A_1200 = arith.addf %add3A_1192, %mul3A_1199 : vector<128x128xf32>
    %slice3A_1201 = vector.extract_strided_slice %slice3A_1042 {offsets = [0, 20], sizes = [128, 1], strides = [1, 1]} : vector<128x63xf32> to vector<128x1xf32>
    %min3A_1202 = vector.broadcast %slice3A_1201 : vector<128x1xf32> to vector<128x128xf32>
    %min3A_1203 = arith.minimumf %broadcast_in_dim3A_36, %min3A_1202 : vector<128x128xf32>
    %slice3A_1204 = vector.extract_strided_slice %slice3A_1043 {offsets = [0, 19], sizes = [128, 1], strides = [1, 1]} : vector<128x63xf32> to vector<128x1xf32>
    %sub3A_1205 = arith.subf %min3A_1203, %min3A_1195 : vector<128x128xf32>
    %mul3A_1206 = vector.broadcast %slice3A_1204 : vector<128x1xf32> to vector<128x128xf32>
    %mul3A_1207 = arith.mulf %mul3A_1206, %sub3A_1205 : vector<128x128xf32>
    %add3A_1208 = arith.addf %add3A_1200, %mul3A_1207 : vector<128x128xf32>
    %slice3A_1209 = vector.extract_strided_slice %slice3A_1042 {offsets = [0, 21], sizes = [128, 1], strides = [1, 1]} : vector<128x63xf32> to vector<128x1xf32>
    %min3A_1210 = vector.broadcast %slice3A_1209 : vector<128x1xf32> to vector<128x128xf32>
    %min3A_1211 = arith.minimumf %broadcast_in_dim3A_36, %min3A_1210 : vector<128x128xf32>
    %slice3A_1212 = vector.extract_strided_slice %slice3A_1043 {offsets = [0, 20], sizes = [128, 1], strides = [1, 1]} : vector<128x63xf32> to vector<128x1xf32>
    %sub3A_1213 = arith.subf %min3A_1211, %min3A_1203 : vector<128x128xf32>
    %mul3A_1214 = vector.broadcast %slice3A_1212 : vector<128x1xf32> to vector<128x128xf32>
    %mul3A_1215 = arith.mulf %mul3A_1214, %sub3A_1213 : vector<128x128xf32>
    %add3A_1216 = arith.addf %add3A_1208, %mul3A_1215 : vector<128x128xf32>
    %slice3A_1217 = vector.extract_strided_slice %slice3A_1042 {offsets = [0, 22], sizes = [128, 1], strides = [1, 1]} : vector<128x63xf32> to vector<128x1xf32>
    %min3A_1218 = vector.broadcast %slice3A_1217 : vector<128x1xf32> to vector<128x128xf32>
    %min3A_1219 = arith.minimumf %broadcast_in_dim3A_36, %min3A_1218 : vector<128x128xf32>
    %slice3A_1220 = vector.extract_strided_slice %slice3A_1043 {offsets = [0, 21], sizes = [128, 1], strides = [1, 1]} : vector<128x63xf32> to vector<128x1xf32>
    %sub3A_1221 = arith.subf %min3A_1219, %min3A_1211 : vector<128x128xf32>
    %mul3A_1222 = vector.broadcast %slice3A_1220 : vector<128x1xf32> to vector<128x128xf32>
    %mul3A_1223 = arith.mulf %mul3A_1222, %sub3A_1221 : vector<128x128xf32>
    %add3A_1224 = arith.addf %add3A_1216, %mul3A_1223 : vector<128x128xf32>
    %slice3A_1225 = vector.extract_strided_slice %slice3A_1042 {offsets = [0, 23], sizes = [128, 1], strides = [1, 1]} : vector<128x63xf32> to vector<128x1xf32>
    %min3A_1226 = vector.broadcast %slice3A_1225 : vector<128x1xf32> to vector<128x128xf32>
    %min3A_1227 = arith.minimumf %broadcast_in_dim3A_36, %min3A_1226 : vector<128x128xf32>
    %slice3A_1228 = vector.extract_strided_slice %slice3A_1043 {offsets = [0, 22], sizes = [128, 1], strides = [1, 1]} : vector<128x63xf32> to vector<128x1xf32>
    %sub3A_1229 = arith.subf %min3A_1227, %min3A_1219 : vector<128x128xf32>
    %mul3A_1230 = vector.broadcast %slice3A_1228 : vector<128x1xf32> to vector<128x128xf32>
    %mul3A_1231 = arith.mulf %mul3A_1230, %sub3A_1229 : vector<128x128xf32>
    %add3A_1232 = arith.addf %add3A_1224, %mul3A_1231 : vector<128x128xf32>
    %slice3A_1233 = vector.extract_strided_slice %slice3A_1042 {offsets = [0, 24], sizes = [128, 1], strides = [1, 1]} : vector<128x63xf32> to vector<128x1xf32>
    %min3A_1234 = vector.broadcast %slice3A_1233 : vector<128x1xf32> to vector<128x128xf32>
    %min3A_1235 = arith.minimumf %broadcast_in_dim3A_36, %min3A_1234 : vector<128x128xf32>
    %slice3A_1236 = vector.extract_strided_slice %slice3A_1043 {offsets = [0, 23], sizes = [128, 1], strides = [1, 1]} : vector<128x63xf32> to vector<128x1xf32>
    %sub3A_1237 = arith.subf %min3A_1235, %min3A_1227 : vector<128x128xf32>
    %mul3A_1238 = vector.broadcast %slice3A_1236 : vector<128x1xf32> to vector<128x128xf32>
    %mul3A_1239 = arith.mulf %mul3A_1238, %sub3A_1237 : vector<128x128xf32>
    %add3A_1240 = arith.addf %add3A_1232, %mul3A_1239 : vector<128x128xf32>
    %slice3A_1241 = vector.extract_strided_slice %slice3A_1042 {offsets = [0, 25], sizes = [128, 1], strides = [1, 1]} : vector<128x63xf32> to vector<128x1xf32>
    %min3A_1242 = vector.broadcast %slice3A_1241 : vector<128x1xf32> to vector<128x128xf32>
    %min3A_1243 = arith.minimumf %broadcast_in_dim3A_36, %min3A_1242 : vector<128x128xf32>
    %slice3A_1244 = vector.extract_strided_slice %slice3A_1043 {offsets = [0, 24], sizes = [128, 1], strides = [1, 1]} : vector<128x63xf32> to vector<128x1xf32>
    %sub3A_1245 = arith.subf %min3A_1243, %min3A_1235 : vector<128x128xf32>
    %mul3A_1246 = vector.broadcast %slice3A_1244 : vector<128x1xf32> to vector<128x128xf32>
    %mul3A_1247 = arith.mulf %mul3A_1246, %sub3A_1245 : vector<128x128xf32>
    %add3A_1248 = arith.addf %add3A_1240, %mul3A_1247 : vector<128x128xf32>
    %slice3A_1249 = vector.extract_strided_slice %slice3A_1042 {offsets = [0, 26], sizes = [128, 1], strides = [1, 1]} : vector<128x63xf32> to vector<128x1xf32>
    %min3A_1250 = vector.broadcast %slice3A_1249 : vector<128x1xf32> to vector<128x128xf32>
    %min3A_1251 = arith.minimumf %broadcast_in_dim3A_36, %min3A_1250 : vector<128x128xf32>
    %slice3A_1252 = vector.extract_strided_slice %slice3A_1043 {offsets = [0, 25], sizes = [128, 1], strides = [1, 1]} : vector<128x63xf32> to vector<128x1xf32>
    %sub3A_1253 = arith.subf %min3A_1251, %min3A_1243 : vector<128x128xf32>
    %mul3A_1254 = vector.broadcast %slice3A_1252 : vector<128x1xf32> to vector<128x128xf32>
    %mul3A_1255 = arith.mulf %mul3A_1254, %sub3A_1253 : vector<128x128xf32>
    %add3A_1256 = arith.addf %add3A_1248, %mul3A_1255 : vector<128x128xf32>
    %slice3A_1257 = vector.extract_strided_slice %slice3A_1042 {offsets = [0, 27], sizes = [128, 1], strides = [1, 1]} : vector<128x63xf32> to vector<128x1xf32>
    %min3A_1258 = vector.broadcast %slice3A_1257 : vector<128x1xf32> to vector<128x128xf32>
    %min3A_1259 = arith.minimumf %broadcast_in_dim3A_36, %min3A_1258 : vector<128x128xf32>
    %slice3A_1260 = vector.extract_strided_slice %slice3A_1043 {offsets = [0, 26], sizes = [128, 1], strides = [1, 1]} : vector<128x63xf32> to vector<128x1xf32>
    %sub3A_1261 = arith.subf %min3A_1259, %min3A_1251 : vector<128x128xf32>
    %mul3A_1262 = vector.broadcast %slice3A_1260 : vector<128x1xf32> to vector<128x128xf32>
    %mul3A_1263 = arith.mulf %mul3A_1262, %sub3A_1261 : vector<128x128xf32>
    %add3A_1264 = arith.addf %add3A_1256, %mul3A_1263 : vector<128x128xf32>
    %slice3A_1265 = vector.extract_strided_slice %slice3A_1042 {offsets = [0, 28], sizes = [128, 1], strides = [1, 1]} : vector<128x63xf32> to vector<128x1xf32>
    %min3A_1266 = vector.broadcast %slice3A_1265 : vector<128x1xf32> to vector<128x128xf32>
    %min3A_1267 = arith.minimumf %broadcast_in_dim3A_36, %min3A_1266 : vector<128x128xf32>
    %slice3A_1268 = vector.extract_strided_slice %slice3A_1043 {offsets = [0, 27], sizes = [128, 1], strides = [1, 1]} : vector<128x63xf32> to vector<128x1xf32>
    %sub3A_1269 = arith.subf %min3A_1267, %min3A_1259 : vector<128x128xf32>
    %mul3A_1270 = vector.broadcast %slice3A_1268 : vector<128x1xf32> to vector<128x128xf32>
    %mul3A_1271 = arith.mulf %mul3A_1270, %sub3A_1269 : vector<128x128xf32>
    %add3A_1272 = arith.addf %add3A_1264, %mul3A_1271 : vector<128x128xf32>
    %slice3A_1273 = vector.extract_strided_slice %slice3A_1042 {offsets = [0, 29], sizes = [128, 1], strides = [1, 1]} : vector<128x63xf32> to vector<128x1xf32>
    %min3A_1274 = vector.broadcast %slice3A_1273 : vector<128x1xf32> to vector<128x128xf32>
    %min3A_1275 = arith.minimumf %broadcast_in_dim3A_36, %min3A_1274 : vector<128x128xf32>
    %slice3A_1276 = vector.extract_strided_slice %slice3A_1043 {offsets = [0, 28], sizes = [128, 1], strides = [1, 1]} : vector<128x63xf32> to vector<128x1xf32>
    %sub3A_1277 = arith.subf %min3A_1275, %min3A_1267 : vector<128x128xf32>
    %mul3A_1278 = vector.broadcast %slice3A_1276 : vector<128x1xf32> to vector<128x128xf32>
    %mul3A_1279 = arith.mulf %mul3A_1278, %sub3A_1277 : vector<128x128xf32>
    %add3A_1280 = arith.addf %add3A_1272, %mul3A_1279 : vector<128x128xf32>
    %slice3A_1281 = vector.extract_strided_slice %slice3A_1042 {offsets = [0, 30], sizes = [128, 1], strides = [1, 1]} : vector<128x63xf32> to vector<128x1xf32>
    %min3A_1282 = vector.broadcast %slice3A_1281 : vector<128x1xf32> to vector<128x128xf32>
    %min3A_1283 = arith.minimumf %broadcast_in_dim3A_36, %min3A_1282 : vector<128x128xf32>
    %slice3A_1284 = vector.extract_strided_slice %slice3A_1043 {offsets = [0, 29], sizes = [128, 1], strides = [1, 1]} : vector<128x63xf32> to vector<128x1xf32>
    %sub3A_1285 = arith.subf %min3A_1283, %min3A_1275 : vector<128x128xf32>
    %mul3A_1286 = vector.broadcast %slice3A_1284 : vector<128x1xf32> to vector<128x128xf32>
    %mul3A_1287 = arith.mulf %mul3A_1286, %sub3A_1285 : vector<128x128xf32>
    %add3A_1288 = arith.addf %add3A_1280, %mul3A_1287 : vector<128x128xf32>
    %slice3A_1289 = vector.extract_strided_slice %slice3A_1042 {offsets = [0, 31], sizes = [128, 1], strides = [1, 1]} : vector<128x63xf32> to vector<128x1xf32>
    %min3A_1290 = vector.broadcast %slice3A_1289 : vector<128x1xf32> to vector<128x128xf32>
    %min3A_1291 = arith.minimumf %broadcast_in_dim3A_36, %min3A_1290 : vector<128x128xf32>
    %slice3A_1292 = vector.extract_strided_slice %slice3A_1043 {offsets = [0, 30], sizes = [128, 1], strides = [1, 1]} : vector<128x63xf32> to vector<128x1xf32>
    %sub3A_1293 = arith.subf %min3A_1291, %min3A_1283 : vector<128x128xf32>
    %mul3A_1294 = vector.broadcast %slice3A_1292 : vector<128x1xf32> to vector<128x128xf32>
    %mul3A_1295 = arith.mulf %mul3A_1294, %sub3A_1293 : vector<128x128xf32>
    %add3A_1296 = arith.addf %add3A_1288, %mul3A_1295 : vector<128x128xf32>
    %slice3A_1297 = vector.extract_strided_slice %slice3A_1042 {offsets = [0, 32], sizes = [128, 1], strides = [1, 1]} : vector<128x63xf32> to vector<128x1xf32>
    %min3A_1298 = vector.broadcast %slice3A_1297 : vector<128x1xf32> to vector<128x128xf32>
    %min3A_1299 = arith.minimumf %broadcast_in_dim3A_36, %min3A_1298 : vector<128x128xf32>
    %slice3A_1300 = vector.extract_strided_slice %slice3A_1043 {offsets = [0, 31], sizes = [128, 1], strides = [1, 1]} : vector<128x63xf32> to vector<128x1xf32>
    %sub3A_1301 = arith.subf %min3A_1299, %min3A_1291 : vector<128x128xf32>
    %mul3A_1302 = vector.broadcast %slice3A_1300 : vector<128x1xf32> to vector<128x128xf32>
    %mul3A_1303 = arith.mulf %mul3A_1302, %sub3A_1301 : vector<128x128xf32>
    %add3A_1304 = arith.addf %add3A_1296, %mul3A_1303 : vector<128x128xf32>
    %slice3A_1305 = vector.extract_strided_slice %slice3A_1042 {offsets = [0, 33], sizes = [128, 1], strides = [1, 1]} : vector<128x63xf32> to vector<128x1xf32>
    %min3A_1306 = vector.broadcast %slice3A_1305 : vector<128x1xf32> to vector<128x128xf32>
    %min3A_1307 = arith.minimumf %broadcast_in_dim3A_36, %min3A_1306 : vector<128x128xf32>
    %slice3A_1308 = vector.extract_strided_slice %slice3A_1043 {offsets = [0, 32], sizes = [128, 1], strides = [1, 1]} : vector<128x63xf32> to vector<128x1xf32>
    %sub3A_1309 = arith.subf %min3A_1307, %min3A_1299 : vector<128x128xf32>
    %mul3A_1310 = vector.broadcast %slice3A_1308 : vector<128x1xf32> to vector<128x128xf32>
    %mul3A_1311 = arith.mulf %mul3A_1310, %sub3A_1309 : vector<128x128xf32>
    %add3A_1312 = arith.addf %add3A_1304, %mul3A_1311 : vector<128x128xf32>
    %slice3A_1313 = vector.extract_strided_slice %slice3A_1042 {offsets = [0, 34], sizes = [128, 1], strides = [1, 1]} : vector<128x63xf32> to vector<128x1xf32>
    %min3A_1314 = vector.broadcast %slice3A_1313 : vector<128x1xf32> to vector<128x128xf32>
    %min3A_1315 = arith.minimumf %broadcast_in_dim3A_36, %min3A_1314 : vector<128x128xf32>
    %slice3A_1316 = vector.extract_strided_slice %slice3A_1043 {offsets = [0, 33], sizes = [128, 1], strides = [1, 1]} : vector<128x63xf32> to vector<128x1xf32>
    %sub3A_1317 = arith.subf %min3A_1315, %min3A_1307 : vector<128x128xf32>
    %mul3A_1318 = vector.broadcast %slice3A_1316 : vector<128x1xf32> to vector<128x128xf32>
    %mul3A_1319 = arith.mulf %mul3A_1318, %sub3A_1317 : vector<128x128xf32>
    %add3A_1320 = arith.addf %add3A_1312, %mul3A_1319 : vector<128x128xf32>
    %slice3A_1321 = vector.extract_strided_slice %slice3A_1042 {offsets = [0, 35], sizes = [128, 1], strides = [1, 1]} : vector<128x63xf32> to vector<128x1xf32>
    %min3A_1322 = vector.broadcast %slice3A_1321 : vector<128x1xf32> to vector<128x128xf32>
    %min3A_1323 = arith.minimumf %broadcast_in_dim3A_36, %min3A_1322 : vector<128x128xf32>
    %slice3A_1324 = vector.extract_strided_slice %slice3A_1043 {offsets = [0, 34], sizes = [128, 1], strides = [1, 1]} : vector<128x63xf32> to vector<128x1xf32>
    %sub3A_1325 = arith.subf %min3A_1323, %min3A_1315 : vector<128x128xf32>
    %mul3A_1326 = vector.broadcast %slice3A_1324 : vector<128x1xf32> to vector<128x128xf32>
    %mul3A_1327 = arith.mulf %mul3A_1326, %sub3A_1325 : vector<128x128xf32>
    %add3A_1328 = arith.addf %add3A_1320, %mul3A_1327 : vector<128x128xf32>
    %slice3A_1329 = vector.extract_strided_slice %slice3A_1042 {offsets = [0, 36], sizes = [128, 1], strides = [1, 1]} : vector<128x63xf32> to vector<128x1xf32>
    %min3A_1330 = vector.broadcast %slice3A_1329 : vector<128x1xf32> to vector<128x128xf32>
    %min3A_1331 = arith.minimumf %broadcast_in_dim3A_36, %min3A_1330 : vector<128x128xf32>
    %slice3A_1332 = vector.extract_strided_slice %slice3A_1043 {offsets = [0, 35], sizes = [128, 1], strides = [1, 1]} : vector<128x63xf32> to vector<128x1xf32>
    %sub3A_1333 = arith.subf %min3A_1331, %min3A_1323 : vector<128x128xf32>
    %mul3A_1334 = vector.broadcast %slice3A_1332 : vector<128x1xf32> to vector<128x128xf32>
    %mul3A_1335 = arith.mulf %mul3A_1334, %sub3A_1333 : vector<128x128xf32>
    %add3A_1336 = arith.addf %add3A_1328, %mul3A_1335 : vector<128x128xf32>
    %slice3A_1337 = vector.extract_strided_slice %slice3A_1042 {offsets = [0, 37], sizes = [128, 1], strides = [1, 1]} : vector<128x63xf32> to vector<128x1xf32>
    %min3A_1338 = vector.broadcast %slice3A_1337 : vector<128x1xf32> to vector<128x128xf32>
    %min3A_1339 = arith.minimumf %broadcast_in_dim3A_36, %min3A_1338 : vector<128x128xf32>
    %slice3A_1340 = vector.extract_strided_slice %slice3A_1043 {offsets = [0, 36], sizes = [128, 1], strides = [1, 1]} : vector<128x63xf32> to vector<128x1xf32>
    %sub3A_1341 = arith.subf %min3A_1339, %min3A_1331 : vector<128x128xf32>
    %mul3A_1342 = vector.broadcast %slice3A_1340 : vector<128x1xf32> to vector<128x128xf32>
    %mul3A_1343 = arith.mulf %mul3A_1342, %sub3A_1341 : vector<128x128xf32>
    %add3A_1344 = arith.addf %add3A_1336, %mul3A_1343 : vector<128x128xf32>
    %slice3A_1345 = vector.extract_strided_slice %slice3A_1042 {offsets = [0, 38], sizes = [128, 1], strides = [1, 1]} : vector<128x63xf32> to vector<128x1xf32>
    %min3A_1346 = vector.broadcast %slice3A_1345 : vector<128x1xf32> to vector<128x128xf32>
    %min3A_1347 = arith.minimumf %broadcast_in_dim3A_36, %min3A_1346 : vector<128x128xf32>
    %slice3A_1348 = vector.extract_strided_slice %slice3A_1043 {offsets = [0, 37], sizes = [128, 1], strides = [1, 1]} : vector<128x63xf32> to vector<128x1xf32>
    %sub3A_1349 = arith.subf %min3A_1347, %min3A_1339 : vector<128x128xf32>
    %mul3A_1350 = vector.broadcast %slice3A_1348 : vector<128x1xf32> to vector<128x128xf32>
    %mul3A_1351 = arith.mulf %mul3A_1350, %sub3A_1349 : vector<128x128xf32>
    %add3A_1352 = arith.addf %add3A_1344, %mul3A_1351 : vector<128x128xf32>
    %slice3A_1353 = vector.extract_strided_slice %slice3A_1042 {offsets = [0, 39], sizes = [128, 1], strides = [1, 1]} : vector<128x63xf32> to vector<128x1xf32>
    %min3A_1354 = vector.broadcast %slice3A_1353 : vector<128x1xf32> to vector<128x128xf32>
    %min3A_1355 = arith.minimumf %broadcast_in_dim3A_36, %min3A_1354 : vector<128x128xf32>
    %slice3A_1356 = vector.extract_strided_slice %slice3A_1043 {offsets = [0, 38], sizes = [128, 1], strides = [1, 1]} : vector<128x63xf32> to vector<128x1xf32>
    %sub3A_1357 = arith.subf %min3A_1355, %min3A_1347 : vector<128x128xf32>
    %mul3A_1358 = vector.broadcast %slice3A_1356 : vector<128x1xf32> to vector<128x128xf32>
    %mul3A_1359 = arith.mulf %mul3A_1358, %sub3A_1357 : vector<128x128xf32>
    %add3A_1360 = arith.addf %add3A_1352, %mul3A_1359 : vector<128x128xf32>
    %slice3A_1361 = vector.extract_strided_slice %slice3A_1042 {offsets = [0, 40], sizes = [128, 1], strides = [1, 1]} : vector<128x63xf32> to vector<128x1xf32>
    %min3A_1362 = vector.broadcast %slice3A_1361 : vector<128x1xf32> to vector<128x128xf32>
    %min3A_1363 = arith.minimumf %broadcast_in_dim3A_36, %min3A_1362 : vector<128x128xf32>
    %slice3A_1364 = vector.extract_strided_slice %slice3A_1043 {offsets = [0, 39], sizes = [128, 1], strides = [1, 1]} : vector<128x63xf32> to vector<128x1xf32>
    %sub3A_1365 = arith.subf %min3A_1363, %min3A_1355 : vector<128x128xf32>
    %mul3A_1366 = vector.broadcast %slice3A_1364 : vector<128x1xf32> to vector<128x128xf32>
    %mul3A_1367 = arith.mulf %mul3A_1366, %sub3A_1365 : vector<128x128xf32>
    %add3A_1368 = arith.addf %add3A_1360, %mul3A_1367 : vector<128x128xf32>
    %slice3A_1369 = vector.extract_strided_slice %slice3A_1042 {offsets = [0, 41], sizes = [128, 1], strides = [1, 1]} : vector<128x63xf32> to vector<128x1xf32>
    %min3A_1370 = vector.broadcast %slice3A_1369 : vector<128x1xf32> to vector<128x128xf32>
    %min3A_1371 = arith.minimumf %broadcast_in_dim3A_36, %min3A_1370 : vector<128x128xf32>
    %slice3A_1372 = vector.extract_strided_slice %slice3A_1043 {offsets = [0, 40], sizes = [128, 1], strides = [1, 1]} : vector<128x63xf32> to vector<128x1xf32>
    %sub3A_1373 = arith.subf %min3A_1371, %min3A_1363 : vector<128x128xf32>
    %mul3A_1374 = vector.broadcast %slice3A_1372 : vector<128x1xf32> to vector<128x128xf32>
    %mul3A_1375 = arith.mulf %mul3A_1374, %sub3A_1373 : vector<128x128xf32>
    %add3A_1376 = arith.addf %add3A_1368, %mul3A_1375 : vector<128x128xf32>
    %slice3A_1377 = vector.extract_strided_slice %slice3A_1042 {offsets = [0, 42], sizes = [128, 1], strides = [1, 1]} : vector<128x63xf32> to vector<128x1xf32>
    %min3A_1378 = vector.broadcast %slice3A_1377 : vector<128x1xf32> to vector<128x128xf32>
    %min3A_1379 = arith.minimumf %broadcast_in_dim3A_36, %min3A_1378 : vector<128x128xf32>
    %slice3A_1380 = vector.extract_strided_slice %slice3A_1043 {offsets = [0, 41], sizes = [128, 1], strides = [1, 1]} : vector<128x63xf32> to vector<128x1xf32>
    %sub3A_1381 = arith.subf %min3A_1379, %min3A_1371 : vector<128x128xf32>
    %mul3A_1382 = vector.broadcast %slice3A_1380 : vector<128x1xf32> to vector<128x128xf32>
    %mul3A_1383 = arith.mulf %mul3A_1382, %sub3A_1381 : vector<128x128xf32>
    %add3A_1384 = arith.addf %add3A_1376, %mul3A_1383 : vector<128x128xf32>
    %slice3A_1385 = vector.extract_strided_slice %slice3A_1042 {offsets = [0, 43], sizes = [128, 1], strides = [1, 1]} : vector<128x63xf32> to vector<128x1xf32>
    %min3A_1386 = vector.broadcast %slice3A_1385 : vector<128x1xf32> to vector<128x128xf32>
    %min3A_1387 = arith.minimumf %broadcast_in_dim3A_36, %min3A_1386 : vector<128x128xf32>
    %slice3A_1388 = vector.extract_strided_slice %slice3A_1043 {offsets = [0, 42], sizes = [128, 1], strides = [1, 1]} : vector<128x63xf32> to vector<128x1xf32>
    %sub3A_1389 = arith.subf %min3A_1387, %min3A_1379 : vector<128x128xf32>
    %mul3A_1390 = vector.broadcast %slice3A_1388 : vector<128x1xf32> to vector<128x128xf32>
    %mul3A_1391 = arith.mulf %mul3A_1390, %sub3A_1389 : vector<128x128xf32>
    %add3A_1392 = arith.addf %add3A_1384, %mul3A_1391 : vector<128x128xf32>
    %slice3A_1393 = vector.extract_strided_slice %slice3A_1042 {offsets = [0, 44], sizes = [128, 1], strides = [1, 1]} : vector<128x63xf32> to vector<128x1xf32>
    %min3A_1394 = vector.broadcast %slice3A_1393 : vector<128x1xf32> to vector<128x128xf32>
    %min3A_1395 = arith.minimumf %broadcast_in_dim3A_36, %min3A_1394 : vector<128x128xf32>
    %slice3A_1396 = vector.extract_strided_slice %slice3A_1043 {offsets = [0, 43], sizes = [128, 1], strides = [1, 1]} : vector<128x63xf32> to vector<128x1xf32>
    %sub3A_1397 = arith.subf %min3A_1395, %min3A_1387 : vector<128x128xf32>
    %mul3A_1398 = vector.broadcast %slice3A_1396 : vector<128x1xf32> to vector<128x128xf32>
    %mul3A_1399 = arith.mulf %mul3A_1398, %sub3A_1397 : vector<128x128xf32>
    %add3A_1400 = arith.addf %add3A_1392, %mul3A_1399 : vector<128x128xf32>
    %slice3A_1401 = vector.extract_strided_slice %slice3A_1042 {offsets = [0, 45], sizes = [128, 1], strides = [1, 1]} : vector<128x63xf32> to vector<128x1xf32>
    %min3A_1402 = vector.broadcast %slice3A_1401 : vector<128x1xf32> to vector<128x128xf32>
    %min3A_1403 = arith.minimumf %broadcast_in_dim3A_36, %min3A_1402 : vector<128x128xf32>
    %slice3A_1404 = vector.extract_strided_slice %slice3A_1043 {offsets = [0, 44], sizes = [128, 1], strides = [1, 1]} : vector<128x63xf32> to vector<128x1xf32>
    %sub3A_1405 = arith.subf %min3A_1403, %min3A_1395 : vector<128x128xf32>
    %mul3A_1406 = vector.broadcast %slice3A_1404 : vector<128x1xf32> to vector<128x128xf32>
    %mul3A_1407 = arith.mulf %mul3A_1406, %sub3A_1405 : vector<128x128xf32>
    %add3A_1408 = arith.addf %add3A_1400, %mul3A_1407 : vector<128x128xf32>
    %slice3A_1409 = vector.extract_strided_slice %slice3A_1042 {offsets = [0, 46], sizes = [128, 1], strides = [1, 1]} : vector<128x63xf32> to vector<128x1xf32>
    %min3A_1410 = vector.broadcast %slice3A_1409 : vector<128x1xf32> to vector<128x128xf32>
    %min3A_1411 = arith.minimumf %broadcast_in_dim3A_36, %min3A_1410 : vector<128x128xf32>
    %slice3A_1412 = vector.extract_strided_slice %slice3A_1043 {offsets = [0, 45], sizes = [128, 1], strides = [1, 1]} : vector<128x63xf32> to vector<128x1xf32>
    %sub3A_1413 = arith.subf %min3A_1411, %min3A_1403 : vector<128x128xf32>
    %mul3A_1414 = vector.broadcast %slice3A_1412 : vector<128x1xf32> to vector<128x128xf32>
    %mul3A_1415 = arith.mulf %mul3A_1414, %sub3A_1413 : vector<128x128xf32>
    %add3A_1416 = arith.addf %add3A_1408, %mul3A_1415 : vector<128x128xf32>
    %slice3A_1417 = vector.extract_strided_slice %slice3A_1042 {offsets = [0, 47], sizes = [128, 1], strides = [1, 1]} : vector<128x63xf32> to vector<128x1xf32>
    %min3A_1418 = vector.broadcast %slice3A_1417 : vector<128x1xf32> to vector<128x128xf32>
    %min3A_1419 = arith.minimumf %broadcast_in_dim3A_36, %min3A_1418 : vector<128x128xf32>
    %slice3A_1420 = vector.extract_strided_slice %slice3A_1043 {offsets = [0, 46], sizes = [128, 1], strides = [1, 1]} : vector<128x63xf32> to vector<128x1xf32>
    %sub3A_1421 = arith.subf %min3A_1419, %min3A_1411 : vector<128x128xf32>
    %mul3A_1422 = vector.broadcast %slice3A_1420 : vector<128x1xf32> to vector<128x128xf32>
    %mul3A_1423 = arith.mulf %mul3A_1422, %sub3A_1421 : vector<128x128xf32>
    %add3A_1424 = arith.addf %add3A_1416, %mul3A_1423 : vector<128x128xf32>
    %slice3A_1425 = vector.extract_strided_slice %slice3A_1042 {offsets = [0, 48], sizes = [128, 1], strides = [1, 1]} : vector<128x63xf32> to vector<128x1xf32>
    %min3A_1426 = vector.broadcast %slice3A_1425 : vector<128x1xf32> to vector<128x128xf32>
    %min3A_1427 = arith.minimumf %broadcast_in_dim3A_36, %min3A_1426 : vector<128x128xf32>
    %slice3A_1428 = vector.extract_strided_slice %slice3A_1043 {offsets = [0, 47], sizes = [128, 1], strides = [1, 1]} : vector<128x63xf32> to vector<128x1xf32>
    %sub3A_1429 = arith.subf %min3A_1427, %min3A_1419 : vector<128x128xf32>
    %mul3A_1430 = vector.broadcast %slice3A_1428 : vector<128x1xf32> to vector<128x128xf32>
    %mul3A_1431 = arith.mulf %mul3A_1430, %sub3A_1429 : vector<128x128xf32>
    %add3A_1432 = arith.addf %add3A_1424, %mul3A_1431 : vector<128x128xf32>
    %slice3A_1433 = vector.extract_strided_slice %slice3A_1042 {offsets = [0, 49], sizes = [128, 1], strides = [1, 1]} : vector<128x63xf32> to vector<128x1xf32>
    %min3A_1434 = vector.broadcast %slice3A_1433 : vector<128x1xf32> to vector<128x128xf32>
    %min3A_1435 = arith.minimumf %broadcast_in_dim3A_36, %min3A_1434 : vector<128x128xf32>
    %slice3A_1436 = vector.extract_strided_slice %slice3A_1043 {offsets = [0, 48], sizes = [128, 1], strides = [1, 1]} : vector<128x63xf32> to vector<128x1xf32>
    %sub3A_1437 = arith.subf %min3A_1435, %min3A_1427 : vector<128x128xf32>
    %mul3A_1438 = vector.broadcast %slice3A_1436 : vector<128x1xf32> to vector<128x128xf32>
    %mul3A_1439 = arith.mulf %mul3A_1438, %sub3A_1437 : vector<128x128xf32>
    %add3A_1440 = arith.addf %add3A_1432, %mul3A_1439 : vector<128x128xf32>
    %slice3A_1441 = vector.extract_strided_slice %slice3A_1042 {offsets = [0, 50], sizes = [128, 1], strides = [1, 1]} : vector<128x63xf32> to vector<128x1xf32>
    %min3A_1442 = vector.broadcast %slice3A_1441 : vector<128x1xf32> to vector<128x128xf32>
    %min3A_1443 = arith.minimumf %broadcast_in_dim3A_36, %min3A_1442 : vector<128x128xf32>
    %slice3A_1444 = vector.extract_strided_slice %slice3A_1043 {offsets = [0, 49], sizes = [128, 1], strides = [1, 1]} : vector<128x63xf32> to vector<128x1xf32>
    %sub3A_1445 = arith.subf %min3A_1443, %min3A_1435 : vector<128x128xf32>
    %mul3A_1446 = vector.broadcast %slice3A_1444 : vector<128x1xf32> to vector<128x128xf32>
    %mul3A_1447 = arith.mulf %mul3A_1446, %sub3A_1445 : vector<128x128xf32>
    %add3A_1448 = arith.addf %add3A_1440, %mul3A_1447 : vector<128x128xf32>
    %slice3A_1449 = vector.extract_strided_slice %slice3A_1042 {offsets = [0, 51], sizes = [128, 1], strides = [1, 1]} : vector<128x63xf32> to vector<128x1xf32>
    %min3A_1450 = vector.broadcast %slice3A_1449 : vector<128x1xf32> to vector<128x128xf32>
    %min3A_1451 = arith.minimumf %broadcast_in_dim3A_36, %min3A_1450 : vector<128x128xf32>
    %slice3A_1452 = vector.extract_strided_slice %slice3A_1043 {offsets = [0, 50], sizes = [128, 1], strides = [1, 1]} : vector<128x63xf32> to vector<128x1xf32>
    %sub3A_1453 = arith.subf %min3A_1451, %min3A_1443 : vector<128x128xf32>
    %mul3A_1454 = vector.broadcast %slice3A_1452 : vector<128x1xf32> to vector<128x128xf32>
    %mul3A_1455 = arith.mulf %mul3A_1454, %sub3A_1453 : vector<128x128xf32>
    %add3A_1456 = arith.addf %add3A_1448, %mul3A_1455 : vector<128x128xf32>
    %slice3A_1457 = vector.extract_strided_slice %slice3A_1042 {offsets = [0, 52], sizes = [128, 1], strides = [1, 1]} : vector<128x63xf32> to vector<128x1xf32>
    %min3A_1458 = vector.broadcast %slice3A_1457 : vector<128x1xf32> to vector<128x128xf32>
    %min3A_1459 = arith.minimumf %broadcast_in_dim3A_36, %min3A_1458 : vector<128x128xf32>
    %slice3A_1460 = vector.extract_strided_slice %slice3A_1043 {offsets = [0, 51], sizes = [128, 1], strides = [1, 1]} : vector<128x63xf32> to vector<128x1xf32>
    %sub3A_1461 = arith.subf %min3A_1459, %min3A_1451 : vector<128x128xf32>
    %mul3A_1462 = vector.broadcast %slice3A_1460 : vector<128x1xf32> to vector<128x128xf32>
    %mul3A_1463 = arith.mulf %mul3A_1462, %sub3A_1461 : vector<128x128xf32>
    %add3A_1464 = arith.addf %add3A_1456, %mul3A_1463 : vector<128x128xf32>
    %slice3A_1465 = vector.extract_strided_slice %slice3A_1042 {offsets = [0, 53], sizes = [128, 1], strides = [1, 1]} : vector<128x63xf32> to vector<128x1xf32>
    %min3A_1466 = vector.broadcast %slice3A_1465 : vector<128x1xf32> to vector<128x128xf32>
    %min3A_1467 = arith.minimumf %broadcast_in_dim3A_36, %min3A_1466 : vector<128x128xf32>
    %slice3A_1468 = vector.extract_strided_slice %slice3A_1043 {offsets = [0, 52], sizes = [128, 1], strides = [1, 1]} : vector<128x63xf32> to vector<128x1xf32>
    %sub3A_1469 = arith.subf %min3A_1467, %min3A_1459 : vector<128x128xf32>
    %mul3A_1470 = vector.broadcast %slice3A_1468 : vector<128x1xf32> to vector<128x128xf32>
    %mul3A_1471 = arith.mulf %mul3A_1470, %sub3A_1469 : vector<128x128xf32>
    %add3A_1472 = arith.addf %add3A_1464, %mul3A_1471 : vector<128x128xf32>
    %slice3A_1473 = vector.extract_strided_slice %slice3A_1042 {offsets = [0, 54], sizes = [128, 1], strides = [1, 1]} : vector<128x63xf32> to vector<128x1xf32>
    %min3A_1474 = vector.broadcast %slice3A_1473 : vector<128x1xf32> to vector<128x128xf32>
    %min3A_1475 = arith.minimumf %broadcast_in_dim3A_36, %min3A_1474 : vector<128x128xf32>
    %slice3A_1476 = vector.extract_strided_slice %slice3A_1043 {offsets = [0, 53], sizes = [128, 1], strides = [1, 1]} : vector<128x63xf32> to vector<128x1xf32>
    %sub3A_1477 = arith.subf %min3A_1475, %min3A_1467 : vector<128x128xf32>
    %mul3A_1478 = vector.broadcast %slice3A_1476 : vector<128x1xf32> to vector<128x128xf32>
    %mul3A_1479 = arith.mulf %mul3A_1478, %sub3A_1477 : vector<128x128xf32>
    %add3A_1480 = arith.addf %add3A_1472, %mul3A_1479 : vector<128x128xf32>
    %slice3A_1481 = vector.extract_strided_slice %slice3A_1042 {offsets = [0, 55], sizes = [128, 1], strides = [1, 1]} : vector<128x63xf32> to vector<128x1xf32>
    %min3A_1482 = vector.broadcast %slice3A_1481 : vector<128x1xf32> to vector<128x128xf32>
    %min3A_1483 = arith.minimumf %broadcast_in_dim3A_36, %min3A_1482 : vector<128x128xf32>
    %slice3A_1484 = vector.extract_strided_slice %slice3A_1043 {offsets = [0, 54], sizes = [128, 1], strides = [1, 1]} : vector<128x63xf32> to vector<128x1xf32>
    %sub3A_1485 = arith.subf %min3A_1483, %min3A_1475 : vector<128x128xf32>
    %mul3A_1486 = vector.broadcast %slice3A_1484 : vector<128x1xf32> to vector<128x128xf32>
    %mul3A_1487 = arith.mulf %mul3A_1486, %sub3A_1485 : vector<128x128xf32>
    %add3A_1488 = arith.addf %add3A_1480, %mul3A_1487 : vector<128x128xf32>
    %slice3A_1489 = vector.extract_strided_slice %slice3A_1042 {offsets = [0, 56], sizes = [128, 1], strides = [1, 1]} : vector<128x63xf32> to vector<128x1xf32>
    %min3A_1490 = vector.broadcast %slice3A_1489 : vector<128x1xf32> to vector<128x128xf32>
    %min3A_1491 = arith.minimumf %broadcast_in_dim3A_36, %min3A_1490 : vector<128x128xf32>
    %slice3A_1492 = vector.extract_strided_slice %slice3A_1043 {offsets = [0, 55], sizes = [128, 1], strides = [1, 1]} : vector<128x63xf32> to vector<128x1xf32>
    %sub3A_1493 = arith.subf %min3A_1491, %min3A_1483 : vector<128x128xf32>
    %mul3A_1494 = vector.broadcast %slice3A_1492 : vector<128x1xf32> to vector<128x128xf32>
    %mul3A_1495 = arith.mulf %mul3A_1494, %sub3A_1493 : vector<128x128xf32>
    %add3A_1496 = arith.addf %add3A_1488, %mul3A_1495 : vector<128x128xf32>
    %slice3A_1497 = vector.extract_strided_slice %slice3A_1042 {offsets = [0, 57], sizes = [128, 1], strides = [1, 1]} : vector<128x63xf32> to vector<128x1xf32>
    %min3A_1498 = vector.broadcast %slice3A_1497 : vector<128x1xf32> to vector<128x128xf32>
    %min3A_1499 = arith.minimumf %broadcast_in_dim3A_36, %min3A_1498 : vector<128x128xf32>
    %slice3A_1500 = vector.extract_strided_slice %slice3A_1043 {offsets = [0, 56], sizes = [128, 1], strides = [1, 1]} : vector<128x63xf32> to vector<128x1xf32>
    %sub3A_1501 = arith.subf %min3A_1499, %min3A_1491 : vector<128x128xf32>
    %mul3A_1502 = vector.broadcast %slice3A_1500 : vector<128x1xf32> to vector<128x128xf32>
    %mul3A_1503 = arith.mulf %mul3A_1502, %sub3A_1501 : vector<128x128xf32>
    %add3A_1504 = arith.addf %add3A_1496, %mul3A_1503 : vector<128x128xf32>
    %slice3A_1505 = vector.extract_strided_slice %slice3A_1042 {offsets = [0, 58], sizes = [128, 1], strides = [1, 1]} : vector<128x63xf32> to vector<128x1xf32>
    %min3A_1506 = vector.broadcast %slice3A_1505 : vector<128x1xf32> to vector<128x128xf32>
    %min3A_1507 = arith.minimumf %broadcast_in_dim3A_36, %min3A_1506 : vector<128x128xf32>
    %slice3A_1508 = vector.extract_strided_slice %slice3A_1043 {offsets = [0, 57], sizes = [128, 1], strides = [1, 1]} : vector<128x63xf32> to vector<128x1xf32>
    %sub3A_1509 = arith.subf %min3A_1507, %min3A_1499 : vector<128x128xf32>
    %mul3A_1510 = vector.broadcast %slice3A_1508 : vector<128x1xf32> to vector<128x128xf32>
    %mul3A_1511 = arith.mulf %mul3A_1510, %sub3A_1509 : vector<128x128xf32>
    %add3A_1512 = arith.addf %add3A_1504, %mul3A_1511 : vector<128x128xf32>
    %slice3A_1513 = vector.extract_strided_slice %slice3A_1042 {offsets = [0, 59], sizes = [128, 1], strides = [1, 1]} : vector<128x63xf32> to vector<128x1xf32>
    %min3A_1514 = vector.broadcast %slice3A_1513 : vector<128x1xf32> to vector<128x128xf32>
    %min3A_1515 = arith.minimumf %broadcast_in_dim3A_36, %min3A_1514 : vector<128x128xf32>
    %slice3A_1516 = vector.extract_strided_slice %slice3A_1043 {offsets = [0, 58], sizes = [128, 1], strides = [1, 1]} : vector<128x63xf32> to vector<128x1xf32>
    %sub3A_1517 = arith.subf %min3A_1515, %min3A_1507 : vector<128x128xf32>
    %mul3A_1518 = vector.broadcast %slice3A_1516 : vector<128x1xf32> to vector<128x128xf32>
    %mul3A_1519 = arith.mulf %mul3A_1518, %sub3A_1517 : vector<128x128xf32>
    %add3A_1520 = arith.addf %add3A_1512, %mul3A_1519 : vector<128x128xf32>
    %slice3A_1521 = vector.extract_strided_slice %slice3A_1042 {offsets = [0, 60], sizes = [128, 1], strides = [1, 1]} : vector<128x63xf32> to vector<128x1xf32>
    %min3A_1522 = vector.broadcast %slice3A_1521 : vector<128x1xf32> to vector<128x128xf32>
    %min3A_1523 = arith.minimumf %broadcast_in_dim3A_36, %min3A_1522 : vector<128x128xf32>
    %slice3A_1524 = vector.extract_strided_slice %slice3A_1043 {offsets = [0, 59], sizes = [128, 1], strides = [1, 1]} : vector<128x63xf32> to vector<128x1xf32>
    %sub3A_1525 = arith.subf %min3A_1523, %min3A_1515 : vector<128x128xf32>
    %mul3A_1526 = vector.broadcast %slice3A_1524 : vector<128x1xf32> to vector<128x128xf32>
    %mul3A_1527 = arith.mulf %mul3A_1526, %sub3A_1525 : vector<128x128xf32>
    %add3A_1528 = arith.addf %add3A_1520, %mul3A_1527 : vector<128x128xf32>
    %slice3A_1529 = vector.extract_strided_slice %slice3A_1042 {offsets = [0, 61], sizes = [128, 1], strides = [1, 1]} : vector<128x63xf32> to vector<128x1xf32>
    %min3A_1530 = vector.broadcast %slice3A_1529 : vector<128x1xf32> to vector<128x128xf32>
    %min3A_1531 = arith.minimumf %broadcast_in_dim3A_36, %min3A_1530 : vector<128x128xf32>
    %slice3A_1532 = vector.extract_strided_slice %slice3A_1043 {offsets = [0, 60], sizes = [128, 1], strides = [1, 1]} : vector<128x63xf32> to vector<128x1xf32>
    %sub3A_1533 = arith.subf %min3A_1531, %min3A_1523 : vector<128x128xf32>
    %mul3A_1534 = vector.broadcast %slice3A_1532 : vector<128x1xf32> to vector<128x128xf32>
    %mul3A_1535 = arith.mulf %mul3A_1534, %sub3A_1533 : vector<128x128xf32>
    %add3A_1536 = arith.addf %add3A_1528, %mul3A_1535 : vector<128x128xf32>
    %slice3A_1537 = vector.extract_strided_slice %slice3A_1042 {offsets = [0, 62], sizes = [128, 1], strides = [1, 1]} : vector<128x63xf32> to vector<128x1xf32>
    %min3A_1538 = vector.broadcast %slice3A_1537 : vector<128x1xf32> to vector<128x128xf32>
    %min3A_1539 = arith.minimumf %broadcast_in_dim3A_36, %min3A_1538 : vector<128x128xf32>
    %slice3A_1540 = vector.extract_strided_slice %slice3A_1043 {offsets = [0, 61], sizes = [128, 1], strides = [1, 1]} : vector<128x63xf32> to vector<128x1xf32>
    %sub3A_1541 = arith.subf %min3A_1539, %min3A_1531 : vector<128x128xf32>
    %mul3A_1542 = vector.broadcast %slice3A_1540 : vector<128x1xf32> to vector<128x128xf32>
    %mul3A_1543 = arith.mulf %mul3A_1542, %sub3A_1541 : vector<128x128xf32>
    %add3A_1544 = arith.addf %add3A_1536, %mul3A_1543 : vector<128x128xf32>
    %slice3A_1545 = vector.extract_strided_slice %concatenate3A {offsets = [384, 0], sizes = [128, 63], strides = [1, 1]} : vector<512x63xf32> to vector<128x63xf32>
    %slice3A_1546 = vector.extract_strided_slice %div3A_26 {offsets = [384, 0], sizes = [128, 63], strides = [1, 1]} : vector<512x63xf32> to vector<128x63xf32>
    %slice3A_1547 = vector.extract_strided_slice %mul3A_16 {offsets = [384, 0], sizes = [128, 1], strides = [1, 1]} : vector<512x63xf32> to vector<128x1xf32>
    %broadcast_in_dim3A_1548 = vector.shape_cast %slice3A_1547 : vector<128x1xf32> to vector<128x1xf32>
    %broadcast_in_dim3A_1549 = vector.broadcast %broadcast_in_dim3A_1548 : vector<128x1xf32> to vector<128x128xf32>
    %broadcast_in_dim3A_1550 = arith.constant 0.000000e+00 : f32
    %broadcast_in_dim3A_1551 = vector.broadcast %broadcast_in_dim3A_1550 : f32 to vector<128x128xf32>
    %slice3A_1552 = vector.extract_strided_slice %slice3A_1545 {offsets = [0, 1], sizes = [128, 1], strides = [1, 1]} : vector<128x63xf32> to vector<128x1xf32>
    %min3A_1553 = vector.broadcast %slice3A_1552 : vector<128x1xf32> to vector<128x128xf32>
    %min3A_1554 = arith.minimumf %broadcast_in_dim3A_36, %min3A_1553 : vector<128x128xf32>
    %slice3A_1555 = vector.extract_strided_slice %slice3A_1546 {offsets = [0, 0], sizes = [128, 1], strides = [1, 1]} : vector<128x63xf32> to vector<128x1xf32>
    %sub3A_1556 = arith.subf %min3A_1554, %broadcast_in_dim3A_1551 : vector<128x128xf32>
    %mul3A_1557 = vector.broadcast %slice3A_1555 : vector<128x1xf32> to vector<128x128xf32>
    %mul3A_1558 = arith.mulf %mul3A_1557, %sub3A_1556 : vector<128x128xf32>
    %add3A_1559 = arith.addf %broadcast_in_dim3A_1549, %mul3A_1558 : vector<128x128xf32>
    %slice3A_1560 = vector.extract_strided_slice %slice3A_1545 {offsets = [0, 2], sizes = [128, 1], strides = [1, 1]} : vector<128x63xf32> to vector<128x1xf32>
    %min3A_1561 = vector.broadcast %slice3A_1560 : vector<128x1xf32> to vector<128x128xf32>
    %min3A_1562 = arith.minimumf %broadcast_in_dim3A_36, %min3A_1561 : vector<128x128xf32>
    %slice3A_1563 = vector.extract_strided_slice %slice3A_1546 {offsets = [0, 1], sizes = [128, 1], strides = [1, 1]} : vector<128x63xf32> to vector<128x1xf32>
    %sub3A_1564 = arith.subf %min3A_1562, %min3A_1554 : vector<128x128xf32>
    %mul3A_1565 = vector.broadcast %slice3A_1563 : vector<128x1xf32> to vector<128x128xf32>
    %mul3A_1566 = arith.mulf %mul3A_1565, %sub3A_1564 : vector<128x128xf32>
    %add3A_1567 = arith.addf %add3A_1559, %mul3A_1566 : vector<128x128xf32>
    %slice3A_1568 = vector.extract_strided_slice %slice3A_1545 {offsets = [0, 3], sizes = [128, 1], strides = [1, 1]} : vector<128x63xf32> to vector<128x1xf32>
    %min3A_1569 = vector.broadcast %slice3A_1568 : vector<128x1xf32> to vector<128x128xf32>
    %min3A_1570 = arith.minimumf %broadcast_in_dim3A_36, %min3A_1569 : vector<128x128xf32>
    %slice3A_1571 = vector.extract_strided_slice %slice3A_1546 {offsets = [0, 2], sizes = [128, 1], strides = [1, 1]} : vector<128x63xf32> to vector<128x1xf32>
    %sub3A_1572 = arith.subf %min3A_1570, %min3A_1562 : vector<128x128xf32>
    %mul3A_1573 = vector.broadcast %slice3A_1571 : vector<128x1xf32> to vector<128x128xf32>
    %mul3A_1574 = arith.mulf %mul3A_1573, %sub3A_1572 : vector<128x128xf32>
    %add3A_1575 = arith.addf %add3A_1567, %mul3A_1574 : vector<128x128xf32>
    %slice3A_1576 = vector.extract_strided_slice %slice3A_1545 {offsets = [0, 4], sizes = [128, 1], strides = [1, 1]} : vector<128x63xf32> to vector<128x1xf32>
    %min3A_1577 = vector.broadcast %slice3A_1576 : vector<128x1xf32> to vector<128x128xf32>
    %min3A_1578 = arith.minimumf %broadcast_in_dim3A_36, %min3A_1577 : vector<128x128xf32>
    %slice3A_1579 = vector.extract_strided_slice %slice3A_1546 {offsets = [0, 3], sizes = [128, 1], strides = [1, 1]} : vector<128x63xf32> to vector<128x1xf32>
    %sub3A_1580 = arith.subf %min3A_1578, %min3A_1570 : vector<128x128xf32>
    %mul3A_1581 = vector.broadcast %slice3A_1579 : vector<128x1xf32> to vector<128x128xf32>
    %mul3A_1582 = arith.mulf %mul3A_1581, %sub3A_1580 : vector<128x128xf32>
    %add3A_1583 = arith.addf %add3A_1575, %mul3A_1582 : vector<128x128xf32>
    %slice3A_1584 = vector.extract_strided_slice %slice3A_1545 {offsets = [0, 5], sizes = [128, 1], strides = [1, 1]} : vector<128x63xf32> to vector<128x1xf32>
    %min3A_1585 = vector.broadcast %slice3A_1584 : vector<128x1xf32> to vector<128x128xf32>
    %min3A_1586 = arith.minimumf %broadcast_in_dim3A_36, %min3A_1585 : vector<128x128xf32>
    %slice3A_1587 = vector.extract_strided_slice %slice3A_1546 {offsets = [0, 4], sizes = [128, 1], strides = [1, 1]} : vector<128x63xf32> to vector<128x1xf32>
    %sub3A_1588 = arith.subf %min3A_1586, %min3A_1578 : vector<128x128xf32>
    %mul3A_1589 = vector.broadcast %slice3A_1587 : vector<128x1xf32> to vector<128x128xf32>
    %mul3A_1590 = arith.mulf %mul3A_1589, %sub3A_1588 : vector<128x128xf32>
    %add3A_1591 = arith.addf %add3A_1583, %mul3A_1590 : vector<128x128xf32>
    %slice3A_1592 = vector.extract_strided_slice %slice3A_1545 {offsets = [0, 6], sizes = [128, 1], strides = [1, 1]} : vector<128x63xf32> to vector<128x1xf32>
    %min3A_1593 = vector.broadcast %slice3A_1592 : vector<128x1xf32> to vector<128x128xf32>
    %min3A_1594 = arith.minimumf %broadcast_in_dim3A_36, %min3A_1593 : vector<128x128xf32>
    %slice3A_1595 = vector.extract_strided_slice %slice3A_1546 {offsets = [0, 5], sizes = [128, 1], strides = [1, 1]} : vector<128x63xf32> to vector<128x1xf32>
    %sub3A_1596 = arith.subf %min3A_1594, %min3A_1586 : vector<128x128xf32>
    %mul3A_1597 = vector.broadcast %slice3A_1595 : vector<128x1xf32> to vector<128x128xf32>
    %mul3A_1598 = arith.mulf %mul3A_1597, %sub3A_1596 : vector<128x128xf32>
    %add3A_1599 = arith.addf %add3A_1591, %mul3A_1598 : vector<128x128xf32>
    %slice3A_1600 = vector.extract_strided_slice %slice3A_1545 {offsets = [0, 7], sizes = [128, 1], strides = [1, 1]} : vector<128x63xf32> to vector<128x1xf32>
    %min3A_1601 = vector.broadcast %slice3A_1600 : vector<128x1xf32> to vector<128x128xf32>
    %min3A_1602 = arith.minimumf %broadcast_in_dim3A_36, %min3A_1601 : vector<128x128xf32>
    %slice3A_1603 = vector.extract_strided_slice %slice3A_1546 {offsets = [0, 6], sizes = [128, 1], strides = [1, 1]} : vector<128x63xf32> to vector<128x1xf32>
    %sub3A_1604 = arith.subf %min3A_1602, %min3A_1594 : vector<128x128xf32>
    %mul3A_1605 = vector.broadcast %slice3A_1603 : vector<128x1xf32> to vector<128x128xf32>
    %mul3A_1606 = arith.mulf %mul3A_1605, %sub3A_1604 : vector<128x128xf32>
    %add3A_1607 = arith.addf %add3A_1599, %mul3A_1606 : vector<128x128xf32>
    %slice3A_1608 = vector.extract_strided_slice %slice3A_1545 {offsets = [0, 8], sizes = [128, 1], strides = [1, 1]} : vector<128x63xf32> to vector<128x1xf32>
    %min3A_1609 = vector.broadcast %slice3A_1608 : vector<128x1xf32> to vector<128x128xf32>
    %min3A_1610 = arith.minimumf %broadcast_in_dim3A_36, %min3A_1609 : vector<128x128xf32>
    %slice3A_1611 = vector.extract_strided_slice %slice3A_1546 {offsets = [0, 7], sizes = [128, 1], strides = [1, 1]} : vector<128x63xf32> to vector<128x1xf32>
    %sub3A_1612 = arith.subf %min3A_1610, %min3A_1602 : vector<128x128xf32>
    %mul3A_1613 = vector.broadcast %slice3A_1611 : vector<128x1xf32> to vector<128x128xf32>
    %mul3A_1614 = arith.mulf %mul3A_1613, %sub3A_1612 : vector<128x128xf32>
    %add3A_1615 = arith.addf %add3A_1607, %mul3A_1614 : vector<128x128xf32>
    %slice3A_1616 = vector.extract_strided_slice %slice3A_1545 {offsets = [0, 9], sizes = [128, 1], strides = [1, 1]} : vector<128x63xf32> to vector<128x1xf32>
    %min3A_1617 = vector.broadcast %slice3A_1616 : vector<128x1xf32> to vector<128x128xf32>
    %min3A_1618 = arith.minimumf %broadcast_in_dim3A_36, %min3A_1617 : vector<128x128xf32>
    %slice3A_1619 = vector.extract_strided_slice %slice3A_1546 {offsets = [0, 8], sizes = [128, 1], strides = [1, 1]} : vector<128x63xf32> to vector<128x1xf32>
    %sub3A_1620 = arith.subf %min3A_1618, %min3A_1610 : vector<128x128xf32>
    %mul3A_1621 = vector.broadcast %slice3A_1619 : vector<128x1xf32> to vector<128x128xf32>
    %mul3A_1622 = arith.mulf %mul3A_1621, %sub3A_1620 : vector<128x128xf32>
    %add3A_1623 = arith.addf %add3A_1615, %mul3A_1622 : vector<128x128xf32>
    %slice3A_1624 = vector.extract_strided_slice %slice3A_1545 {offsets = [0, 10], sizes = [128, 1], strides = [1, 1]} : vector<128x63xf32> to vector<128x1xf32>
    %min3A_1625 = vector.broadcast %slice3A_1624 : vector<128x1xf32> to vector<128x128xf32>
    %min3A_1626 = arith.minimumf %broadcast_in_dim3A_36, %min3A_1625 : vector<128x128xf32>
    %slice3A_1627 = vector.extract_strided_slice %slice3A_1546 {offsets = [0, 9], sizes = [128, 1], strides = [1, 1]} : vector<128x63xf32> to vector<128x1xf32>
    %sub3A_1628 = arith.subf %min3A_1626, %min3A_1618 : vector<128x128xf32>
    %mul3A_1629 = vector.broadcast %slice3A_1627 : vector<128x1xf32> to vector<128x128xf32>
    %mul3A_1630 = arith.mulf %mul3A_1629, %sub3A_1628 : vector<128x128xf32>
    %add3A_1631 = arith.addf %add3A_1623, %mul3A_1630 : vector<128x128xf32>
    %slice3A_1632 = vector.extract_strided_slice %slice3A_1545 {offsets = [0, 11], sizes = [128, 1], strides = [1, 1]} : vector<128x63xf32> to vector<128x1xf32>
    %min3A_1633 = vector.broadcast %slice3A_1632 : vector<128x1xf32> to vector<128x128xf32>
    %min3A_1634 = arith.minimumf %broadcast_in_dim3A_36, %min3A_1633 : vector<128x128xf32>
    %slice3A_1635 = vector.extract_strided_slice %slice3A_1546 {offsets = [0, 10], sizes = [128, 1], strides = [1, 1]} : vector<128x63xf32> to vector<128x1xf32>
    %sub3A_1636 = arith.subf %min3A_1634, %min3A_1626 : vector<128x128xf32>
    %mul3A_1637 = vector.broadcast %slice3A_1635 : vector<128x1xf32> to vector<128x128xf32>
    %mul3A_1638 = arith.mulf %mul3A_1637, %sub3A_1636 : vector<128x128xf32>
    %add3A_1639 = arith.addf %add3A_1631, %mul3A_1638 : vector<128x128xf32>
    %slice3A_1640 = vector.extract_strided_slice %slice3A_1545 {offsets = [0, 12], sizes = [128, 1], strides = [1, 1]} : vector<128x63xf32> to vector<128x1xf32>
    %min3A_1641 = vector.broadcast %slice3A_1640 : vector<128x1xf32> to vector<128x128xf32>
    %min3A_1642 = arith.minimumf %broadcast_in_dim3A_36, %min3A_1641 : vector<128x128xf32>
    %slice3A_1643 = vector.extract_strided_slice %slice3A_1546 {offsets = [0, 11], sizes = [128, 1], strides = [1, 1]} : vector<128x63xf32> to vector<128x1xf32>
    %sub3A_1644 = arith.subf %min3A_1642, %min3A_1634 : vector<128x128xf32>
    %mul3A_1645 = vector.broadcast %slice3A_1643 : vector<128x1xf32> to vector<128x128xf32>
    %mul3A_1646 = arith.mulf %mul3A_1645, %sub3A_1644 : vector<128x128xf32>
    %add3A_1647 = arith.addf %add3A_1639, %mul3A_1646 : vector<128x128xf32>
    %slice3A_1648 = vector.extract_strided_slice %slice3A_1545 {offsets = [0, 13], sizes = [128, 1], strides = [1, 1]} : vector<128x63xf32> to vector<128x1xf32>
    %min3A_1649 = vector.broadcast %slice3A_1648 : vector<128x1xf32> to vector<128x128xf32>
    %min3A_1650 = arith.minimumf %broadcast_in_dim3A_36, %min3A_1649 : vector<128x128xf32>
    %slice3A_1651 = vector.extract_strided_slice %slice3A_1546 {offsets = [0, 12], sizes = [128, 1], strides = [1, 1]} : vector<128x63xf32> to vector<128x1xf32>
    %sub3A_1652 = arith.subf %min3A_1650, %min3A_1642 : vector<128x128xf32>
    %mul3A_1653 = vector.broadcast %slice3A_1651 : vector<128x1xf32> to vector<128x128xf32>
    %mul3A_1654 = arith.mulf %mul3A_1653, %sub3A_1652 : vector<128x128xf32>
    %add3A_1655 = arith.addf %add3A_1647, %mul3A_1654 : vector<128x128xf32>
    %slice3A_1656 = vector.extract_strided_slice %slice3A_1545 {offsets = [0, 14], sizes = [128, 1], strides = [1, 1]} : vector<128x63xf32> to vector<128x1xf32>
    %min3A_1657 = vector.broadcast %slice3A_1656 : vector<128x1xf32> to vector<128x128xf32>
    %min3A_1658 = arith.minimumf %broadcast_in_dim3A_36, %min3A_1657 : vector<128x128xf32>
    %slice3A_1659 = vector.extract_strided_slice %slice3A_1546 {offsets = [0, 13], sizes = [128, 1], strides = [1, 1]} : vector<128x63xf32> to vector<128x1xf32>
    %sub3A_1660 = arith.subf %min3A_1658, %min3A_1650 : vector<128x128xf32>
    %mul3A_1661 = vector.broadcast %slice3A_1659 : vector<128x1xf32> to vector<128x128xf32>
    %mul3A_1662 = arith.mulf %mul3A_1661, %sub3A_1660 : vector<128x128xf32>
    %add3A_1663 = arith.addf %add3A_1655, %mul3A_1662 : vector<128x128xf32>
    %slice3A_1664 = vector.extract_strided_slice %slice3A_1545 {offsets = [0, 15], sizes = [128, 1], strides = [1, 1]} : vector<128x63xf32> to vector<128x1xf32>
    %min3A_1665 = vector.broadcast %slice3A_1664 : vector<128x1xf32> to vector<128x128xf32>
    %min3A_1666 = arith.minimumf %broadcast_in_dim3A_36, %min3A_1665 : vector<128x128xf32>
    %slice3A_1667 = vector.extract_strided_slice %slice3A_1546 {offsets = [0, 14], sizes = [128, 1], strides = [1, 1]} : vector<128x63xf32> to vector<128x1xf32>
    %sub3A_1668 = arith.subf %min3A_1666, %min3A_1658 : vector<128x128xf32>
    %mul3A_1669 = vector.broadcast %slice3A_1667 : vector<128x1xf32> to vector<128x128xf32>
    %mul3A_1670 = arith.mulf %mul3A_1669, %sub3A_1668 : vector<128x128xf32>
    %add3A_1671 = arith.addf %add3A_1663, %mul3A_1670 : vector<128x128xf32>
    %slice3A_1672 = vector.extract_strided_slice %slice3A_1545 {offsets = [0, 16], sizes = [128, 1], strides = [1, 1]} : vector<128x63xf32> to vector<128x1xf32>
    %min3A_1673 = vector.broadcast %slice3A_1672 : vector<128x1xf32> to vector<128x128xf32>
    %min3A_1674 = arith.minimumf %broadcast_in_dim3A_36, %min3A_1673 : vector<128x128xf32>
    %slice3A_1675 = vector.extract_strided_slice %slice3A_1546 {offsets = [0, 15], sizes = [128, 1], strides = [1, 1]} : vector<128x63xf32> to vector<128x1xf32>
    %sub3A_1676 = arith.subf %min3A_1674, %min3A_1666 : vector<128x128xf32>
    %mul3A_1677 = vector.broadcast %slice3A_1675 : vector<128x1xf32> to vector<128x128xf32>
    %mul3A_1678 = arith.mulf %mul3A_1677, %sub3A_1676 : vector<128x128xf32>
    %add3A_1679 = arith.addf %add3A_1671, %mul3A_1678 : vector<128x128xf32>
    %slice3A_1680 = vector.extract_strided_slice %slice3A_1545 {offsets = [0, 17], sizes = [128, 1], strides = [1, 1]} : vector<128x63xf32> to vector<128x1xf32>
    %min3A_1681 = vector.broadcast %slice3A_1680 : vector<128x1xf32> to vector<128x128xf32>
    %min3A_1682 = arith.minimumf %broadcast_in_dim3A_36, %min3A_1681 : vector<128x128xf32>
    %slice3A_1683 = vector.extract_strided_slice %slice3A_1546 {offsets = [0, 16], sizes = [128, 1], strides = [1, 1]} : vector<128x63xf32> to vector<128x1xf32>
    %sub3A_1684 = arith.subf %min3A_1682, %min3A_1674 : vector<128x128xf32>
    %mul3A_1685 = vector.broadcast %slice3A_1683 : vector<128x1xf32> to vector<128x128xf32>
    %mul3A_1686 = arith.mulf %mul3A_1685, %sub3A_1684 : vector<128x128xf32>
    %add3A_1687 = arith.addf %add3A_1679, %mul3A_1686 : vector<128x128xf32>
    %slice3A_1688 = vector.extract_strided_slice %slice3A_1545 {offsets = [0, 18], sizes = [128, 1], strides = [1, 1]} : vector<128x63xf32> to vector<128x1xf32>
    %min3A_1689 = vector.broadcast %slice3A_1688 : vector<128x1xf32> to vector<128x128xf32>
    %min3A_1690 = arith.minimumf %broadcast_in_dim3A_36, %min3A_1689 : vector<128x128xf32>
    %slice3A_1691 = vector.extract_strided_slice %slice3A_1546 {offsets = [0, 17], sizes = [128, 1], strides = [1, 1]} : vector<128x63xf32> to vector<128x1xf32>
    %sub3A_1692 = arith.subf %min3A_1690, %min3A_1682 : vector<128x128xf32>
    %mul3A_1693 = vector.broadcast %slice3A_1691 : vector<128x1xf32> to vector<128x128xf32>
    %mul3A_1694 = arith.mulf %mul3A_1693, %sub3A_1692 : vector<128x128xf32>
    %add3A_1695 = arith.addf %add3A_1687, %mul3A_1694 : vector<128x128xf32>
    %slice3A_1696 = vector.extract_strided_slice %slice3A_1545 {offsets = [0, 19], sizes = [128, 1], strides = [1, 1]} : vector<128x63xf32> to vector<128x1xf32>
    %min3A_1697 = vector.broadcast %slice3A_1696 : vector<128x1xf32> to vector<128x128xf32>
    %min3A_1698 = arith.minimumf %broadcast_in_dim3A_36, %min3A_1697 : vector<128x128xf32>
    %slice3A_1699 = vector.extract_strided_slice %slice3A_1546 {offsets = [0, 18], sizes = [128, 1], strides = [1, 1]} : vector<128x63xf32> to vector<128x1xf32>
    %sub3A_1700 = arith.subf %min3A_1698, %min3A_1690 : vector<128x128xf32>
    %mul3A_1701 = vector.broadcast %slice3A_1699 : vector<128x1xf32> to vector<128x128xf32>
    %mul3A_1702 = arith.mulf %mul3A_1701, %sub3A_1700 : vector<128x128xf32>
    %add3A_1703 = arith.addf %add3A_1695, %mul3A_1702 : vector<128x128xf32>
    %slice3A_1704 = vector.extract_strided_slice %slice3A_1545 {offsets = [0, 20], sizes = [128, 1], strides = [1, 1]} : vector<128x63xf32> to vector<128x1xf32>
    %min3A_1705 = vector.broadcast %slice3A_1704 : vector<128x1xf32> to vector<128x128xf32>
    %min3A_1706 = arith.minimumf %broadcast_in_dim3A_36, %min3A_1705 : vector<128x128xf32>
    %slice3A_1707 = vector.extract_strided_slice %slice3A_1546 {offsets = [0, 19], sizes = [128, 1], strides = [1, 1]} : vector<128x63xf32> to vector<128x1xf32>
    %sub3A_1708 = arith.subf %min3A_1706, %min3A_1698 : vector<128x128xf32>
    %mul3A_1709 = vector.broadcast %slice3A_1707 : vector<128x1xf32> to vector<128x128xf32>
    %mul3A_1710 = arith.mulf %mul3A_1709, %sub3A_1708 : vector<128x128xf32>
    %add3A_1711 = arith.addf %add3A_1703, %mul3A_1710 : vector<128x128xf32>
    %slice3A_1712 = vector.extract_strided_slice %slice3A_1545 {offsets = [0, 21], sizes = [128, 1], strides = [1, 1]} : vector<128x63xf32> to vector<128x1xf32>
    %min3A_1713 = vector.broadcast %slice3A_1712 : vector<128x1xf32> to vector<128x128xf32>
    %min3A_1714 = arith.minimumf %broadcast_in_dim3A_36, %min3A_1713 : vector<128x128xf32>
    %slice3A_1715 = vector.extract_strided_slice %slice3A_1546 {offsets = [0, 20], sizes = [128, 1], strides = [1, 1]} : vector<128x63xf32> to vector<128x1xf32>
    %sub3A_1716 = arith.subf %min3A_1714, %min3A_1706 : vector<128x128xf32>
    %mul3A_1717 = vector.broadcast %slice3A_1715 : vector<128x1xf32> to vector<128x128xf32>
    %mul3A_1718 = arith.mulf %mul3A_1717, %sub3A_1716 : vector<128x128xf32>
    %add3A_1719 = arith.addf %add3A_1711, %mul3A_1718 : vector<128x128xf32>
    %slice3A_1720 = vector.extract_strided_slice %slice3A_1545 {offsets = [0, 22], sizes = [128, 1], strides = [1, 1]} : vector<128x63xf32> to vector<128x1xf32>
    %min3A_1721 = vector.broadcast %slice3A_1720 : vector<128x1xf32> to vector<128x128xf32>
    %min3A_1722 = arith.minimumf %broadcast_in_dim3A_36, %min3A_1721 : vector<128x128xf32>
    %slice3A_1723 = vector.extract_strided_slice %slice3A_1546 {offsets = [0, 21], sizes = [128, 1], strides = [1, 1]} : vector<128x63xf32> to vector<128x1xf32>
    %sub3A_1724 = arith.subf %min3A_1722, %min3A_1714 : vector<128x128xf32>
    %mul3A_1725 = vector.broadcast %slice3A_1723 : vector<128x1xf32> to vector<128x128xf32>
    %mul3A_1726 = arith.mulf %mul3A_1725, %sub3A_1724 : vector<128x128xf32>
    %add3A_1727 = arith.addf %add3A_1719, %mul3A_1726 : vector<128x128xf32>
    %slice3A_1728 = vector.extract_strided_slice %slice3A_1545 {offsets = [0, 23], sizes = [128, 1], strides = [1, 1]} : vector<128x63xf32> to vector<128x1xf32>
    %min3A_1729 = vector.broadcast %slice3A_1728 : vector<128x1xf32> to vector<128x128xf32>
    %min3A_1730 = arith.minimumf %broadcast_in_dim3A_36, %min3A_1729 : vector<128x128xf32>
    %slice3A_1731 = vector.extract_strided_slice %slice3A_1546 {offsets = [0, 22], sizes = [128, 1], strides = [1, 1]} : vector<128x63xf32> to vector<128x1xf32>
    %sub3A_1732 = arith.subf %min3A_1730, %min3A_1722 : vector<128x128xf32>
    %mul3A_1733 = vector.broadcast %slice3A_1731 : vector<128x1xf32> to vector<128x128xf32>
    %mul3A_1734 = arith.mulf %mul3A_1733, %sub3A_1732 : vector<128x128xf32>
    %add3A_1735 = arith.addf %add3A_1727, %mul3A_1734 : vector<128x128xf32>
    %slice3A_1736 = vector.extract_strided_slice %slice3A_1545 {offsets = [0, 24], sizes = [128, 1], strides = [1, 1]} : vector<128x63xf32> to vector<128x1xf32>
    %min3A_1737 = vector.broadcast %slice3A_1736 : vector<128x1xf32> to vector<128x128xf32>
    %min3A_1738 = arith.minimumf %broadcast_in_dim3A_36, %min3A_1737 : vector<128x128xf32>
    %slice3A_1739 = vector.extract_strided_slice %slice3A_1546 {offsets = [0, 23], sizes = [128, 1], strides = [1, 1]} : vector<128x63xf32> to vector<128x1xf32>
    %sub3A_1740 = arith.subf %min3A_1738, %min3A_1730 : vector<128x128xf32>
    %mul3A_1741 = vector.broadcast %slice3A_1739 : vector<128x1xf32> to vector<128x128xf32>
    %mul3A_1742 = arith.mulf %mul3A_1741, %sub3A_1740 : vector<128x128xf32>
    %add3A_1743 = arith.addf %add3A_1735, %mul3A_1742 : vector<128x128xf32>
    %slice3A_1744 = vector.extract_strided_slice %slice3A_1545 {offsets = [0, 25], sizes = [128, 1], strides = [1, 1]} : vector<128x63xf32> to vector<128x1xf32>
    %min3A_1745 = vector.broadcast %slice3A_1744 : vector<128x1xf32> to vector<128x128xf32>
    %min3A_1746 = arith.minimumf %broadcast_in_dim3A_36, %min3A_1745 : vector<128x128xf32>
    %slice3A_1747 = vector.extract_strided_slice %slice3A_1546 {offsets = [0, 24], sizes = [128, 1], strides = [1, 1]} : vector<128x63xf32> to vector<128x1xf32>
    %sub3A_1748 = arith.subf %min3A_1746, %min3A_1738 : vector<128x128xf32>
    %mul3A_1749 = vector.broadcast %slice3A_1747 : vector<128x1xf32> to vector<128x128xf32>
    %mul3A_1750 = arith.mulf %mul3A_1749, %sub3A_1748 : vector<128x128xf32>
    %add3A_1751 = arith.addf %add3A_1743, %mul3A_1750 : vector<128x128xf32>
    %slice3A_1752 = vector.extract_strided_slice %slice3A_1545 {offsets = [0, 26], sizes = [128, 1], strides = [1, 1]} : vector<128x63xf32> to vector<128x1xf32>
    %min3A_1753 = vector.broadcast %slice3A_1752 : vector<128x1xf32> to vector<128x128xf32>
    %min3A_1754 = arith.minimumf %broadcast_in_dim3A_36, %min3A_1753 : vector<128x128xf32>
    %slice3A_1755 = vector.extract_strided_slice %slice3A_1546 {offsets = [0, 25], sizes = [128, 1], strides = [1, 1]} : vector<128x63xf32> to vector<128x1xf32>
    %sub3A_1756 = arith.subf %min3A_1754, %min3A_1746 : vector<128x128xf32>
    %mul3A_1757 = vector.broadcast %slice3A_1755 : vector<128x1xf32> to vector<128x128xf32>
    %mul3A_1758 = arith.mulf %mul3A_1757, %sub3A_1756 : vector<128x128xf32>
    %add3A_1759 = arith.addf %add3A_1751, %mul3A_1758 : vector<128x128xf32>
    %slice3A_1760 = vector.extract_strided_slice %slice3A_1545 {offsets = [0, 27], sizes = [128, 1], strides = [1, 1]} : vector<128x63xf32> to vector<128x1xf32>
    %min3A_1761 = vector.broadcast %slice3A_1760 : vector<128x1xf32> to vector<128x128xf32>
    %min3A_1762 = arith.minimumf %broadcast_in_dim3A_36, %min3A_1761 : vector<128x128xf32>
    %slice3A_1763 = vector.extract_strided_slice %slice3A_1546 {offsets = [0, 26], sizes = [128, 1], strides = [1, 1]} : vector<128x63xf32> to vector<128x1xf32>
    %sub3A_1764 = arith.subf %min3A_1762, %min3A_1754 : vector<128x128xf32>
    %mul3A_1765 = vector.broadcast %slice3A_1763 : vector<128x1xf32> to vector<128x128xf32>
    %mul3A_1766 = arith.mulf %mul3A_1765, %sub3A_1764 : vector<128x128xf32>
    %add3A_1767 = arith.addf %add3A_1759, %mul3A_1766 : vector<128x128xf32>
    %slice3A_1768 = vector.extract_strided_slice %slice3A_1545 {offsets = [0, 28], sizes = [128, 1], strides = [1, 1]} : vector<128x63xf32> to vector<128x1xf32>
    %min3A_1769 = vector.broadcast %slice3A_1768 : vector<128x1xf32> to vector<128x128xf32>
    %min3A_1770 = arith.minimumf %broadcast_in_dim3A_36, %min3A_1769 : vector<128x128xf32>
    %slice3A_1771 = vector.extract_strided_slice %slice3A_1546 {offsets = [0, 27], sizes = [128, 1], strides = [1, 1]} : vector<128x63xf32> to vector<128x1xf32>
    %sub3A_1772 = arith.subf %min3A_1770, %min3A_1762 : vector<128x128xf32>
    %mul3A_1773 = vector.broadcast %slice3A_1771 : vector<128x1xf32> to vector<128x128xf32>
    %mul3A_1774 = arith.mulf %mul3A_1773, %sub3A_1772 : vector<128x128xf32>
    %add3A_1775 = arith.addf %add3A_1767, %mul3A_1774 : vector<128x128xf32>
    %slice3A_1776 = vector.extract_strided_slice %slice3A_1545 {offsets = [0, 29], sizes = [128, 1], strides = [1, 1]} : vector<128x63xf32> to vector<128x1xf32>
    %min3A_1777 = vector.broadcast %slice3A_1776 : vector<128x1xf32> to vector<128x128xf32>
    %min3A_1778 = arith.minimumf %broadcast_in_dim3A_36, %min3A_1777 : vector<128x128xf32>
    %slice3A_1779 = vector.extract_strided_slice %slice3A_1546 {offsets = [0, 28], sizes = [128, 1], strides = [1, 1]} : vector<128x63xf32> to vector<128x1xf32>
    %sub3A_1780 = arith.subf %min3A_1778, %min3A_1770 : vector<128x128xf32>
    %mul3A_1781 = vector.broadcast %slice3A_1779 : vector<128x1xf32> to vector<128x128xf32>
    %mul3A_1782 = arith.mulf %mul3A_1781, %sub3A_1780 : vector<128x128xf32>
    %add3A_1783 = arith.addf %add3A_1775, %mul3A_1782 : vector<128x128xf32>
    %slice3A_1784 = vector.extract_strided_slice %slice3A_1545 {offsets = [0, 30], sizes = [128, 1], strides = [1, 1]} : vector<128x63xf32> to vector<128x1xf32>
    %min3A_1785 = vector.broadcast %slice3A_1784 : vector<128x1xf32> to vector<128x128xf32>
    %min3A_1786 = arith.minimumf %broadcast_in_dim3A_36, %min3A_1785 : vector<128x128xf32>
    %slice3A_1787 = vector.extract_strided_slice %slice3A_1546 {offsets = [0, 29], sizes = [128, 1], strides = [1, 1]} : vector<128x63xf32> to vector<128x1xf32>
    %sub3A_1788 = arith.subf %min3A_1786, %min3A_1778 : vector<128x128xf32>
    %mul3A_1789 = vector.broadcast %slice3A_1787 : vector<128x1xf32> to vector<128x128xf32>
    %mul3A_1790 = arith.mulf %mul3A_1789, %sub3A_1788 : vector<128x128xf32>
    %add3A_1791 = arith.addf %add3A_1783, %mul3A_1790 : vector<128x128xf32>
    %slice3A_1792 = vector.extract_strided_slice %slice3A_1545 {offsets = [0, 31], sizes = [128, 1], strides = [1, 1]} : vector<128x63xf32> to vector<128x1xf32>
    %min3A_1793 = vector.broadcast %slice3A_1792 : vector<128x1xf32> to vector<128x128xf32>
    %min3A_1794 = arith.minimumf %broadcast_in_dim3A_36, %min3A_1793 : vector<128x128xf32>
    %slice3A_1795 = vector.extract_strided_slice %slice3A_1546 {offsets = [0, 30], sizes = [128, 1], strides = [1, 1]} : vector<128x63xf32> to vector<128x1xf32>
    %sub3A_1796 = arith.subf %min3A_1794, %min3A_1786 : vector<128x128xf32>
    %mul3A_1797 = vector.broadcast %slice3A_1795 : vector<128x1xf32> to vector<128x128xf32>
    %mul3A_1798 = arith.mulf %mul3A_1797, %sub3A_1796 : vector<128x128xf32>
    %add3A_1799 = arith.addf %add3A_1791, %mul3A_1798 : vector<128x128xf32>
    %slice3A_1800 = vector.extract_strided_slice %slice3A_1545 {offsets = [0, 32], sizes = [128, 1], strides = [1, 1]} : vector<128x63xf32> to vector<128x1xf32>
    %min3A_1801 = vector.broadcast %slice3A_1800 : vector<128x1xf32> to vector<128x128xf32>
    %min3A_1802 = arith.minimumf %broadcast_in_dim3A_36, %min3A_1801 : vector<128x128xf32>
    %slice3A_1803 = vector.extract_strided_slice %slice3A_1546 {offsets = [0, 31], sizes = [128, 1], strides = [1, 1]} : vector<128x63xf32> to vector<128x1xf32>
    %sub3A_1804 = arith.subf %min3A_1802, %min3A_1794 : vector<128x128xf32>
    %mul3A_1805 = vector.broadcast %slice3A_1803 : vector<128x1xf32> to vector<128x128xf32>
    %mul3A_1806 = arith.mulf %mul3A_1805, %sub3A_1804 : vector<128x128xf32>
    %add3A_1807 = arith.addf %add3A_1799, %mul3A_1806 : vector<128x128xf32>
    %slice3A_1808 = vector.extract_strided_slice %slice3A_1545 {offsets = [0, 33], sizes = [128, 1], strides = [1, 1]} : vector<128x63xf32> to vector<128x1xf32>
    %min3A_1809 = vector.broadcast %slice3A_1808 : vector<128x1xf32> to vector<128x128xf32>
    %min3A_1810 = arith.minimumf %broadcast_in_dim3A_36, %min3A_1809 : vector<128x128xf32>
    %slice3A_1811 = vector.extract_strided_slice %slice3A_1546 {offsets = [0, 32], sizes = [128, 1], strides = [1, 1]} : vector<128x63xf32> to vector<128x1xf32>
    %sub3A_1812 = arith.subf %min3A_1810, %min3A_1802 : vector<128x128xf32>
    %mul3A_1813 = vector.broadcast %slice3A_1811 : vector<128x1xf32> to vector<128x128xf32>
    %mul3A_1814 = arith.mulf %mul3A_1813, %sub3A_1812 : vector<128x128xf32>
    %add3A_1815 = arith.addf %add3A_1807, %mul3A_1814 : vector<128x128xf32>
    %slice3A_1816 = vector.extract_strided_slice %slice3A_1545 {offsets = [0, 34], sizes = [128, 1], strides = [1, 1]} : vector<128x63xf32> to vector<128x1xf32>
    %min3A_1817 = vector.broadcast %slice3A_1816 : vector<128x1xf32> to vector<128x128xf32>
    %min3A_1818 = arith.minimumf %broadcast_in_dim3A_36, %min3A_1817 : vector<128x128xf32>
    %slice3A_1819 = vector.extract_strided_slice %slice3A_1546 {offsets = [0, 33], sizes = [128, 1], strides = [1, 1]} : vector<128x63xf32> to vector<128x1xf32>
    %sub3A_1820 = arith.subf %min3A_1818, %min3A_1810 : vector<128x128xf32>
    %mul3A_1821 = vector.broadcast %slice3A_1819 : vector<128x1xf32> to vector<128x128xf32>
    %mul3A_1822 = arith.mulf %mul3A_1821, %sub3A_1820 : vector<128x128xf32>
    %add3A_1823 = arith.addf %add3A_1815, %mul3A_1822 : vector<128x128xf32>
    %slice3A_1824 = vector.extract_strided_slice %slice3A_1545 {offsets = [0, 35], sizes = [128, 1], strides = [1, 1]} : vector<128x63xf32> to vector<128x1xf32>
    %min3A_1825 = vector.broadcast %slice3A_1824 : vector<128x1xf32> to vector<128x128xf32>
    %min3A_1826 = arith.minimumf %broadcast_in_dim3A_36, %min3A_1825 : vector<128x128xf32>
    %slice3A_1827 = vector.extract_strided_slice %slice3A_1546 {offsets = [0, 34], sizes = [128, 1], strides = [1, 1]} : vector<128x63xf32> to vector<128x1xf32>
    %sub3A_1828 = arith.subf %min3A_1826, %min3A_1818 : vector<128x128xf32>
    %mul3A_1829 = vector.broadcast %slice3A_1827 : vector<128x1xf32> to vector<128x128xf32>
    %mul3A_1830 = arith.mulf %mul3A_1829, %sub3A_1828 : vector<128x128xf32>
    %add3A_1831 = arith.addf %add3A_1823, %mul3A_1830 : vector<128x128xf32>
    %slice3A_1832 = vector.extract_strided_slice %slice3A_1545 {offsets = [0, 36], sizes = [128, 1], strides = [1, 1]} : vector<128x63xf32> to vector<128x1xf32>
    %min3A_1833 = vector.broadcast %slice3A_1832 : vector<128x1xf32> to vector<128x128xf32>
    %min3A_1834 = arith.minimumf %broadcast_in_dim3A_36, %min3A_1833 : vector<128x128xf32>
    %slice3A_1835 = vector.extract_strided_slice %slice3A_1546 {offsets = [0, 35], sizes = [128, 1], strides = [1, 1]} : vector<128x63xf32> to vector<128x1xf32>
    %sub3A_1836 = arith.subf %min3A_1834, %min3A_1826 : vector<128x128xf32>
    %mul3A_1837 = vector.broadcast %slice3A_1835 : vector<128x1xf32> to vector<128x128xf32>
    %mul3A_1838 = arith.mulf %mul3A_1837, %sub3A_1836 : vector<128x128xf32>
    %add3A_1839 = arith.addf %add3A_1831, %mul3A_1838 : vector<128x128xf32>
    %slice3A_1840 = vector.extract_strided_slice %slice3A_1545 {offsets = [0, 37], sizes = [128, 1], strides = [1, 1]} : vector<128x63xf32> to vector<128x1xf32>
    %min3A_1841 = vector.broadcast %slice3A_1840 : vector<128x1xf32> to vector<128x128xf32>
    %min3A_1842 = arith.minimumf %broadcast_in_dim3A_36, %min3A_1841 : vector<128x128xf32>
    %slice3A_1843 = vector.extract_strided_slice %slice3A_1546 {offsets = [0, 36], sizes = [128, 1], strides = [1, 1]} : vector<128x63xf32> to vector<128x1xf32>
    %sub3A_1844 = arith.subf %min3A_1842, %min3A_1834 : vector<128x128xf32>
    %mul3A_1845 = vector.broadcast %slice3A_1843 : vector<128x1xf32> to vector<128x128xf32>
    %mul3A_1846 = arith.mulf %mul3A_1845, %sub3A_1844 : vector<128x128xf32>
    %add3A_1847 = arith.addf %add3A_1839, %mul3A_1846 : vector<128x128xf32>
    %slice3A_1848 = vector.extract_strided_slice %slice3A_1545 {offsets = [0, 38], sizes = [128, 1], strides = [1, 1]} : vector<128x63xf32> to vector<128x1xf32>
    %min3A_1849 = vector.broadcast %slice3A_1848 : vector<128x1xf32> to vector<128x128xf32>
    %min3A_1850 = arith.minimumf %broadcast_in_dim3A_36, %min3A_1849 : vector<128x128xf32>
    %slice3A_1851 = vector.extract_strided_slice %slice3A_1546 {offsets = [0, 37], sizes = [128, 1], strides = [1, 1]} : vector<128x63xf32> to vector<128x1xf32>
    %sub3A_1852 = arith.subf %min3A_1850, %min3A_1842 : vector<128x128xf32>
    %mul3A_1853 = vector.broadcast %slice3A_1851 : vector<128x1xf32> to vector<128x128xf32>
    %mul3A_1854 = arith.mulf %mul3A_1853, %sub3A_1852 : vector<128x128xf32>
    %add3A_1855 = arith.addf %add3A_1847, %mul3A_1854 : vector<128x128xf32>
    %slice3A_1856 = vector.extract_strided_slice %slice3A_1545 {offsets = [0, 39], sizes = [128, 1], strides = [1, 1]} : vector<128x63xf32> to vector<128x1xf32>
    %min3A_1857 = vector.broadcast %slice3A_1856 : vector<128x1xf32> to vector<128x128xf32>
    %min3A_1858 = arith.minimumf %broadcast_in_dim3A_36, %min3A_1857 : vector<128x128xf32>
    %slice3A_1859 = vector.extract_strided_slice %slice3A_1546 {offsets = [0, 38], sizes = [128, 1], strides = [1, 1]} : vector<128x63xf32> to vector<128x1xf32>
    %sub3A_1860 = arith.subf %min3A_1858, %min3A_1850 : vector<128x128xf32>
    %mul3A_1861 = vector.broadcast %slice3A_1859 : vector<128x1xf32> to vector<128x128xf32>
    %mul3A_1862 = arith.mulf %mul3A_1861, %sub3A_1860 : vector<128x128xf32>
    %add3A_1863 = arith.addf %add3A_1855, %mul3A_1862 : vector<128x128xf32>
    %slice3A_1864 = vector.extract_strided_slice %slice3A_1545 {offsets = [0, 40], sizes = [128, 1], strides = [1, 1]} : vector<128x63xf32> to vector<128x1xf32>
    %min3A_1865 = vector.broadcast %slice3A_1864 : vector<128x1xf32> to vector<128x128xf32>
    %min3A_1866 = arith.minimumf %broadcast_in_dim3A_36, %min3A_1865 : vector<128x128xf32>
    %slice3A_1867 = vector.extract_strided_slice %slice3A_1546 {offsets = [0, 39], sizes = [128, 1], strides = [1, 1]} : vector<128x63xf32> to vector<128x1xf32>
    %sub3A_1868 = arith.subf %min3A_1866, %min3A_1858 : vector<128x128xf32>
    %mul3A_1869 = vector.broadcast %slice3A_1867 : vector<128x1xf32> to vector<128x128xf32>
    %mul3A_1870 = arith.mulf %mul3A_1869, %sub3A_1868 : vector<128x128xf32>
    %add3A_1871 = arith.addf %add3A_1863, %mul3A_1870 : vector<128x128xf32>
    %slice3A_1872 = vector.extract_strided_slice %slice3A_1545 {offsets = [0, 41], sizes = [128, 1], strides = [1, 1]} : vector<128x63xf32> to vector<128x1xf32>
    %min3A_1873 = vector.broadcast %slice3A_1872 : vector<128x1xf32> to vector<128x128xf32>
    %min3A_1874 = arith.minimumf %broadcast_in_dim3A_36, %min3A_1873 : vector<128x128xf32>
    %slice3A_1875 = vector.extract_strided_slice %slice3A_1546 {offsets = [0, 40], sizes = [128, 1], strides = [1, 1]} : vector<128x63xf32> to vector<128x1xf32>
    %sub3A_1876 = arith.subf %min3A_1874, %min3A_1866 : vector<128x128xf32>
    %mul3A_1877 = vector.broadcast %slice3A_1875 : vector<128x1xf32> to vector<128x128xf32>
    %mul3A_1878 = arith.mulf %mul3A_1877, %sub3A_1876 : vector<128x128xf32>
    %add3A_1879 = arith.addf %add3A_1871, %mul3A_1878 : vector<128x128xf32>
    %slice3A_1880 = vector.extract_strided_slice %slice3A_1545 {offsets = [0, 42], sizes = [128, 1], strides = [1, 1]} : vector<128x63xf32> to vector<128x1xf32>
    %min3A_1881 = vector.broadcast %slice3A_1880 : vector<128x1xf32> to vector<128x128xf32>
    %min3A_1882 = arith.minimumf %broadcast_in_dim3A_36, %min3A_1881 : vector<128x128xf32>
    %slice3A_1883 = vector.extract_strided_slice %slice3A_1546 {offsets = [0, 41], sizes = [128, 1], strides = [1, 1]} : vector<128x63xf32> to vector<128x1xf32>
    %sub3A_1884 = arith.subf %min3A_1882, %min3A_1874 : vector<128x128xf32>
    %mul3A_1885 = vector.broadcast %slice3A_1883 : vector<128x1xf32> to vector<128x128xf32>
    %mul3A_1886 = arith.mulf %mul3A_1885, %sub3A_1884 : vector<128x128xf32>
    %add3A_1887 = arith.addf %add3A_1879, %mul3A_1886 : vector<128x128xf32>
    %slice3A_1888 = vector.extract_strided_slice %slice3A_1545 {offsets = [0, 43], sizes = [128, 1], strides = [1, 1]} : vector<128x63xf32> to vector<128x1xf32>
    %min3A_1889 = vector.broadcast %slice3A_1888 : vector<128x1xf32> to vector<128x128xf32>
    %min3A_1890 = arith.minimumf %broadcast_in_dim3A_36, %min3A_1889 : vector<128x128xf32>
    %slice3A_1891 = vector.extract_strided_slice %slice3A_1546 {offsets = [0, 42], sizes = [128, 1], strides = [1, 1]} : vector<128x63xf32> to vector<128x1xf32>
    %sub3A_1892 = arith.subf %min3A_1890, %min3A_1882 : vector<128x128xf32>
    %mul3A_1893 = vector.broadcast %slice3A_1891 : vector<128x1xf32> to vector<128x128xf32>
    %mul3A_1894 = arith.mulf %mul3A_1893, %sub3A_1892 : vector<128x128xf32>
    %add3A_1895 = arith.addf %add3A_1887, %mul3A_1894 : vector<128x128xf32>
    %slice3A_1896 = vector.extract_strided_slice %slice3A_1545 {offsets = [0, 44], sizes = [128, 1], strides = [1, 1]} : vector<128x63xf32> to vector<128x1xf32>
    %min3A_1897 = vector.broadcast %slice3A_1896 : vector<128x1xf32> to vector<128x128xf32>
    %min3A_1898 = arith.minimumf %broadcast_in_dim3A_36, %min3A_1897 : vector<128x128xf32>
    %slice3A_1899 = vector.extract_strided_slice %slice3A_1546 {offsets = [0, 43], sizes = [128, 1], strides = [1, 1]} : vector<128x63xf32> to vector<128x1xf32>
    %sub3A_1900 = arith.subf %min3A_1898, %min3A_1890 : vector<128x128xf32>
    %mul3A_1901 = vector.broadcast %slice3A_1899 : vector<128x1xf32> to vector<128x128xf32>
    %mul3A_1902 = arith.mulf %mul3A_1901, %sub3A_1900 : vector<128x128xf32>
    %add3A_1903 = arith.addf %add3A_1895, %mul3A_1902 : vector<128x128xf32>
    %slice3A_1904 = vector.extract_strided_slice %slice3A_1545 {offsets = [0, 45], sizes = [128, 1], strides = [1, 1]} : vector<128x63xf32> to vector<128x1xf32>
    %min3A_1905 = vector.broadcast %slice3A_1904 : vector<128x1xf32> to vector<128x128xf32>
    %min3A_1906 = arith.minimumf %broadcast_in_dim3A_36, %min3A_1905 : vector<128x128xf32>
    %slice3A_1907 = vector.extract_strided_slice %slice3A_1546 {offsets = [0, 44], sizes = [128, 1], strides = [1, 1]} : vector<128x63xf32> to vector<128x1xf32>
    %sub3A_1908 = arith.subf %min3A_1906, %min3A_1898 : vector<128x128xf32>
    %mul3A_1909 = vector.broadcast %slice3A_1907 : vector<128x1xf32> to vector<128x128xf32>
    %mul3A_1910 = arith.mulf %mul3A_1909, %sub3A_1908 : vector<128x128xf32>
    %add3A_1911 = arith.addf %add3A_1903, %mul3A_1910 : vector<128x128xf32>
    %slice3A_1912 = vector.extract_strided_slice %slice3A_1545 {offsets = [0, 46], sizes = [128, 1], strides = [1, 1]} : vector<128x63xf32> to vector<128x1xf32>
    %min3A_1913 = vector.broadcast %slice3A_1912 : vector<128x1xf32> to vector<128x128xf32>
    %min3A_1914 = arith.minimumf %broadcast_in_dim3A_36, %min3A_1913 : vector<128x128xf32>
    %slice3A_1915 = vector.extract_strided_slice %slice3A_1546 {offsets = [0, 45], sizes = [128, 1], strides = [1, 1]} : vector<128x63xf32> to vector<128x1xf32>
    %sub3A_1916 = arith.subf %min3A_1914, %min3A_1906 : vector<128x128xf32>
    %mul3A_1917 = vector.broadcast %slice3A_1915 : vector<128x1xf32> to vector<128x128xf32>
    %mul3A_1918 = arith.mulf %mul3A_1917, %sub3A_1916 : vector<128x128xf32>
    %add3A_1919 = arith.addf %add3A_1911, %mul3A_1918 : vector<128x128xf32>
    %slice3A_1920 = vector.extract_strided_slice %slice3A_1545 {offsets = [0, 47], sizes = [128, 1], strides = [1, 1]} : vector<128x63xf32> to vector<128x1xf32>
    %min3A_1921 = vector.broadcast %slice3A_1920 : vector<128x1xf32> to vector<128x128xf32>
    %min3A_1922 = arith.minimumf %broadcast_in_dim3A_36, %min3A_1921 : vector<128x128xf32>
    %slice3A_1923 = vector.extract_strided_slice %slice3A_1546 {offsets = [0, 46], sizes = [128, 1], strides = [1, 1]} : vector<128x63xf32> to vector<128x1xf32>
    %sub3A_1924 = arith.subf %min3A_1922, %min3A_1914 : vector<128x128xf32>
    %mul3A_1925 = vector.broadcast %slice3A_1923 : vector<128x1xf32> to vector<128x128xf32>
    %mul3A_1926 = arith.mulf %mul3A_1925, %sub3A_1924 : vector<128x128xf32>
    %add3A_1927 = arith.addf %add3A_1919, %mul3A_1926 : vector<128x128xf32>
    %slice3A_1928 = vector.extract_strided_slice %slice3A_1545 {offsets = [0, 48], sizes = [128, 1], strides = [1, 1]} : vector<128x63xf32> to vector<128x1xf32>
    %min3A_1929 = vector.broadcast %slice3A_1928 : vector<128x1xf32> to vector<128x128xf32>
    %min3A_1930 = arith.minimumf %broadcast_in_dim3A_36, %min3A_1929 : vector<128x128xf32>
    %slice3A_1931 = vector.extract_strided_slice %slice3A_1546 {offsets = [0, 47], sizes = [128, 1], strides = [1, 1]} : vector<128x63xf32> to vector<128x1xf32>
    %sub3A_1932 = arith.subf %min3A_1930, %min3A_1922 : vector<128x128xf32>
    %mul3A_1933 = vector.broadcast %slice3A_1931 : vector<128x1xf32> to vector<128x128xf32>
    %mul3A_1934 = arith.mulf %mul3A_1933, %sub3A_1932 : vector<128x128xf32>
    %add3A_1935 = arith.addf %add3A_1927, %mul3A_1934 : vector<128x128xf32>
    %slice3A_1936 = vector.extract_strided_slice %slice3A_1545 {offsets = [0, 49], sizes = [128, 1], strides = [1, 1]} : vector<128x63xf32> to vector<128x1xf32>
    %min3A_1937 = vector.broadcast %slice3A_1936 : vector<128x1xf32> to vector<128x128xf32>
    %min3A_1938 = arith.minimumf %broadcast_in_dim3A_36, %min3A_1937 : vector<128x128xf32>
    %slice3A_1939 = vector.extract_strided_slice %slice3A_1546 {offsets = [0, 48], sizes = [128, 1], strides = [1, 1]} : vector<128x63xf32> to vector<128x1xf32>
    %sub3A_1940 = arith.subf %min3A_1938, %min3A_1930 : vector<128x128xf32>
    %mul3A_1941 = vector.broadcast %slice3A_1939 : vector<128x1xf32> to vector<128x128xf32>
    %mul3A_1942 = arith.mulf %mul3A_1941, %sub3A_1940 : vector<128x128xf32>
    %add3A_1943 = arith.addf %add3A_1935, %mul3A_1942 : vector<128x128xf32>
    %slice3A_1944 = vector.extract_strided_slice %slice3A_1545 {offsets = [0, 50], sizes = [128, 1], strides = [1, 1]} : vector<128x63xf32> to vector<128x1xf32>
    %min3A_1945 = vector.broadcast %slice3A_1944 : vector<128x1xf32> to vector<128x128xf32>
    %min3A_1946 = arith.minimumf %broadcast_in_dim3A_36, %min3A_1945 : vector<128x128xf32>
    %slice3A_1947 = vector.extract_strided_slice %slice3A_1546 {offsets = [0, 49], sizes = [128, 1], strides = [1, 1]} : vector<128x63xf32> to vector<128x1xf32>
    %sub3A_1948 = arith.subf %min3A_1946, %min3A_1938 : vector<128x128xf32>
    %mul3A_1949 = vector.broadcast %slice3A_1947 : vector<128x1xf32> to vector<128x128xf32>
    %mul3A_1950 = arith.mulf %mul3A_1949, %sub3A_1948 : vector<128x128xf32>
    %add3A_1951 = arith.addf %add3A_1943, %mul3A_1950 : vector<128x128xf32>
    %slice3A_1952 = vector.extract_strided_slice %slice3A_1545 {offsets = [0, 51], sizes = [128, 1], strides = [1, 1]} : vector<128x63xf32> to vector<128x1xf32>
    %min3A_1953 = vector.broadcast %slice3A_1952 : vector<128x1xf32> to vector<128x128xf32>
    %min3A_1954 = arith.minimumf %broadcast_in_dim3A_36, %min3A_1953 : vector<128x128xf32>
    %slice3A_1955 = vector.extract_strided_slice %slice3A_1546 {offsets = [0, 50], sizes = [128, 1], strides = [1, 1]} : vector<128x63xf32> to vector<128x1xf32>
    %sub3A_1956 = arith.subf %min3A_1954, %min3A_1946 : vector<128x128xf32>
    %mul3A_1957 = vector.broadcast %slice3A_1955 : vector<128x1xf32> to vector<128x128xf32>
    %mul3A_1958 = arith.mulf %mul3A_1957, %sub3A_1956 : vector<128x128xf32>
    %add3A_1959 = arith.addf %add3A_1951, %mul3A_1958 : vector<128x128xf32>
    %slice3A_1960 = vector.extract_strided_slice %slice3A_1545 {offsets = [0, 52], sizes = [128, 1], strides = [1, 1]} : vector<128x63xf32> to vector<128x1xf32>
    %min3A_1961 = vector.broadcast %slice3A_1960 : vector<128x1xf32> to vector<128x128xf32>
    %min3A_1962 = arith.minimumf %broadcast_in_dim3A_36, %min3A_1961 : vector<128x128xf32>
    %slice3A_1963 = vector.extract_strided_slice %slice3A_1546 {offsets = [0, 51], sizes = [128, 1], strides = [1, 1]} : vector<128x63xf32> to vector<128x1xf32>
    %sub3A_1964 = arith.subf %min3A_1962, %min3A_1954 : vector<128x128xf32>
    %mul3A_1965 = vector.broadcast %slice3A_1963 : vector<128x1xf32> to vector<128x128xf32>
    %mul3A_1966 = arith.mulf %mul3A_1965, %sub3A_1964 : vector<128x128xf32>
    %add3A_1967 = arith.addf %add3A_1959, %mul3A_1966 : vector<128x128xf32>
    %slice3A_1968 = vector.extract_strided_slice %slice3A_1545 {offsets = [0, 53], sizes = [128, 1], strides = [1, 1]} : vector<128x63xf32> to vector<128x1xf32>
    %min3A_1969 = vector.broadcast %slice3A_1968 : vector<128x1xf32> to vector<128x128xf32>
    %min3A_1970 = arith.minimumf %broadcast_in_dim3A_36, %min3A_1969 : vector<128x128xf32>
    %slice3A_1971 = vector.extract_strided_slice %slice3A_1546 {offsets = [0, 52], sizes = [128, 1], strides = [1, 1]} : vector<128x63xf32> to vector<128x1xf32>
    %sub3A_1972 = arith.subf %min3A_1970, %min3A_1962 : vector<128x128xf32>
    %mul3A_1973 = vector.broadcast %slice3A_1971 : vector<128x1xf32> to vector<128x128xf32>
    %mul3A_1974 = arith.mulf %mul3A_1973, %sub3A_1972 : vector<128x128xf32>
    %add3A_1975 = arith.addf %add3A_1967, %mul3A_1974 : vector<128x128xf32>
    %slice3A_1976 = vector.extract_strided_slice %slice3A_1545 {offsets = [0, 54], sizes = [128, 1], strides = [1, 1]} : vector<128x63xf32> to vector<128x1xf32>
    %min3A_1977 = vector.broadcast %slice3A_1976 : vector<128x1xf32> to vector<128x128xf32>
    %min3A_1978 = arith.minimumf %broadcast_in_dim3A_36, %min3A_1977 : vector<128x128xf32>
    %slice3A_1979 = vector.extract_strided_slice %slice3A_1546 {offsets = [0, 53], sizes = [128, 1], strides = [1, 1]} : vector<128x63xf32> to vector<128x1xf32>
    %sub3A_1980 = arith.subf %min3A_1978, %min3A_1970 : vector<128x128xf32>
    %mul3A_1981 = vector.broadcast %slice3A_1979 : vector<128x1xf32> to vector<128x128xf32>
    %mul3A_1982 = arith.mulf %mul3A_1981, %sub3A_1980 : vector<128x128xf32>
    %add3A_1983 = arith.addf %add3A_1975, %mul3A_1982 : vector<128x128xf32>
    %slice3A_1984 = vector.extract_strided_slice %slice3A_1545 {offsets = [0, 55], sizes = [128, 1], strides = [1, 1]} : vector<128x63xf32> to vector<128x1xf32>
    %min3A_1985 = vector.broadcast %slice3A_1984 : vector<128x1xf32> to vector<128x128xf32>
    %min3A_1986 = arith.minimumf %broadcast_in_dim3A_36, %min3A_1985 : vector<128x128xf32>
    %slice3A_1987 = vector.extract_strided_slice %slice3A_1546 {offsets = [0, 54], sizes = [128, 1], strides = [1, 1]} : vector<128x63xf32> to vector<128x1xf32>
    %sub3A_1988 = arith.subf %min3A_1986, %min3A_1978 : vector<128x128xf32>
    %mul3A_1989 = vector.broadcast %slice3A_1987 : vector<128x1xf32> to vector<128x128xf32>
    %mul3A_1990 = arith.mulf %mul3A_1989, %sub3A_1988 : vector<128x128xf32>
    %add3A_1991 = arith.addf %add3A_1983, %mul3A_1990 : vector<128x128xf32>
    %slice3A_1992 = vector.extract_strided_slice %slice3A_1545 {offsets = [0, 56], sizes = [128, 1], strides = [1, 1]} : vector<128x63xf32> to vector<128x1xf32>
    %min3A_1993 = vector.broadcast %slice3A_1992 : vector<128x1xf32> to vector<128x128xf32>
    %min3A_1994 = arith.minimumf %broadcast_in_dim3A_36, %min3A_1993 : vector<128x128xf32>
    %slice3A_1995 = vector.extract_strided_slice %slice3A_1546 {offsets = [0, 55], sizes = [128, 1], strides = [1, 1]} : vector<128x63xf32> to vector<128x1xf32>
    %sub3A_1996 = arith.subf %min3A_1994, %min3A_1986 : vector<128x128xf32>
    %mul3A_1997 = vector.broadcast %slice3A_1995 : vector<128x1xf32> to vector<128x128xf32>
    %mul3A_1998 = arith.mulf %mul3A_1997, %sub3A_1996 : vector<128x128xf32>
    %add3A_1999 = arith.addf %add3A_1991, %mul3A_1998 : vector<128x128xf32>
    %slice3A_2000 = vector.extract_strided_slice %slice3A_1545 {offsets = [0, 57], sizes = [128, 1], strides = [1, 1]} : vector<128x63xf32> to vector<128x1xf32>
    %min3A_2001 = vector.broadcast %slice3A_2000 : vector<128x1xf32> to vector<128x128xf32>
    %min3A_2002 = arith.minimumf %broadcast_in_dim3A_36, %min3A_2001 : vector<128x128xf32>
    %slice3A_2003 = vector.extract_strided_slice %slice3A_1546 {offsets = [0, 56], sizes = [128, 1], strides = [1, 1]} : vector<128x63xf32> to vector<128x1xf32>
    %sub3A_2004 = arith.subf %min3A_2002, %min3A_1994 : vector<128x128xf32>
    %mul3A_2005 = vector.broadcast %slice3A_2003 : vector<128x1xf32> to vector<128x128xf32>
    %mul3A_2006 = arith.mulf %mul3A_2005, %sub3A_2004 : vector<128x128xf32>
    %add3A_2007 = arith.addf %add3A_1999, %mul3A_2006 : vector<128x128xf32>
    %slice3A_2008 = vector.extract_strided_slice %slice3A_1545 {offsets = [0, 58], sizes = [128, 1], strides = [1, 1]} : vector<128x63xf32> to vector<128x1xf32>
    %min3A_2009 = vector.broadcast %slice3A_2008 : vector<128x1xf32> to vector<128x128xf32>
    %min3A_2010 = arith.minimumf %broadcast_in_dim3A_36, %min3A_2009 : vector<128x128xf32>
    %slice3A_2011 = vector.extract_strided_slice %slice3A_1546 {offsets = [0, 57], sizes = [128, 1], strides = [1, 1]} : vector<128x63xf32> to vector<128x1xf32>
    %sub3A_2012 = arith.subf %min3A_2010, %min3A_2002 : vector<128x128xf32>
    %mul3A_2013 = vector.broadcast %slice3A_2011 : vector<128x1xf32> to vector<128x128xf32>
    %mul3A_2014 = arith.mulf %mul3A_2013, %sub3A_2012 : vector<128x128xf32>
    %add3A_2015 = arith.addf %add3A_2007, %mul3A_2014 : vector<128x128xf32>
    %slice3A_2016 = vector.extract_strided_slice %slice3A_1545 {offsets = [0, 59], sizes = [128, 1], strides = [1, 1]} : vector<128x63xf32> to vector<128x1xf32>
    %min3A_2017 = vector.broadcast %slice3A_2016 : vector<128x1xf32> to vector<128x128xf32>
    %min3A_2018 = arith.minimumf %broadcast_in_dim3A_36, %min3A_2017 : vector<128x128xf32>
    %slice3A_2019 = vector.extract_strided_slice %slice3A_1546 {offsets = [0, 58], sizes = [128, 1], strides = [1, 1]} : vector<128x63xf32> to vector<128x1xf32>
    %sub3A_2020 = arith.subf %min3A_2018, %min3A_2010 : vector<128x128xf32>
    %mul3A_2021 = vector.broadcast %slice3A_2019 : vector<128x1xf32> to vector<128x128xf32>
    %mul3A_2022 = arith.mulf %mul3A_2021, %sub3A_2020 : vector<128x128xf32>
    %add3A_2023 = arith.addf %add3A_2015, %mul3A_2022 : vector<128x128xf32>
    %slice3A_2024 = vector.extract_strided_slice %slice3A_1545 {offsets = [0, 60], sizes = [128, 1], strides = [1, 1]} : vector<128x63xf32> to vector<128x1xf32>
    %min3A_2025 = vector.broadcast %slice3A_2024 : vector<128x1xf32> to vector<128x128xf32>
    %min3A_2026 = arith.minimumf %broadcast_in_dim3A_36, %min3A_2025 : vector<128x128xf32>
    %slice3A_2027 = vector.extract_strided_slice %slice3A_1546 {offsets = [0, 59], sizes = [128, 1], strides = [1, 1]} : vector<128x63xf32> to vector<128x1xf32>
    %sub3A_2028 = arith.subf %min3A_2026, %min3A_2018 : vector<128x128xf32>
    %mul3A_2029 = vector.broadcast %slice3A_2027 : vector<128x1xf32> to vector<128x128xf32>
    %mul3A_2030 = arith.mulf %mul3A_2029, %sub3A_2028 : vector<128x128xf32>
    %add3A_2031 = arith.addf %add3A_2023, %mul3A_2030 : vector<128x128xf32>
    %slice3A_2032 = vector.extract_strided_slice %slice3A_1545 {offsets = [0, 61], sizes = [128, 1], strides = [1, 1]} : vector<128x63xf32> to vector<128x1xf32>
    %min3A_2033 = vector.broadcast %slice3A_2032 : vector<128x1xf32> to vector<128x128xf32>
    %min3A_2034 = arith.minimumf %broadcast_in_dim3A_36, %min3A_2033 : vector<128x128xf32>
    %slice3A_2035 = vector.extract_strided_slice %slice3A_1546 {offsets = [0, 60], sizes = [128, 1], strides = [1, 1]} : vector<128x63xf32> to vector<128x1xf32>
    %sub3A_2036 = arith.subf %min3A_2034, %min3A_2026 : vector<128x128xf32>
    %mul3A_2037 = vector.broadcast %slice3A_2035 : vector<128x1xf32> to vector<128x128xf32>
    %mul3A_2038 = arith.mulf %mul3A_2037, %sub3A_2036 : vector<128x128xf32>
    %add3A_2039 = arith.addf %add3A_2031, %mul3A_2038 : vector<128x128xf32>
    %slice3A_2040 = vector.extract_strided_slice %slice3A_1545 {offsets = [0, 62], sizes = [128, 1], strides = [1, 1]} : vector<128x63xf32> to vector<128x1xf32>
    %min3A_2041 = vector.broadcast %slice3A_2040 : vector<128x1xf32> to vector<128x128xf32>
    %min3A_2042 = arith.minimumf %broadcast_in_dim3A_36, %min3A_2041 : vector<128x128xf32>
    %slice3A_2043 = vector.extract_strided_slice %slice3A_1546 {offsets = [0, 61], sizes = [128, 1], strides = [1, 1]} : vector<128x63xf32> to vector<128x1xf32>
    %sub3A_2044 = arith.subf %min3A_2042, %min3A_2034 : vector<128x128xf32>
    %mul3A_2045 = vector.broadcast %slice3A_2043 : vector<128x1xf32> to vector<128x128xf32>
    %mul3A_2046 = arith.mulf %mul3A_2045, %sub3A_2044 : vector<128x128xf32>
    %add3A_2047 = arith.addf %add3A_2039, %mul3A_2046 : vector<128x128xf32>
    %concatenate3A_2048 = tpu.concatenate %add3A_538, %add3A_1041, %add3A_1544, %add3A_2047 in 0 : vector<128x128xf32>, vector<128x128xf32>, vector<128x128xf32>, vector<128x128xf32> -> vector<512x128xf32>
    %broadcast_in_dim3A_2049 = arith.constant 3.000000e+38 : f32
    %broadcast_in_dim3A_2050 = vector.broadcast %broadcast_in_dim3A_2049 : f32 to vector<512x64xf32>
    %concatenate3A_2051 = tpu.concatenate %get3A_1, %broadcast_in_dim3A_2050, %concatenate3A_2048 in 1 : vector<512x64xf32>, vector<512x64xf32>, vector<512x128xf32> -> vector<512x256xf32>
    %iota3A_2052 = tpu.iota {dimensions = array<i32: 1>} : vector<1x256xi32>
    %and3A = arith.constant 128 : i32
    %and3A_2053 = vector.broadcast %and3A : i32 to vector<1x256xi32>
    %and3A_2054 = arith.andi %iota3A_2052, %and3A_2053 : vector<1x256xi32>
    %ne3A = arith.constant 0 : i32
    %ne3A_2055 = vector.broadcast %ne3A : i32 to vector<1x256xi32>
    %ne3A_2056 = arith.cmpi ne, %and3A_2054, %ne3A_2055 : vector<1x256xi32>
    %slice3A_2057 = vector.extract_strided_slice %concatenate3A_2051 {offsets = [0, 128], sizes = [512, 128], strides = [1, 1]} : vector<512x256xf32> to vector<512x128xf32>
    %slice3A_2058 = vector.extract_strided_slice %concatenate3A_2051 {offsets = [0, 0], sizes = [512, 128], strides = [1, 1]} : vector<512x256xf32> to vector<512x128xf32>
    %concatenate3A_2059 = tpu.concatenate %slice3A_2057, %slice3A_2058 in 1 : vector<512x128xf32>, vector<512x128xf32> -> vector<512x256xf32>
    %slice3A_2060 = vector.extract_strided_slice %concatenate3A_2051 {offsets = [0, 128], sizes = [512, 128], strides = [1, 1]} : vector<512x256xf32> to vector<512x128xf32>
    %slice3A_2061 = vector.extract_strided_slice %concatenate3A_2051 {offsets = [0, 0], sizes = [512, 128], strides = [1, 1]} : vector<512x256xf32> to vector<512x128xf32>
    %concatenate3A_2062 = tpu.concatenate %slice3A_2060, %slice3A_2061 in 1 : vector<512x128xf32>, vector<512x128xf32> -> vector<512x256xf32>
    %broadcast_in_dim3A_2063 = vector.shape_cast %ne3A_2056 : vector<1x256xi1> to vector<1x256xi1>
    %broadcast_in_dim3A_2064 = vector.broadcast %broadcast_in_dim3A_2063 : vector<1x256xi1> to vector<512x256xi1>
    %select_n3A = arith.select %broadcast_in_dim3A_2064, %concatenate3A_2062, %concatenate3A_2059 : vector<512x256xi1>, vector<512x256xf32>
    %max3A_2065 = arith.maximumf %concatenate3A_2051, %select_n3A : vector<512x256xf32>
    %min3A_2066 = arith.minimumf %concatenate3A_2051, %select_n3A : vector<512x256xf32>
    %broadcast_in_dim3A_2067 = vector.shape_cast %ne3A_2056 : vector<1x256xi1> to vector<1x256xi1>
    %broadcast_in_dim3A_2068 = vector.broadcast %broadcast_in_dim3A_2067 : vector<1x256xi1> to vector<512x256xi1>
    %select_n3A_2069 = arith.select %broadcast_in_dim3A_2068, %max3A_2065, %min3A_2066 : vector<512x256xi1>, vector<512x256xf32>
    %and3A_2070 = arith.constant 64 : i32
    %and3A_2071 = vector.broadcast %and3A_2070 : i32 to vector<1x256xi32>
    %and3A_2072 = arith.andi %iota3A_2052, %and3A_2071 : vector<1x256xi32>
    %ne3A_2073 = arith.constant 0 : i32
    %ne3A_2074 = vector.broadcast %ne3A_2073 : i32 to vector<1x256xi32>
    %ne3A_2075 = arith.cmpi ne, %and3A_2072, %ne3A_2074 : vector<1x256xi32>
    %slice3A_2076 = vector.extract_strided_slice %select_n3A_2069 {offsets = [0, 64], sizes = [512, 192], strides = [1, 1]} : vector<512x256xf32> to vector<512x192xf32>
    %slice3A_2077 = vector.extract_strided_slice %select_n3A_2069 {offsets = [0, 0], sizes = [512, 64], strides = [1, 1]} : vector<512x256xf32> to vector<512x64xf32>
    %concatenate3A_2078 = tpu.concatenate %slice3A_2076, %slice3A_2077 in 1 : vector<512x192xf32>, vector<512x64xf32> -> vector<512x256xf32>
    %slice3A_2079 = vector.extract_strided_slice %select_n3A_2069 {offsets = [0, 192], sizes = [512, 64], strides = [1, 1]} : vector<512x256xf32> to vector<512x64xf32>
    %slice3A_2080 = vector.extract_strided_slice %select_n3A_2069 {offsets = [0, 0], sizes = [512, 192], strides = [1, 1]} : vector<512x256xf32> to vector<512x192xf32>
    %concatenate3A_2081 = tpu.concatenate %slice3A_2079, %slice3A_2080 in 1 : vector<512x64xf32>, vector<512x192xf32> -> vector<512x256xf32>
    %broadcast_in_dim3A_2082 = vector.shape_cast %ne3A_2075 : vector<1x256xi1> to vector<1x256xi1>
    %broadcast_in_dim3A_2083 = vector.broadcast %broadcast_in_dim3A_2082 : vector<1x256xi1> to vector<512x256xi1>
    %select_n3A_2084 = arith.select %broadcast_in_dim3A_2083, %concatenate3A_2081, %concatenate3A_2078 : vector<512x256xi1>, vector<512x256xf32>
    %max3A_2085 = arith.maximumf %select_n3A_2069, %select_n3A_2084 : vector<512x256xf32>
    %min3A_2086 = arith.minimumf %select_n3A_2069, %select_n3A_2084 : vector<512x256xf32>
    %broadcast_in_dim3A_2087 = vector.shape_cast %ne3A_2075 : vector<1x256xi1> to vector<1x256xi1>
    %broadcast_in_dim3A_2088 = vector.broadcast %broadcast_in_dim3A_2087 : vector<1x256xi1> to vector<512x256xi1>
    %select_n3A_2089 = arith.select %broadcast_in_dim3A_2088, %max3A_2085, %min3A_2086 : vector<512x256xi1>, vector<512x256xf32>
    %and3A_2090 = arith.constant 32 : i32
    %and3A_2091 = vector.broadcast %and3A_2090 : i32 to vector<1x256xi32>
    %and3A_2092 = arith.andi %iota3A_2052, %and3A_2091 : vector<1x256xi32>
    %ne3A_2093 = arith.constant 0 : i32
    %ne3A_2094 = vector.broadcast %ne3A_2093 : i32 to vector<1x256xi32>
    %ne3A_2095 = arith.cmpi ne, %and3A_2092, %ne3A_2094 : vector<1x256xi32>
    %slice3A_2096 = vector.extract_strided_slice %select_n3A_2089 {offsets = [0, 32], sizes = [512, 224], strides = [1, 1]} : vector<512x256xf32> to vector<512x224xf32>
    %slice3A_2097 = vector.extract_strided_slice %select_n3A_2089 {offsets = [0, 0], sizes = [512, 32], strides = [1, 1]} : vector<512x256xf32> to vector<512x32xf32>
    %concatenate3A_2098 = tpu.concatenate %slice3A_2096, %slice3A_2097 in 1 : vector<512x224xf32>, vector<512x32xf32> -> vector<512x256xf32>
    %slice3A_2099 = vector.extract_strided_slice %select_n3A_2089 {offsets = [0, 224], sizes = [512, 32], strides = [1, 1]} : vector<512x256xf32> to vector<512x32xf32>
    %slice3A_2100 = vector.extract_strided_slice %select_n3A_2089 {offsets = [0, 0], sizes = [512, 224], strides = [1, 1]} : vector<512x256xf32> to vector<512x224xf32>
    %concatenate3A_2101 = tpu.concatenate %slice3A_2099, %slice3A_2100 in 1 : vector<512x32xf32>, vector<512x224xf32> -> vector<512x256xf32>
    %broadcast_in_dim3A_2102 = vector.shape_cast %ne3A_2095 : vector<1x256xi1> to vector<1x256xi1>
    %broadcast_in_dim3A_2103 = vector.broadcast %broadcast_in_dim3A_2102 : vector<1x256xi1> to vector<512x256xi1>
    %select_n3A_2104 = arith.select %broadcast_in_dim3A_2103, %concatenate3A_2101, %concatenate3A_2098 : vector<512x256xi1>, vector<512x256xf32>
    %max3A_2105 = arith.maximumf %select_n3A_2089, %select_n3A_2104 : vector<512x256xf32>
    %min3A_2106 = arith.minimumf %select_n3A_2089, %select_n3A_2104 : vector<512x256xf32>
    %broadcast_in_dim3A_2107 = vector.shape_cast %ne3A_2095 : vector<1x256xi1> to vector<1x256xi1>
    %broadcast_in_dim3A_2108 = vector.broadcast %broadcast_in_dim3A_2107 : vector<1x256xi1> to vector<512x256xi1>
    %select_n3A_2109 = arith.select %broadcast_in_dim3A_2108, %max3A_2105, %min3A_2106 : vector<512x256xi1>, vector<512x256xf32>
    %and3A_2110 = arith.constant 16 : i32
    %and3A_2111 = vector.broadcast %and3A_2110 : i32 to vector<1x256xi32>
    %and3A_2112 = arith.andi %iota3A_2052, %and3A_2111 : vector<1x256xi32>
    %ne3A_2113 = arith.constant 0 : i32
    %ne3A_2114 = vector.broadcast %ne3A_2113 : i32 to vector<1x256xi32>
    %ne3A_2115 = arith.cmpi ne, %and3A_2112, %ne3A_2114 : vector<1x256xi32>
    %slice3A_2116 = vector.extract_strided_slice %select_n3A_2109 {offsets = [0, 16], sizes = [512, 240], strides = [1, 1]} : vector<512x256xf32> to vector<512x240xf32>
    %slice3A_2117 = vector.extract_strided_slice %select_n3A_2109 {offsets = [0, 0], sizes = [512, 16], strides = [1, 1]} : vector<512x256xf32> to vector<512x16xf32>
    %concatenate3A_2118 = tpu.concatenate %slice3A_2116, %slice3A_2117 in 1 : vector<512x240xf32>, vector<512x16xf32> -> vector<512x256xf32>
    %slice3A_2119 = vector.extract_strided_slice %select_n3A_2109 {offsets = [0, 240], sizes = [512, 16], strides = [1, 1]} : vector<512x256xf32> to vector<512x16xf32>
    %slice3A_2120 = vector.extract_strided_slice %select_n3A_2109 {offsets = [0, 0], sizes = [512, 240], strides = [1, 1]} : vector<512x256xf32> to vector<512x240xf32>
    %concatenate3A_2121 = tpu.concatenate %slice3A_2119, %slice3A_2120 in 1 : vector<512x16xf32>, vector<512x240xf32> -> vector<512x256xf32>
    %broadcast_in_dim3A_2122 = vector.shape_cast %ne3A_2115 : vector<1x256xi1> to vector<1x256xi1>
    %broadcast_in_dim3A_2123 = vector.broadcast %broadcast_in_dim3A_2122 : vector<1x256xi1> to vector<512x256xi1>
    %select_n3A_2124 = arith.select %broadcast_in_dim3A_2123, %concatenate3A_2121, %concatenate3A_2118 : vector<512x256xi1>, vector<512x256xf32>
    %max3A_2125 = arith.maximumf %select_n3A_2109, %select_n3A_2124 : vector<512x256xf32>
    %min3A_2126 = arith.minimumf %select_n3A_2109, %select_n3A_2124 : vector<512x256xf32>
    %broadcast_in_dim3A_2127 = vector.shape_cast %ne3A_2115 : vector<1x256xi1> to vector<1x256xi1>
    %broadcast_in_dim3A_2128 = vector.broadcast %broadcast_in_dim3A_2127 : vector<1x256xi1> to vector<512x256xi1>
    %select_n3A_2129 = arith.select %broadcast_in_dim3A_2128, %max3A_2125, %min3A_2126 : vector<512x256xi1>, vector<512x256xf32>
    %and3A_2130 = arith.constant 8 : i32
    %and3A_2131 = vector.broadcast %and3A_2130 : i32 to vector<1x256xi32>
    %and3A_2132 = arith.andi %iota3A_2052, %and3A_2131 : vector<1x256xi32>
    %ne3A_2133 = arith.constant 0 : i32
    %ne3A_2134 = vector.broadcast %ne3A_2133 : i32 to vector<1x256xi32>
    %ne3A_2135 = arith.cmpi ne, %and3A_2132, %ne3A_2134 : vector<1x256xi32>
    %slice3A_2136 = vector.extract_strided_slice %select_n3A_2129 {offsets = [0, 8], sizes = [512, 248], strides = [1, 1]} : vector<512x256xf32> to vector<512x248xf32>
    %slice3A_2137 = vector.extract_strided_slice %select_n3A_2129 {offsets = [0, 0], sizes = [512, 8], strides = [1, 1]} : vector<512x256xf32> to vector<512x8xf32>
    %concatenate3A_2138 = tpu.concatenate %slice3A_2136, %slice3A_2137 in 1 : vector<512x248xf32>, vector<512x8xf32> -> vector<512x256xf32>
    %slice3A_2139 = vector.extract_strided_slice %select_n3A_2129 {offsets = [0, 248], sizes = [512, 8], strides = [1, 1]} : vector<512x256xf32> to vector<512x8xf32>
    %slice3A_2140 = vector.extract_strided_slice %select_n3A_2129 {offsets = [0, 0], sizes = [512, 248], strides = [1, 1]} : vector<512x256xf32> to vector<512x248xf32>
    %concatenate3A_2141 = tpu.concatenate %slice3A_2139, %slice3A_2140 in 1 : vector<512x8xf32>, vector<512x248xf32> -> vector<512x256xf32>
    %broadcast_in_dim3A_2142 = vector.shape_cast %ne3A_2135 : vector<1x256xi1> to vector<1x256xi1>
    %broadcast_in_dim3A_2143 = vector.broadcast %broadcast_in_dim3A_2142 : vector<1x256xi1> to vector<512x256xi1>
    %select_n3A_2144 = arith.select %broadcast_in_dim3A_2143, %concatenate3A_2141, %concatenate3A_2138 : vector<512x256xi1>, vector<512x256xf32>
    %max3A_2145 = arith.maximumf %select_n3A_2129, %select_n3A_2144 : vector<512x256xf32>
    %min3A_2146 = arith.minimumf %select_n3A_2129, %select_n3A_2144 : vector<512x256xf32>
    %broadcast_in_dim3A_2147 = vector.shape_cast %ne3A_2135 : vector<1x256xi1> to vector<1x256xi1>
    %broadcast_in_dim3A_2148 = vector.broadcast %broadcast_in_dim3A_2147 : vector<1x256xi1> to vector<512x256xi1>
    %select_n3A_2149 = arith.select %broadcast_in_dim3A_2148, %max3A_2145, %min3A_2146 : vector<512x256xi1>, vector<512x256xf32>
    %and3A_2150 = arith.constant 4 : i32
    %and3A_2151 = vector.broadcast %and3A_2150 : i32 to vector<1x256xi32>
    %and3A_2152 = arith.andi %iota3A_2052, %and3A_2151 : vector<1x256xi32>
    %ne3A_2153 = arith.constant 0 : i32
    %ne3A_2154 = vector.broadcast %ne3A_2153 : i32 to vector<1x256xi32>
    %ne3A_2155 = arith.cmpi ne, %and3A_2152, %ne3A_2154 : vector<1x256xi32>
    %slice3A_2156 = vector.extract_strided_slice %select_n3A_2149 {offsets = [0, 4], sizes = [512, 252], strides = [1, 1]} : vector<512x256xf32> to vector<512x252xf32>
    %slice3A_2157 = vector.extract_strided_slice %select_n3A_2149 {offsets = [0, 0], sizes = [512, 4], strides = [1, 1]} : vector<512x256xf32> to vector<512x4xf32>
    %concatenate3A_2158 = tpu.concatenate %slice3A_2156, %slice3A_2157 in 1 : vector<512x252xf32>, vector<512x4xf32> -> vector<512x256xf32>
    %slice3A_2159 = vector.extract_strided_slice %select_n3A_2149 {offsets = [0, 252], sizes = [512, 4], strides = [1, 1]} : vector<512x256xf32> to vector<512x4xf32>
    %slice3A_2160 = vector.extract_strided_slice %select_n3A_2149 {offsets = [0, 0], sizes = [512, 252], strides = [1, 1]} : vector<512x256xf32> to vector<512x252xf32>
    %concatenate3A_2161 = tpu.concatenate %slice3A_2159, %slice3A_2160 in 1 : vector<512x4xf32>, vector<512x252xf32> -> vector<512x256xf32>
    %broadcast_in_dim3A_2162 = vector.shape_cast %ne3A_2155 : vector<1x256xi1> to vector<1x256xi1>
    %broadcast_in_dim3A_2163 = vector.broadcast %broadcast_in_dim3A_2162 : vector<1x256xi1> to vector<512x256xi1>
    %select_n3A_2164 = arith.select %broadcast_in_dim3A_2163, %concatenate3A_2161, %concatenate3A_2158 : vector<512x256xi1>, vector<512x256xf32>
    %max3A_2165 = arith.maximumf %select_n3A_2149, %select_n3A_2164 : vector<512x256xf32>
    %min3A_2166 = arith.minimumf %select_n3A_2149, %select_n3A_2164 : vector<512x256xf32>
    %broadcast_in_dim3A_2167 = vector.shape_cast %ne3A_2155 : vector<1x256xi1> to vector<1x256xi1>
    %broadcast_in_dim3A_2168 = vector.broadcast %broadcast_in_dim3A_2167 : vector<1x256xi1> to vector<512x256xi1>
    %select_n3A_2169 = arith.select %broadcast_in_dim3A_2168, %max3A_2165, %min3A_2166 : vector<512x256xi1>, vector<512x256xf32>
    %and3A_2170 = arith.constant 2 : i32
    %and3A_2171 = vector.broadcast %and3A_2170 : i32 to vector<1x256xi32>
    %and3A_2172 = arith.andi %iota3A_2052, %and3A_2171 : vector<1x256xi32>
    %ne3A_2173 = arith.constant 0 : i32
    %ne3A_2174 = vector.broadcast %ne3A_2173 : i32 to vector<1x256xi32>
    %ne3A_2175 = arith.cmpi ne, %and3A_2172, %ne3A_2174 : vector<1x256xi32>
    %slice3A_2176 = vector.extract_strided_slice %select_n3A_2169 {offsets = [0, 2], sizes = [512, 254], strides = [1, 1]} : vector<512x256xf32> to vector<512x254xf32>
    %slice3A_2177 = vector.extract_strided_slice %select_n3A_2169 {offsets = [0, 0], sizes = [512, 2], strides = [1, 1]} : vector<512x256xf32> to vector<512x2xf32>
    %concatenate3A_2178 = tpu.concatenate %slice3A_2176, %slice3A_2177 in 1 : vector<512x254xf32>, vector<512x2xf32> -> vector<512x256xf32>
    %slice3A_2179 = vector.extract_strided_slice %select_n3A_2169 {offsets = [0, 254], sizes = [512, 2], strides = [1, 1]} : vector<512x256xf32> to vector<512x2xf32>
    %slice3A_2180 = vector.extract_strided_slice %select_n3A_2169 {offsets = [0, 0], sizes = [512, 254], strides = [1, 1]} : vector<512x256xf32> to vector<512x254xf32>
    %concatenate3A_2181 = tpu.concatenate %slice3A_2179, %slice3A_2180 in 1 : vector<512x2xf32>, vector<512x254xf32> -> vector<512x256xf32>
    %broadcast_in_dim3A_2182 = vector.shape_cast %ne3A_2175 : vector<1x256xi1> to vector<1x256xi1>
    %broadcast_in_dim3A_2183 = vector.broadcast %broadcast_in_dim3A_2182 : vector<1x256xi1> to vector<512x256xi1>
    %select_n3A_2184 = arith.select %broadcast_in_dim3A_2183, %concatenate3A_2181, %concatenate3A_2178 : vector<512x256xi1>, vector<512x256xf32>
    %max3A_2185 = arith.maximumf %select_n3A_2169, %select_n3A_2184 : vector<512x256xf32>
    %min3A_2186 = arith.minimumf %select_n3A_2169, %select_n3A_2184 : vector<512x256xf32>
    %broadcast_in_dim3A_2187 = vector.shape_cast %ne3A_2175 : vector<1x256xi1> to vector<1x256xi1>
    %broadcast_in_dim3A_2188 = vector.broadcast %broadcast_in_dim3A_2187 : vector<1x256xi1> to vector<512x256xi1>
    %select_n3A_2189 = arith.select %broadcast_in_dim3A_2188, %max3A_2185, %min3A_2186 : vector<512x256xi1>, vector<512x256xf32>
    %and3A_2190 = arith.constant 1 : i32
    %and3A_2191 = vector.broadcast %and3A_2190 : i32 to vector<1x256xi32>
    %and3A_2192 = arith.andi %iota3A_2052, %and3A_2191 : vector<1x256xi32>
    %ne3A_2193 = arith.constant 0 : i32
    %ne3A_2194 = vector.broadcast %ne3A_2193 : i32 to vector<1x256xi32>
    %ne3A_2195 = arith.cmpi ne, %and3A_2192, %ne3A_2194 : vector<1x256xi32>
    %slice3A_2196 = vector.extract_strided_slice %select_n3A_2189 {offsets = [0, 1], sizes = [512, 255], strides = [1, 1]} : vector<512x256xf32> to vector<512x255xf32>
    %slice3A_2197 = vector.extract_strided_slice %select_n3A_2189 {offsets = [0, 0], sizes = [512, 1], strides = [1, 1]} : vector<512x256xf32> to vector<512x1xf32>
    %concatenate3A_2198 = tpu.concatenate %slice3A_2196, %slice3A_2197 in 1 : vector<512x255xf32>, vector<512x1xf32> -> vector<512x256xf32>
    %slice3A_2199 = vector.extract_strided_slice %select_n3A_2189 {offsets = [0, 255], sizes = [512, 1], strides = [1, 1]} : vector<512x256xf32> to vector<512x1xf32>
    %slice3A_2200 = vector.extract_strided_slice %select_n3A_2189 {offsets = [0, 0], sizes = [512, 255], strides = [1, 1]} : vector<512x256xf32> to vector<512x255xf32>
    %concatenate3A_2201 = tpu.concatenate %slice3A_2199, %slice3A_2200 in 1 : vector<512x1xf32>, vector<512x255xf32> -> vector<512x256xf32>
    %broadcast_in_dim3A_2202 = vector.shape_cast %ne3A_2195 : vector<1x256xi1> to vector<1x256xi1>
    %broadcast_in_dim3A_2203 = vector.broadcast %broadcast_in_dim3A_2202 : vector<1x256xi1> to vector<512x256xi1>
    %select_n3A_2204 = arith.select %broadcast_in_dim3A_2203, %concatenate3A_2201, %concatenate3A_2198 : vector<512x256xi1>, vector<512x256xf32>
    %max3A_2205 = arith.maximumf %select_n3A_2189, %select_n3A_2204 : vector<512x256xf32>
    %min3A_2206 = arith.minimumf %select_n3A_2189, %select_n3A_2204 : vector<512x256xf32>
    %broadcast_in_dim3A_2207 = vector.shape_cast %ne3A_2195 : vector<1x256xi1> to vector<1x256xi1>
    %broadcast_in_dim3A_2208 = vector.broadcast %broadcast_in_dim3A_2207 : vector<1x256xi1> to vector<512x256xi1>
    %select_n3A_2209 = arith.select %broadcast_in_dim3A_2208, %max3A_2205, %min3A_2206 : vector<512x256xi1>, vector<512x256xf32>
    %slice3A_2210 = vector.extract_strided_slice %select_n3A_2209 {offsets = [0, 0], sizes = [512, 192], strides = [1, 1]} : vector<512x256xf32> to vector<512x192xf32>
    %swap3A = arith.constant 0 : index
    %swap3A_2211 = arith.constant 0 : index
    %swap3A_2212 = vector.load %arg5[%swap3A, %swap3A_2211] : memref<512x192xf32, #tpu.memory_space<vmem>>, vector<512x192xf32>
    tpu.vector_store %arg5[%swap3A, %swap3A_2211], %slice3A_2210 {strides = array<i32>} : memref<512x192xf32, #tpu.memory_space<vmem>>, vector<512x192xf32>,
    %iota3A_2213 = tpu.iota {dimensions = array<i32: 1>} : vector<192x576xi32>
    %jit3A = arith.constant 3 : i32
    %div3A_2214 = vector.broadcast %jit3A : i32 to vector<192x576xi32>
    %div3A_2215 = arith.divsi %iota3A_2213, %div3A_2214 : vector<192x576xi32>
    %sign3A = arith.constant 0 : i32
    %sign3A_2216 = vector.broadcast %sign3A : i32 to vector<192x576xi32>
    %sign3A_2217 = arith.cmpi sgt, %iota3A_2213, %sign3A_2216 : vector<192x576xi32>
    %sign3A_2218 = arith.extui %sign3A_2217 : vector<192x576xi1> to vector<192x576xi32>
    %sign3A_2219 = arith.constant 0 : i32
    %sign3A_2220 = vector.broadcast %sign3A_2219 : i32 to vector<192x576xi32>
    %sign3A_2221 = arith.cmpi slt, %iota3A_2213, %sign3A_2220 : vector<192x576xi32>
    %sign3A_2222 = arith.extui %sign3A_2221 : vector<192x576xi1> to vector<192x576xi32>
    %sign3A_2223 = arith.subi %sign3A_2218, %sign3A_2222 : vector<192x576xi32>
    %sign3A_2224 = arith.constant 0 : i32
    %sign3A_2225 = arith.cmpi sgt, %jit3A, %sign3A_2224 : i32
    %sign3A_2226 = arith.extui %sign3A_2225 : i1 to i32
    %sign3A_2227 = arith.constant 0 : i32
    %sign3A_2228 = arith.cmpi slt, %jit3A, %sign3A_2227 : i32
    %sign3A_2229 = arith.extui %sign3A_2228 : i1 to i32
    %sign3A_2230 = arith.subi %sign3A_2226, %sign3A_2229 : i32
    %ne3A_2231 = vector.broadcast %sign3A_2230 : i32 to vector<192x576xi32>
    %ne3A_2232 = arith.cmpi ne, %sign3A_2223, %ne3A_2231 : vector<192x576xi32>
    %rem3A = vector.broadcast %jit3A : i32 to vector<192x576xi32>
    %rem3A_2233 = arith.remsi %iota3A_2213, %rem3A : vector<192x576xi32>
    %ne3A_2234 = arith.constant 0 : i32
    %ne3A_2235 = vector.broadcast %ne3A_2234 : i32 to vector<192x576xi32>
    %ne3A_2236 = arith.cmpi ne, %rem3A_2233, %ne3A_2235 : vector<192x576xi32>
    %and3A_2237 = arith.andi %ne3A_2232, %ne3A_2236 : vector<192x576xi1>
    %sub3A_2238 = arith.constant 1 : i32
    %sub3A_2239 = vector.broadcast %sub3A_2238 : i32 to vector<192x576xi32>
    %sub3A_2240 = arith.subi %div3A_2215, %sub3A_2239 : vector<192x576xi32>
    %select_n3A_2241 = arith.select %and3A_2237, %sub3A_2240, %div3A_2215 : vector<192x576xi1>, vector<192x576xi32>
    %iota3A_2242 = tpu.iota {dimensions = array<i32: 0>} : vector<192x576xi32>
    %eq3A = arith.cmpi eq, %select_n3A_2241, %iota3A_2242 : vector<192x576xi32>
    %convert_element_type3A_2243 = arith.extui %eq3A : vector<192x576xi1> to vector<192x576xi32>
    %convert_element_type3A_2244 = arith.sitofp %convert_element_type3A_2243 : vector<192x576xi32> to vector<192x576xf32>
    %dot_general3A_2245 = arith.constant dense<0.000000e+00> : vector<512x576xf32>
    %dot_general3A_2246 = tpu.matmul %slice3A_2210, %convert_element_type3A_2244, %dot_general3A_2245 {dimension_numbers = #tpu.dot_dimension_numbers<[1], [0], [0], [1], [0, 0, 1, 1], [], []>, transpose_lhs_hint = false} : vector<512x192xf32>, vector<192x576xf32>, vector<512x576xf32> -> vector<512x576xf32>
    %iota3A_2247 = tpu.iota {dimensions = array<i32: 1>} : vector<1x576xi32>
    %jit3A_2248 = arith.constant 3 : i32
    %eq3A_2249 = arith.constant 0 : i32
    %eq3A_2250 = arith.cmpi eq, %jit3A_2248, %eq3A_2249 : i32
    %jit3A_2251 = arith.constant 1 : i32
    %select_n3A_2252 = arith.select %eq3A_2250, %jit3A_2251, %jit3A_2248 : i32
    %rem3A_2253 = vector.broadcast %select_n3A_2252 : i32 to vector<1x576xi32>
    %rem3A_2254 = arith.remsi %iota3A_2247, %rem3A_2253 : vector<1x576xi32>
    %ne3A_2255 = arith.constant 0 : i32
    %ne3A_2256 = vector.broadcast %ne3A_2255 : i32 to vector<1x576xi32>
    %ne3A_2257 = arith.cmpi ne, %rem3A_2254, %ne3A_2256 : vector<1x576xi32>
    %lt3A = arith.constant 0 : i32
    %lt3A_2258 = vector.broadcast %lt3A : i32 to vector<1x576xi32>
    %lt3A_2259 = arith.cmpi slt, %rem3A_2254, %lt3A_2258 : vector<1x576xi32>
    %lt3A_2260 = arith.constant 0 : i32
    %lt3A_2261 = arith.cmpi slt, %select_n3A_2252, %lt3A_2260 : i32
    %ne3A_2262 = vector.broadcast %lt3A_2261 : i1 to vector<1x576xi1>
    %ne3A_2263 = vector.broadcast %ne3A_2262 : vector<1x576xi1> to vector<1x576xi1>
    %ne3A_2264 = arith.xori %lt3A_2259, %ne3A_2263 : vector<1x576xi1>
    %and3A_2265 = arith.andi %ne3A_2264, %ne3A_2257 : vector<1x576xi1>
    %add3A_2266 = vector.broadcast %select_n3A_2252 : i32 to vector<1x576xi32>
    %add3A_2267 = arith.addi %rem3A_2254, %add3A_2266 : vector<1x576xi32>
    %select_n3A_2268 = arith.select %and3A_2265, %add3A_2267, %rem3A_2254 : vector<1x576xi1>, vector<1x576xi32>
    %get3A_2269 = arith.constant 0 : index
    %get3A_2270 = arith.constant 0 : index
    %get3A_2271 = vector.load %arg1[%get3A_2269, %get3A_2270] : memref<512x3xf32, #tpu.memory_space<vmem>>, vector<512x3xf32>
    %get3A_2272 = arith.constant 0 : index
    %get3A_2273 = arith.constant 0 : index
    %get3A_2274 = vector.load %arg2[%get3A_2272, %get3A_2273] : memref<512x3xf32, #tpu.memory_space<vmem>>, vector<512x3xf32>
    %slice3A_2275 = vector.extract_strided_slice %get3A_2271 {offsets = [0, 0], sizes = [512, 1], strides = [1, 1]} : vector<512x3xf32> to vector<512x1xf32>
    %broadcast_in_dim3A_2276 = vector.shape_cast %slice3A_2275 : vector<512x1xf32> to vector<512x1xf32>
    %broadcast_in_dim3A_2277 = vector.broadcast %broadcast_in_dim3A_2276 : vector<512x1xf32> to vector<512x576xf32>
    %slice3A_2278 = vector.extract_strided_slice %get3A_2271 {offsets = [0, 1], sizes = [512, 1], strides = [1, 1]} : vector<512x3xf32> to vector<512x1xf32>
    %broadcast_in_dim3A_2279 = vector.shape_cast %slice3A_2278 : vector<512x1xf32> to vector<512x1xf32>
    %broadcast_in_dim3A_2280 = vector.broadcast %broadcast_in_dim3A_2279 : vector<512x1xf32> to vector<512x576xf32>
    %slice3A_2281 = vector.extract_strided_slice %get3A_2271 {offsets = [0, 2], sizes = [512, 1], strides = [1, 1]} : vector<512x3xf32> to vector<512x1xf32>
    %broadcast_in_dim3A_2282 = vector.shape_cast %slice3A_2281 : vector<512x1xf32> to vector<512x1xf32>
    %broadcast_in_dim3A_2283 = vector.broadcast %broadcast_in_dim3A_2282 : vector<512x1xf32> to vector<512x576xf32>
    %eq3A_2284 = arith.constant 0 : i32
    %eq3A_2285 = vector.broadcast %eq3A_2284 : i32 to vector<1x576xi32>
    %eq3A_2286 = arith.cmpi eq, %select_n3A_2268, %eq3A_2285 : vector<1x576xi32>
    %eq3A_2287 = arith.constant 1 : i32
    %eq3A_2288 = vector.broadcast %eq3A_2287 : i32 to vector<1x576xi32>
    %eq3A_2289 = arith.cmpi eq, %select_n3A_2268, %eq3A_2288 : vector<1x576xi32>
    %broadcast_in_dim3A_2290 = vector.shape_cast %eq3A_2289 : vector<1x576xi1> to vector<1x576xi1>
    %broadcast_in_dim3A_2291 = vector.broadcast %broadcast_in_dim3A_2290 : vector<1x576xi1> to vector<512x576xi1>
    %select_n3A_2292 = arith.select %broadcast_in_dim3A_2291, %broadcast_in_dim3A_2280, %broadcast_in_dim3A_2283 : vector<512x576xi1>, vector<512x576xf32>
    %broadcast_in_dim3A_2293 = vector.shape_cast %eq3A_2286 : vector<1x576xi1> to vector<1x576xi1>
    %broadcast_in_dim3A_2294 = vector.broadcast %broadcast_in_dim3A_2293 : vector<1x576xi1> to vector<512x576xi1>
    %select_n3A_2295 = arith.select %broadcast_in_dim3A_2294, %broadcast_in_dim3A_2277, %select_n3A_2292 : vector<512x576xi1>, vector<512x576xf32>
    %slice3A_2296 = vector.extract_strided_slice %get3A_2274 {offsets = [0, 0], sizes = [512, 1], strides = [1, 1]} : vector<512x3xf32> to vector<512x1xf32>
    %broadcast_in_dim3A_2297 = vector.shape_cast %slice3A_2296 : vector<512x1xf32> to vector<512x1xf32>
    %broadcast_in_dim3A_2298 = vector.broadcast %broadcast_in_dim3A_2297 : vector<512x1xf32> to vector<512x576xf32>
    %slice3A_2299 = vector.extract_strided_slice %get3A_2274 {offsets = [0, 1], sizes = [512, 1], strides = [1, 1]} : vector<512x3xf32> to vector<512x1xf32>
    %broadcast_in_dim3A_2300 = vector.shape_cast %slice3A_2299 : vector<512x1xf32> to vector<512x1xf32>
    %broadcast_in_dim3A_2301 = vector.broadcast %broadcast_in_dim3A_2300 : vector<512x1xf32> to vector<512x576xf32>
    %slice3A_2302 = vector.extract_strided_slice %get3A_2274 {offsets = [0, 2], sizes = [512, 1], strides = [1, 1]} : vector<512x3xf32> to vector<512x1xf32>
    %broadcast_in_dim3A_2303 = vector.shape_cast %slice3A_2302 : vector<512x1xf32> to vector<512x1xf32>
    %broadcast_in_dim3A_2304 = vector.broadcast %broadcast_in_dim3A_2303 : vector<512x1xf32> to vector<512x576xf32>
    %eq3A_2305 = arith.constant 0 : i32
    %eq3A_2306 = vector.broadcast %eq3A_2305 : i32 to vector<1x576xi32>
    %eq3A_2307 = arith.cmpi eq, %select_n3A_2268, %eq3A_2306 : vector<1x576xi32>
    %eq3A_2308 = arith.constant 1 : i32
    %eq3A_2309 = vector.broadcast %eq3A_2308 : i32 to vector<1x576xi32>
    %eq3A_2310 = arith.cmpi eq, %select_n3A_2268, %eq3A_2309 : vector<1x576xi32>
    %broadcast_in_dim3A_2311 = vector.shape_cast %eq3A_2310 : vector<1x576xi1> to vector<1x576xi1>
    %broadcast_in_dim3A_2312 = vector.broadcast %broadcast_in_dim3A_2311 : vector<1x576xi1> to vector<512x576xi1>
    %select_n3A_2313 = arith.select %broadcast_in_dim3A_2312, %broadcast_in_dim3A_2301, %broadcast_in_dim3A_2304 : vector<512x576xi1>, vector<512x576xf32>
    %broadcast_in_dim3A_2314 = vector.shape_cast %eq3A_2307 : vector<1x576xi1> to vector<1x576xi1>
    %broadcast_in_dim3A_2315 = vector.broadcast %broadcast_in_dim3A_2314 : vector<1x576xi1> to vector<512x576xi1>
    %select_n3A_2316 = arith.select %broadcast_in_dim3A_2315, %broadcast_in_dim3A_2298, %select_n3A_2313 : vector<512x576xi1>, vector<512x576xf32>
    %mul3A_2317 = arith.mulf %select_n3A_2316, %dot_general3A_2246 : vector<512x576xf32>
    %add3A_2318 = arith.addf %select_n3A_2295, %mul3A_2317 : vector<512x576xf32>
    %swap3A_2319 = arith.constant 0 : index
    %swap3A_2320 = arith.constant 0 : index
    %swap3A_2321 = vector.load %arg6[%swap3A_2319, %swap3A_2320] : memref<512x576xf32, #tpu.memory_space<vmem>>, vector<512x576xf32>
    tpu.vector_store %arg6[%swap3A_2319, %swap3A_2320], %add3A_2318 {strides = array<i32>} : memref<512x576xf32, #tpu.memory_space<vmem>>, vector<512x576xf32>,
    return
  }
  func.func @transform_0(%arg0: i32) -> (i32, i32) {
    %c0_i32 = arith.constant 0 : i32
    %c0_i32_0 = arith.constant 0 : i32
    return %arg0, %c0_i32 : i32, i32
  }
  func.func @transform_1(%arg0: i32) -> (i32, i32) {
    %c0_i32 = arith.constant 0 : i32
    %c0_i32_0 = arith.constant 0 : i32
    return %arg0, %c0_i32 : i32, i32
  }
  func.func @transform_2(%arg0: i32) -> (i32, i32) {
    %c0_i32 = arith.constant 0 : i32
    %c0_i32_0 = arith.constant 0 : i32
    return %arg0, %c0_i32 : i32, i32
  }
  func.func @transform_3(%arg0: i32) -> (i32, i32) {
    %c0_i32 = arith.constant 0 : i32
    %c0_i32_0 = arith.constant 0 : i32
    return %arg0, %c0_i32 : i32, i32
  }
  func.func @transform_4(%arg0: i32) -> (i32, i32) {
    %c0_i32 = arith.constant 0 : i32
    %c0_i32_0 = arith.constant 0 : i32
    return %arg0, %c0_i32 : i32, i32
  }
  func.func @transform_5(%arg0: i32) -> (i32, i32) {
    %c0_i32 = arith.constant 0 : i32
    %c0_i32_0 = arith.constant 0 : i32
    return %arg0, %c0_i32 : i32, i32
  }
}

</mosaic_0001>

<sc_bundles>
// kernel: sparse-core-data-format-call.cloned.1.call-start
scs
called_computation_lowered:
.L_overlay_start_0:
0x0: {  	s2 =	sld [smem:$0x3FD9]  }
0x1: {  	s3 =	sld [smem:$0x3FFE];
	_ =	sdelay $0x1  }
0x2: {  	s1 =	srdreg.scid  }
0x3: {  	s0 =	sand.u32 $0x1, s1  }
0x4: {  	s15 =	sshll.u32 s0, $0xA;
	s2 =	sadd.s32 s3, s2  }
0x5: {  	s2 =	sadd.s32 s2, s15  }
0x6: {  	[smem:$0x3FC4] =	sst s2  }
0x7: {  	_ = 	snop  }
0x8: {  	s2 =	sld [smem:$0x3FD0];
	_ =	sdelay $0x2  }
0x9: {  	s16 =	simm.s32 $0xA;
	s4 =	simm.s32 $0x10  }
0xa: {  	[smem:s4], [sflag:s16] =	dma.local [hbm:s2], $0x1  }
0xb: {  	_ =	swait.eq [sflag:s16], $0x1  }
0xc: {  	[sflag:s16] =	ssyncset.done $0x0  }
0xd: {  	[sflag:s16] =	ssyncadd.s32 $0xFFFFFFFF  }
0xe: {  	s17 =	sld [smem:$0x10];
	(tm) =	ssettm $0x1  }
0xf: {  	s18 =	sld [smem:$0x3FFB];
	_ =	sdelay $0x3  }
0x10: {  	_ =	strace s18  }
0x11: {  	s3 =	sld [smem:$0x3FFC];
	_ =	sdelay $0x3  }
0x12: {  	_ =	strace s3  }
0x13: {  	s3 =	sld [smem:$0x3FFD];
	_ =	sdelay $0x3  }
0x14: {  	_ =	strace s3  }
0x15: {  	_ =	strace $0x8FFFFFFF  }
0x16: {  	s19 =	sld [smem:$0x3FDB];
	_ =	sdelay $0x1  }
0x17: {  	s20 =	simm.s32 $_scs_section_size  }
0x18: {  	s5 =	simm.s32 $_size__tile_overlayer_lowered;
	s6 =	simm.s32 $_tile_overlayer_lowered  }
0x19: {  	s23 =	simm.s32 $0x1BFF;
	s22 =	sshll.u32 s6, $0x1;
	s3 =	sadd.s32 s20, s19  }
0x1a: {  	s7 =	simm.s32 $0x0;
	s21 =	sshll.u32 s5, $0x1;
	s5 =	sadd.s32 s22, s3  }
0x1b: {  	[timem:s7], [sflag:s23] =	dma.local [hbm:s5], s21  }
0x1c: {  	_ =	swait.ge [sflag:s23], s21  }
0x1d: {  	s4 =	ssub.s32 $0x0, s21;
	[sflag:s23] =	ssyncset.done $0x0  }
0x1e: {  	[sflag:s23] =	ssyncadd.s32 s4;
	_ =	sdelay $0x1  }
0x1f: {  	s24 =	simm.s32 $0x1B8B  }
0x20: {  	_ =	swait.ge [sflag:s24], $0x1  }
0x21: {  	[sflag:s24] =	ssyncset.done $0x0  }
0x22: {  	s26 =	simm.s32 $0x1B8E;
	s25 =	sld [smem:$0x3FFE];
	[sflag:s24] =	ssyncadd.s32 $0xFFFFFFFF  }
0x23: {  	s27 =	simm.s32 $execute0_lowered;
	[smem:$0x3FD2] =	sst s26  }
0x24: {  	s5 =	sshll.u32 s27, $0x1;
	_ =	strace $0x80000046;
	[dreg:$0x1] =	wrdreg $0xFFFFFFFF  }
0x25: {  	s28 =	simm.s32 $_size_execute0_lowered;
	s3 =	sadd.s32 s3, s5;
	[dreg:$0x0] =	wrdreg $0x0  }
0x26: {  	s5 =	sshll.u32 s28, $0x1;
	[dreg:$0x2] =	wrdreg s3  }
0x27: {  	[dreg:$0x3] =	wrdreg s5  }
0x28: {  	[dreg:$0x4] =	wrdreg $0xC0  }
0x29: {  	_ =	task [dreg:s7], $0x5FFFF  }
0x2a: {  	[dreg:$0x1] =	wrdreg $0xFFFFFFFF  }
0x2b: {  	[dreg:$0x0] =	wrdreg $0x60  }
0x2c: {  	[dreg:$0x2] =	wrdreg s25  }
0x2d: {  	[dreg:$0x3] =	wrdreg s17  }
0x2e: {  	[dreg:$0x4] =	wrdreg $0x9  }
0x2f: {  	_ =	task.clear_ibuf [dreg:s7], $0x5FFFF;
	_ =	strace $0x90000046  }
0x30: {  	s29 =	simm.s32 $0x9;
	_ =	strace $0x80000048  }
0x31: {  	_ =	swait.ge [sflag:s29], $0x1  }
0x32: {  	[sflag:s29] =	ssyncadd.s32 $0xFFFFFFFF  }
0x33: {  	_ =	strace $0x90000048  }
0x34: {  	_ =	sfence  }
0x35: {  	s30 =	sld [smem:$0x0];
	_ =	sdelay $0x2  }
0x36: {  	s31 =	sshll.u32 s1, $0xD;
	s1 =	sshrl.u32 s1, $0x2  }
0x37: {  	s3 =	sand.u32 $0x4000, s31;
	s1 =	sadd.s32 s1, s30  }
0x38: {  	s0 =	sor.u32 s3, s0;
	s1 =	sshll.u32 s1, $0x11  }
0x39: {  	s0 =	sor.u32 s1, s0  }
0x3a: {  	s0 =	sadd.s32 $0x8F2B, s0  }
0x3b: {  	[sflag:s0] =	ssyncadd.remote.s32 $0x1  }
0x3c: {  	_ =	sfence.sel $0xFFFF  }
0x3d: {  	[dreg:$0x0] =	wrdreg $0xFFFFFFFF;
	(pc) =	sbr.abs _section_cstart, $3  }
0x3e: {  	[dreg:$0x1] =	wrdreg $0xFFFFFFFF  }
0x3f: {  	_ =	task.clear_ibuf [dreg:s7], $0x2FFFF;
	_ =	strace $0x9FFFFFFF  }
0x40: {  	(tm) =	ssettm $0x7FFFFFFF  }
0x41: {  	_ =	shalt  }
tec
execute0_lowered:
.L_overlay_start_1:
0x0: {  	(tag) =	ssettag $0x1  }
0x1: {  	s0 =	srdreg.scid  }
0x2: {  	s1 =	sshll.u32 s0, $0x4  }
0x3: {  	s6 =	rddreg [dreg:$0x0];
	s0 =	stileid.u32;
	s1 =	sand.u32 $0x10, s1  }
0x4: {  	s3 =	rddreg [dreg:$0x1];
	s1 =	sor.u32 s0, s1  }
0x5: {  	s5 =	simm.s32 $0x1;
	s31 =	simm.s32 $0x2;
	s2 =	sshll.u32 s1, $0x7  }
0x6: {  	s14 =	simm.s32 $0x0;
	s8 =	simm.s32 $0x80000;
	s4 =	ssub.s32 $0x10000, s2  }
0x7: {  	s9 =	simm.s32 $0x0;
	s15 =	simm.s32 $0x0;
	s30 =	sand.u32 $0xF80, s4  }
0x8: {  	s16 =	simm.s32 $0x0;
	s11 =	simm.s32 $0x0;
	p0 =	sne.s32 s30, $0x0  }
.Ltmp0:
0x9: {  	s7 =	sshrl.u32 s4, $0xC;
	s5 =	simm.s32 @!p0 $0x0;
	(pc) =	sbr.rel .LBB1_1-.Ltmp0, $4  }
0xa: {  	s12 =	simm.s32 $0x0;
	s1 =	rddreg [dreg:$0x2];
	s5 =	sadd.s32 s5, s7  }
0xb: {  	_ =	strace $0x80000047;
	s4 =	simm.s32 $0x1;
	s5 =	smul.u32 $0x9, s5  }
0xc: {  	s13 =	simm.s32 $0x0;
	s6 =	sadd.s32 $0x1600, s6;
	[sflag:s4] =	ssyncpa.u1 $0x0  }
0xd: {  	s10 =	smov.u32 s2;
	[sflag:s31] =	ssyncpa.u1 $0x0;
	s7 =	sadd.s32 $0x1, s5  }
.LBB1_4:
0xe: {  	_ =	sdelay $0x3  }
0xf: {  	[tilespmem:v0+s19+$0xFFFFFFD0 ss:$0x1] =	vst.idx.msk $0xffff, v6  }
0x10: {  	s20 =	sshll.u32 s16, $0x10;
	v56 =	vld.idx.msk [tilespmem:v1+s18+$0x0 ss:$0x1], $0xffff;
	[tilespmem:v0+s19+$0xFFFFFFE0 ss:$0x1] =	vst.idx.msk $0xffff, v5  }
0x11: {  	s21 =	sshll.u32 s14, $0x3;
	v57 =	vld.idx.msk [tilespmem:v1+s18+$0xFFFFFF90 ss:$0x1], $0xffff;
	[tilespmem:v0+s19+$0xFFFFFFF0 ss:$0x1] =	vst.idx.msk $0xffff, v4;
	s20 =	sand.u32 $0xFFF80000, s20  }
0x12: {  	v58 =	vld.idx.msk [tilespmem:v1+s18+$0xFFFFFFA0 ss:$0x1], $0xffff;
	[tilespmem:v0+s19+$0x0 ss:$0x1] =	vst.idx.msk $0xffff, v2;
	s20 =	sadd.s32 s20, s21  }
0x13: {  	v59 =	vld.idx.msk [tilespmem:v1+s18+$0xFFFFFFB0 ss:$0x1], $0xffff;
	[tilespmem:v0+s19+$0x10 ss:$0x1] =	vst.idx.msk $0xffff, v3;
	s20 =	sshrl.u32 s20, $0x10  }
0x14: {  	v60 =	vld.idx.msk [tilespmem:v1+s18+$0xFFFFFFC0 ss:$0x1], $0xffff;
	[tilespmem:v0+s19+$0x20 ss:$0x1] =	vst.idx.msk $0xffff, v7;
	s22 =	smul.u32 $0xAAAB, s20  }
0x15: {  	v61 =	vld.idx.msk [tilespmem:v1+s18+$0xFFFFFFD0 ss:$0x1], $0xffff;
	[tilespmem:v0+s18+$0x30 ss:$0x1] =	vst.idx.msk $0xffff, v56  }
0x16: {  	s27 =	sshll.u32 s16, $0x7;
	v62 =	vld.idx.msk [tilespmem:v1+s18+$0xFFFFFFE0 ss:$0x1], $0xffff;
	[tilespmem:v0+s18+$0xFFFFFFC0 ss:$0x1] =	vst.idx.msk $0xffff, v57;
	s28 =	sshrl.u32 s22, $0x17  }
0x17: {  	s29 =	sand.u32 $0x78, s14;
	v63 =	vld.idx.msk [tilespmem:v1+s18+$0xFFFFFFF0 ss:$0x1], $0xffff;
	s16 =	sand.u32 $0x380, s27;
	[tilespmem:v0+s18+$0xFFFFFFD0 ss:$0x1] =	vst.idx.msk $0xffff, v58;
	s19 =	smul.u32 $0xC0, s28  }
0x18: {  	s15 =	smul.u32 $0x180000, s15;
	s30 =	sand.u32 $0xFC00, s21;
	s16 =	sor.u32 s16, s29;
	[tilespmem:v0+s18+$0xFFFFFFE0 ss:$0x1] =	vst.idx.msk $0xffff, v59  }
0x19: {  	s31 =	sand.u32 $0x7, s14;
	s16 =	sor.u32 s30, s16;
	[tilespmem:v0+s18+$0xFFFFFFF0 ss:$0x1] =	vst.idx.msk $0xffff, v60;
	s19 =	ssub.s32 s20, s19  }
0x1a: {  	s15 =	sadd.s32 s3, s15;
	s16 =	sshrl.u32 s16, $0x3;
	[tilespmem:v0+s18+$0x0 ss:$0x1] =	vst.idx.msk $0xffff, v61;
	s19 =	sand.u32 $0xFFFF, s19  }
0x1b: {  	s14 =	sshll.u32 s31, $0x12;
	[tilespmem:v0+s18+$0x10 ss:$0x1] =	vst.idx.msk $0xffff, v62;
	s15 =	sadd.s32 s16, s15;
	s19 =	sshll.u32 s19, $0xD  }
0x1c: {  	s14 =	sor.u32 $0x400, s14;
	[tilespmem:v0+s18+$0x20 ss:$0x1] =	vst.idx.msk $0xffff, v63;
	s15 =	sadd.s32 s19, s15  }
0x1d: {  	[hbm4b:s15+s14] =	stream.strided.scatter [tilespmem:s17], [sflag:$0x2], $0x2000, s8, s14, $0x38;
	[tilespmem:$0x8000] =	vst v63  }
.LBB1_5:
0x1e: {  	s17 =	sadd.s32 $0x1000, s10  }
0x1f: {  	s14 =	simm.s32 $0x1;
	p1 =	sgt.s32 s17, $0xFFFF  }
0x20: {  	s14 =	simm.s32 @!p1 $0x0  }
0x21: {  	s18 =	sadd.s32 s14, s11  }
0x22: {  	s20 =	smov.u32 s12;
	s14 =	sadd.s32 $0x40, s12;
	p2 =	sgt.s32 s18, $0x2  }
0x23: {  	s20 =	smov.u32 @p2 s14  }
0x24: {  	p0 =	slt.u32 s13, $0x2;
	s17 =	smov.u32 @p1 s2;
	p1 =	sgt.s32 s20, $0xBF  }
0x25: {  	s19 =	simm.s32 @!p0 $0x2;
	s20 =	simm.s32 @p1 $0x0;
	p1 =	sne.s32 s13, s7  }
.Ltmp1:
0x26: {  	_ =	swait.ge @!p0 [sflag:s19], $0x2000;
	(pc) =	sbr.rel @!p1 .LBB1_6-.Ltmp1, $4  }
0x27: {  	s15 =	smov.u32 s11;
	[sflag:s19] =	ssyncset.done @!p0 $0x0  }
0x28: {  	s16 =	smov.u32 s12;
	s9 =	sadd.s32 $0x2000, s9;
	[sflag:s19] =	ssyncadd.s32 @!p0 $0xFFFFE000  }
0x29: {  	s18 =	simm.s32 @p2 $0x0;
	s14 =	smov.u32 s10;
	s10 =	smov.u32 s17  }
0x2a: {  	s11 =	smov.u32 s18;
	s13 =	sadd.s32 $0x1, s13;
	s12 =	smov.u32 s20  }
.LBB1_1:
0x2b: {  	p0 =	sge.u32 s13, s5  }
0x2c: {  	s17 =	sshll.u32 @!p0 s11, $0x7  }
0x2d: {  	s18 =	sand.u32 @!p0 $0x78, s10;
	s19 =	sshll.u32 @!p0 s10, $0x2;
	s17 =	sand.u32 @!p0 $0x180, s17  }
0x2e: {  	s31 =	sadd.s32 $0xFFFFFFFF, s13;
	s19 =	sand.u32 @!p0 $0xFE00, s19;
	s17 =	sor.u32 @!p0 s17, s18  }
0x2f: {  	s18 =	sshll.u32 @!p0 s12, $0xF;
	s17 =	sor.u32 @!p0 s19, s17;
	s19 =	sshrl.u32 @!p0 s10, $0x1  }
0x30: {  	s20 =	sxor.u32 @!p0 $0xFFFFFFFF, s13;
	s18 =	sadd.s32 @!p0 s6, s18;
	s19 =	sand.u32 @!p0 $0x6000, s19  }
0x31: {  	s20 =	sshll.u32 @!p0 s20, $0xD;
	s18 =	sadd.s32 @!p0 s19, s18;
	s19 =	sand.u32 @!p0 $0x7, s10  }
0x32: {  	s20 =	sand.u32 @!p0 $0x2000, s20;
	s17 =	sshrl.u32 @!p0 s17, $0x3;
	s19 =	sshll.u32 @!p0 s19, $0x12  }
0x33: {  	s17 =	sadd.s32 @!p0 s17, s18;
	s18 =	sor.u32 @!p0 $0x80, s19;
	s19 =	simm.s32 @!p0 $0x40000  }
0x34: {  	[tilespmem:s20], [sflag:$0x1] =	stream.strided.gather @!p0 [hbm4b:s17+s18], $0x2000, s19, s18, $0x38;
	[tilespmem:$0x8000] =	vst v63  }
0x35: {  	p0 =	sge.u32 s31, s5  }
.Ltmp2:
0x36: {  	_ = 	snop;
	(pc) =	sbr.rel @p0 .LBB1_5-.Ltmp2, $1  }
0x37: {  	_ =	sdelay $0x3  }
0x38: {  	s17 =	sand.u32 $0x2000, s9  }
0x39: {  	s18 =	sor.u32 $0x70, s17  }
0x3a: {  	v1 =	vmov s18;
	_ =	sdelay $0x1  }
0x3b: {  	_ =	swait.ge [sflag:s4], $0x2000  }
0x3c: {  	[sflag:s4] =	ssyncset.done $0x0  }
0x3d: {  	s19 =	simm.s32 $0x0;
	[sflag:s4] =	ssyncadd.s32 $0xFFFFE000  }
0x3e: {  	s17 =	sor.u32 $0x4040, s17;
	v7 =	vld.idx.msk [tilespmem:v1+s19+$0x0 ss:$0x1], $0xffff  }
0x3f: {  	v0 =	vmov s17;
	v8 =	vld.idx.msk [tilespmem:v1+s19+$0xFFFFFF90 ss:$0x1], $0xffff  }
0x40: {  	v6 =	vld.idx.msk [tilespmem:v1+s19+$0xFFFFFFA0 ss:$0x1], $0xffff  }
0x41: {  	v5 =	vld.idx.msk [tilespmem:v1+s19+$0xFFFFFFB0 ss:$0x1], $0xffff  }
0x42: {  	v4 =	vld.idx.msk [tilespmem:v1+s19+$0xFFFFFFC0 ss:$0x1], $0xffff  }
0x43: {  	s31 =	sshll.u32 s13, $0xD;
	v2 =	vld.idx.msk [tilespmem:v1+s19+$0xFFFFFFD0 ss:$0x1], $0xffff  }
0x44: {  	s17 =	sand.u32 $0x2000, s31;
	v3 =	vld.idx.msk [tilespmem:v1+s19+$0xFFFFFFE0 ss:$0x1], $0xffff;
	[tilespmem:v0+s19+$0x30 ss:$0x1] =	vst.idx.msk $0xffff, v7  }
0x45: {  	s20 =	simm.s32 $0x400;
	s18 =	simm.s32 $0x80;
	s17 =	sor.u32 $0x4000, s17;
	[tilespmem:v0+s19+$0xFFFFFFC0 ss:$0x1] =	vst.idx.msk $0xffff, v8;
	v7 =	vld.idx.msk [tilespmem:v1+s19+$0xFFFFFFF0 ss:$0x1], $0xffff  }
.LBB1_3:
0x46: {  	p0 =	sne.s32 s20, $0x7E00;
	v8 =	vld.idx.msk [tilespmem:v1+s18+$0x0 ss:$0x1], $0xffff;
	[tilespmem:v0+s19+$0xFFFFFFD0 ss:$0x1] =	vst.idx.msk $0xffff, v6  }
0x47: {  	v9 =	vld.idx.msk [tilespmem:v1+s18+$0xFFFFFF90 ss:$0x1], $0xffff;
	[tilespmem:v0+s19+$0xFFFFFFE0 ss:$0x1] =	vst.idx.msk $0xffff, v5  }
0x48: {  	v6 =	vld.idx.msk [tilespmem:v1+s18+$0xFFFFFFA0 ss:$0x1], $0xffff;
	[tilespmem:v0+s19+$0xFFFFFFF0 ss:$0x1] =	vst.idx.msk $0xffff, v4  }
.Ltmp3:
0x49: {  	v5 =	vld.idx.msk [tilespmem:v1+s18+$0xFFFFFFB0 ss:$0x1], $0xffff;
	[tilespmem:v0+s19+$0x0 ss:$0x1] =	vst.idx.msk $0xffff, v2;
	(pc) =	sbr.rel @p0 .LBB1_3-.Ltmp3, $4  }
0x4a: {  	v4 =	vld.idx.msk [tilespmem:v1+s18+$0xFFFFFFC0 ss:$0x1], $0xffff;
	[tilespmem:v0+s19+$0x10 ss:$0x1] =	vst.idx.msk $0xffff, v3  }
0x4b: {  	v2 =	vld.idx.msk [tilespmem:v1+s18+$0xFFFFFFD0 ss:$0x1], $0xffff;
	[tilespmem:v0+s19+$0x20 ss:$0x1] =	vst.idx.msk $0xffff, v7;
	s19 =	smov.u32 s18  }
0x4c: {  	v3 =	vld.idx.msk [tilespmem:v1+s19+$0xFFFFFFE0 ss:$0x1], $0xffff;
	[tilespmem:v0+s19+$0x30 ss:$0x1] =	vst.idx.msk $0xffff, v8  }
0x4d: {  	s18 =	sshra.s32 s20, $0x2;
	s20 =	sadd.s32 $0x200, s20;
	[tilespmem:v0+s19+$0xFFFFFFC0 ss:$0x1] =	vst.idx.msk $0xffff, v9;
	v7 =	vld.idx.msk [tilespmem:v1+s19+$0xFFFFFFF0 ss:$0x1], $0xffff  }
.Ltmp4:
0x4e: {  	_ = 	snop;
	(pc) =	sbr.rel .LBB1_4-.Ltmp4, $1  }
0x4f: {  	_ =	sdelay $0x3  }
.LBB1_6:
0x50: {  	_ =	sfence.sel $0x180000  }
0x51: {  	s2 =	simm.s32 $0x1;
	[bflag:$0x0] =	sbarrier.arrive $0xFFFF  }
0x52: {  	s31 =	simm.s32 $0x2;
	[sflag:s2] =	ssyncpa.u1 $0x1  }
0x53: {  	[sflag:s31] =	ssyncpa.u1 $0x1  }
0x54: {  	p0 =	sne.s32 s0, $0x0;
	_ =	strace $0x90000047  }
0x55: {  	s0 =	sadd.s32 @!p0 $0x100000, s1;
	[bflag:$0x2] =	sbarrier.arrive $0xFFFF  }
0x56: {  	[sflag:s0] =	ssyncadd.tile.s32 @!p0 $0x1;
	_ =	shalt  }
.Lfunc_end1:
_tile_overlayer_lowered:
.L_overlay_start_2:
0x57: {  	(tag) =	ssettag $0x2  }
0x58: {  	s0 =	rddreg [dreg:$0x0];
	s2 =	stileid.u32  }
0x59: {  	s1 =	rddreg [dreg:$0x1];
	p0 =	sne.s32 s2, $0x0  }
0x5a: {  	s3 =	rddreg [dreg:$0x2];
	[bflag:$0x3] =	sbarrier.arrive $0xFFFF;
	s2 =	simm.s32 @!p0 $0x1C01  }
0x5b: {  	[timem:s3], [sflag:s2] =	dma.local @!p0 [hbm:s0], s1  }
0x5c: {  	s0 =	simm.s32 @!p0 $0x1  }
0x5d: {  	_ =	swait.ge @!p0 [sflag:s0], s1  }
0x5e: {  	s1 =	ssub.s32 @!p0 $0x0, s1;
	[sflag:s0] =	ssyncset.done @!p0 $0x0  }
0x5f: {  	[sflag:s0] =	ssyncadd.s32 @!p0 s1  }
0x60: {  	[bflag:$0x3] =	sbarrier.arrive $0xFFFF  }
0x61: {  	_ =	shalt  }

</sc_bundles>
